<compile_context>
chip_gen: v7x
topology: tpu7x:2x2x1
jax: 0.10.2.dev20260603
libtpu: 0.0.44.dev20260713+nightly
codegen_flags: <defaults>
</compile_context>

<pallas_src>
import functools

import jax
import jax.numpy as jnp
from jax import lax
from jax.experimental import pallas as pl
from jax.experimental.pallas import tpu as pltpu
from jax.experimental.pallas import tpu_sc as plsc

_K = 16
_ITERS = 3


def _kmedoids_body(x_ref, w_ref, xt_ref, ctr_ref, xt3_ref, d_ref):
    xb = x_ref[0]
    wb = w_ref[0]
    F, S = xb.shape
    k = _K
    G = F // 8
    CH = 64

    w_tok = jnp.mean(wb, axis=0, keepdims=True)

    for g in range(G):
        t = xb[8 * g : 8 * g + 8, :].T
        xt3_ref[g] = t
        xt_ref[0, :, 8 * g : 8 * g + 8] = t

    H = S // 2

    def ci_top_body(ci, _):
        acc0 = jnp.zeros((CH, S), jnp.float32)
        acc1 = jnp.zeros((CH, S), jnp.float32)
        for g in range(G):
            xg = x_ref[0, 8 * g : 8 * g + 8, :]
            xtc = xt3_ref[g, pl.ds(ci * CH, CH), :]
            for u in range(0, 8, 2):
                acc0 = acc0 + jnp.minimum(xtc[:, u : u + 1], xg[u : u + 1, :])
                acc1 = acc1 + jnp.minimum(
                    xtc[:, u + 1 : u + 2], xg[u + 1 : u + 2, :]
                )
        d_ref[pl.ds(ci * CH, CH), :] = acc0 + acc1
        return 0

    lax.fori_loop(0, H // CH, ci_top_body, 0)

    def ci_bot_body(ci, _):
        acc0 = jnp.zeros((CH, H), jnp.float32)
        acc1 = jnp.zeros((CH, H), jnp.float32)
        for g in range(G):
            xg = x_ref[0, 8 * g : 8 * g + 8, H:]
            xtc = xt3_ref[g, pl.ds(H + ci * CH, CH), :]
            for u in range(0, 8, 2):
                acc0 = acc0 + jnp.minimum(xtc[:, u : u + 1], xg[u : u + 1, :])
                acc1 = acc1 + jnp.minimum(
                    xtc[:, u + 1 : u + 2], xg[u + 1 : u + 2, :]
                )
        d_ref[pl.ds(H + ci * CH, CH), H:] = acc0 + acc1
        return 0

    lax.fori_loop(0, H // CH, ci_bot_body, 0)

    d_ref[H:, :H] = d_ref[:H, H:].T

    s_row = jnp.sum(xb, axis=0, keepdims=True)
    s_col = s_row.T
    d_ref[...] = s_col + s_row - 2.0 * d_ref[...]

    k_iota = lax.broadcasted_iota(jnp.int32, (1, k), 1)
    w_row = w_tok
    w_colv = w_tok.T
    lane_iota2 = lax.broadcasted_iota(jnp.int32, (S, S), 1)
    sub_iota2 = lax.broadcasted_iota(jnp.int32, (S, S), 0)
    beats = jnp.logical_or(
        w_row > w_colv,
        jnp.logical_and(w_row == w_colv, lane_iota2 < sub_iota2),
    ).astype(jnp.float32)
    rank_col = lax.dot(
        beats, jnp.ones((S, 1), jnp.float32), preferred_element_type=jnp.float32
    )
    onehot_rank = (rank_col == k_iota.astype(jnp.float32)).astype(
        jnp.float32
    )
    iota_row_s = lax.broadcasted_iota(jnp.int32, (1, S), 1).astype(jnp.float32)
    ctr = lax.dot(
        iota_row_s, onehot_rank, preferred_element_type=jnp.float32
    ).astype(jnp.int32)

    s_iota_col = lax.broadcasted_iota(jnp.int32, (S, 1), 0)
    k_iota_row = lax.broadcasted_iota(jnp.int32, (S, k), 1)
    s_iota_sk = lax.broadcasted_iota(jnp.int32, (S, k), 0)
    w_col = w_tok.T

    def iter_body(_, ctr):
        d = d_ref[...]
        oh_ctr = (s_iota_col == ctr).astype(jnp.float32)
        i2c = lax.dot(
            d,
            oh_ctr,
            precision=lax.Precision.HIGHEST,
            preferred_element_type=jnp.float32,
        )
        mn = jnp.min(i2c, axis=1, keepdims=True)
        assign = jnp.min(
            jnp.where(i2c == mn, k_iota_row, k), axis=1, keepdims=True
        )
        oh_a = (assign == k_iota_row).astype(jnp.float32)
        cost = lax.dot(
            d, oh_a * w_col, preferred_element_type=jnp.float32
        )
        cost = jnp.where(oh_a > 0, cost, jnp.inf)
        mnc = jnp.min(cost, axis=0, keepdims=True)
        ctr = jnp.min(
            jnp.where(cost == mnc, s_iota_sk, S), axis=0, keepdims=True
        )
        return ctr

    ctr = lax.fori_loop(0, _ITERS, iter_body, ctr)

    b = pl.program_id(0)
    ctr_ref[0] = ctr + b * S


def _make_sc_gather(n_rows, feat, rows_per_worker):
    n_workers = n_rows // rows_per_worker
    mesh = plsc.VectorSubcoreMesh(core_axis_name="c", subcore_axis_name="s")

    @functools.partial(
        pl.kernel,
        mesh=mesh,
        out_type=jax.ShapeDtypeStruct((n_rows, feat), jnp.float32),
        scratch_types=[
            pltpu.VMEM((rows_per_worker,), jnp.int32),
            pltpu.VMEM((rows_per_worker, feat), jnp.float32),
            pltpu.SemaphoreType.DMA,
        ],
    )
    def sc_gather(table_hbm, idx_hbm, out_hbm, idx_v, rows_v, sem):
        wid = lax.axis_index("s") * 2 + lax.axis_index("c")

        @pl.when(wid < n_workers)
        def _():
            base = wid * rows_per_worker
            pltpu.sync_copy(idx_hbm.at[pl.ds(base, rows_per_worker)], idx_v)
            pltpu.async_copy(table_hbm.at[idx_v], rows_v, sem).wait()
            pltpu.sync_copy(rows_v, out_hbm.at[pl.ds(base, rows_per_worker)])

    return sc_gather


@jax.jit
def kernel(x, w):
    B, F, S = x.shape
    k = _K
    if k >= S:
        return x
    xt, ctrg = pl.pallas_call(
        _kmedoids_body,
        grid=(B,),
        in_specs=[
            pl.BlockSpec((1, F, S), lambda b: (b, 0, 0)),
            pl.BlockSpec((1, S, S), lambda b: (b, 0, 0)),
        ],
        out_specs=[
            pl.BlockSpec((1, S, F), lambda b: (b, 0, 0)),
            pl.BlockSpec((1, 1, k), lambda b: (b, 0, 0)),
        ],
        out_shape=[
            jax.ShapeDtypeStruct((B, S, F), jnp.float32),
            jax.ShapeDtypeStruct((B, 1, k), jnp.int32),
        ],
        scratch_shapes=[
            pltpu.VMEM((F // 8, S, 8), jnp.float32),
            pltpu.VMEM((S, S), jnp.float32),
        ],
    )(x, w)
    gather = _make_sc_gather(B * k, F, 16)
    out_t = gather(xt.reshape(B * S, F), ctrg.reshape(B * k))
    return jnp.swapaxes(out_t.reshape(B, k, F), 1, 2)

# --- scband reference (transcript-rebuilt; emitter-appended) ---
"""Pipeline reference for scband-attn-weighted-kmedoids-pool-66082366816344 (READ-ONLY COPY).

The authoritative reference and input builder live on the scoring server;
editing this copy changes nothing except your own understanding.
"""

import jax, jax.numpy as jnp
import numpy as np

K_MEDOIDS = 16
ITERS = 3


def setup_inputs(seed: int = 0) -> dict:
    key = jax.random.key(seed)
    k1, k2 = jax.random.split(key)
    x = jax.random.normal(k1, (4, 128, 256), dtype=jnp.float32)
    w = jax.random.uniform(k2, (4, 256, 256), dtype=jnp.float32)
    return {"x": x, "w": w}


def _token_dist_l1(x):
    # x: [B, F, S] -> d: [B, S, S], d[b,i,j] = ||x[b,:,i] - x[b,:,j]||_1
    return jnp.sum(jnp.abs(x[:, :, :, None] - x[:, :, None, :]), axis=1)


def reference(x, w):
    k = K_MEDOIDS
    iters = ITERS
    B, F, S = x.shape
    if k >= S:
        return x
    # mean attention weight received by each token
    w_tok = jnp.mean(w, axis=1)  # [B, S]
    d = _token_dist_l1(x)  # [B, S, S]
    # initial medoids: top-k attention tokens
    _, ctr_idx = jax.lax.top_k(w_tok, k)  # [B, k]
    for _ in range(iters):
        # distance from every token to each current medoid
        i_to_ctr = jnp.take_along_axis(d, ctr_idx[:, None, :], axis=2)  # [B, S, k]
        assignment = jnp.argmin(i_to_ctr, axis=2)  # [B, S]
        onehot = jax.nn.one_hot(assignment, k, dtype=d.dtype)  # [B, S, k]
        # cost[b, i, c] = sum_{j in cluster c} d[b, i, j] * w_tok[b, j]
        cost = jnp.einsum('bij,bj,bjc->bic', d, w_tok, onehot)  # [B, S, k]
        # only tokens inside cluster c are valid medoid candidates
        cost = jnp.where(onehot > 0, cost, jnp.inf)
        ctr_idx = jnp.argmin(cost, axis=1)  # [B, k]
    gather_idx = jnp.broadcast_to(ctr_idx[:, None, :], (B, F, k))
    out = jnp.take_along_axis(x, gather_idx, axis=2)  # [B, F, k]
    return out

if __name__ == "__main__":
    import jax
    _d = setup_inputs()
    print(jax.jit(kernel)(*tuple(_d.values())))

</pallas_src>

<mosaic_0001>
#map = affine_map<(d0, d1) -> (0, 0)>
#map1 = affine_map<(d0, d1) -> (0)>
module attributes {stable_mosaic.version = 14 : i64} {
  func.func @sc_gather(%arg0: i32, %arg1: i32, %arg2: memref<1024x128xf32, #tpu.memory_space<hbm>>, %arg3: memref<64xi32, #tpu.memory_space<hbm>>, %arg4: memref<64x128xf32, #tpu.memory_space<hbm>>, %arg5: memref<16xi32, #tpu.memory_space<vmem>>, %arg6: memref<16x128xf32, #tpu.memory_space<vmem>>, %arg7: memref<!tpu.dma_semaphore, #tpu.memory_space<semaphore_mem>>) attributes {dimension_semantics = [#tpu.dimension_semantics<core_parallel>, #tpu.dimension_semantics<subcore_parallel>], iteration_bounds = array<i64: 2, 16>, scalar_prefetch = 0 : i64, scratch_operands = 3 : i64, tpu.core_type = #tpu.core_type<sc_vector_subcore>, window_params = [{transform_indices = #map}, {transform_indices = #map1}, {transform_indices = #map}]} {
    %mul3A = arith.constant 2 : i32
    %mul3A_0 = arith.muli %arg1, %mul3A : i32
    %add3A = arith.addi %mul3A_0, %arg0 : i32
    %lt3A = arith.constant 4 : i32
    %lt3A_1 = arith.cmpi slt, %add3A, %lt3A : i32
    %convert_element_type3A = arith.extui %lt3A_1 : i1 to i32
    %cond3A = arith.constant 0 : i32
    %cond3A_2 = arith.cmpi ne, %convert_element_type3A, %cond3A : i32
    scf.if %cond3A_2 {
      %mul3A_3 = arith.constant 16 : i32
      %mul3A_4 = arith.muli %add3A, %mul3A_3 : i32
      "tpu.region"() ({
        %run_scoped3A = tpu.sem_alloc : memref<!tpu.dma_semaphore, #tpu.memory_space<semaphore_mem>>
        %dma_start3A_9 = tpu.memref_slice %arg3[%mul3A_4] : memref<64xi32, #tpu.memory_space<hbm>> -> memref<16xi32, #tpu.memory_space<hbm>>
        %dma_start3A_10 = tpu.memref_slice %arg3[%mul3A_4] : memref<64xi32, #tpu.memory_space<hbm>> -> memref<16xi32, #tpu.memory_space<hbm>>
        tpu.enqueue_dma source(%dma_start3A_10 : memref<16xi32, #tpu.memory_space<hbm>>) target(%arg5 : memref<16xi32, #tpu.memory_space<vmem>>) target_semaphore(%run_scoped3A : memref<!tpu.dma_semaphore, #tpu.memory_space<semaphore_mem>>)
        %dma_wait3A_11 = tpu.memref_slice %arg3[%mul3A_4] : memref<64xi32, #tpu.memory_space<hbm>> -> memref<16xi32, #tpu.memory_space<hbm>>
        %dma_wait3A_12 = tpu.memref_slice %arg3[%mul3A_4] : memref<64xi32, #tpu.memory_space<hbm>> -> memref<16xi32, #tpu.memory_space<hbm>>
        tpu.wait_dma2 semaphore(%run_scoped3A : memref<!tpu.dma_semaphore, #tpu.memory_space<semaphore_mem>>) src(%dma_wait3A_12 : memref<16xi32, #tpu.memory_space<hbm>>) dst(%arg5 : memref<16xi32, #tpu.memory_space<vmem>>)
        tpu.yield
      }) : () -> ()
      %dma_start3A = arith.constant 0 : i32
      %dma_start3A_5 = arith.constant 0 : i32
      %dma_start3A_6 = tpu.memref_slice %arg2[%dma_start3A, %dma_start3A_5] : memref<1024x128xf32, #tpu.memory_space<hbm>> -> memref<1024x128xf32, #tpu.memory_space<hbm>>
      tpu.enqueue_indirect_dma source(%dma_start3A_6 : memref<1024x128xf32, #tpu.memory_space<hbm>>) target(%arg6 : memref<16x128xf32, #tpu.memory_space<vmem>>) offsets(%arg5 : memref<16xi32, #tpu.memory_space<vmem>>) semaphore(%arg7 : memref<!tpu.dma_semaphore, #tpu.memory_space<semaphore_mem>>)
      %dma_wait3A = arith.constant 0 : i32
      %dma_wait3A_7 = arith.constant 0 : i32
      %dma_wait3A_8 = tpu.memref_slice %arg2[%dma_wait3A, %dma_wait3A_7] : memref<1024x128xf32, #tpu.memory_space<hbm>> -> memref<1024x128xf32, #tpu.memory_space<hbm>>
      tpu.wait_indirect_dma semaphore(%arg7 : memref<!tpu.dma_semaphore, #tpu.memory_space<semaphore_mem>>) src(%dma_wait3A_8 : memref<1024x128xf32, #tpu.memory_space<hbm>>) dst(%arg6 : memref<16x128xf32, #tpu.memory_space<vmem>>)
      "tpu.region"() ({
        %run_scoped3A = tpu.sem_alloc : memref<!tpu.dma_semaphore, #tpu.memory_space<semaphore_mem>>
        %dma_start3A_9 = arith.constant 0 : i32
        %dma_start3A_10 = tpu.memref_slice %arg4[%mul3A_4, %dma_start3A_9] : memref<64x128xf32, #tpu.memory_space<hbm>> -> memref<16x128xf32, #tpu.memory_space<hbm>>
        %dma_start3A_11 = arith.constant 0 : i32
        %dma_start3A_12 = tpu.memref_slice %arg4[%mul3A_4, %dma_start3A_11] : memref<64x128xf32, #tpu.memory_space<hbm>> -> memref<16x128xf32, #tpu.memory_space<hbm>>
        tpu.enqueue_dma source(%arg6 : memref<16x128xf32, #tpu.memory_space<vmem>>) target(%dma_start3A_12 : memref<16x128xf32, #tpu.memory_space<hbm>>) target_semaphore(%run_scoped3A : memref<!tpu.dma_semaphore, #tpu.memory_space<semaphore_mem>>)
        %dma_wait3A_13 = arith.constant 0 : i32
        %dma_wait3A_14 = tpu.memref_slice %arg4[%mul3A_4, %dma_wait3A_13] : memref<64x128xf32, #tpu.memory_space<hbm>> -> memref<16x128xf32, #tpu.memory_space<hbm>>
        %dma_wait3A_15 = arith.constant 0 : i32
        %dma_wait3A_16 = tpu.memref_slice %arg4[%mul3A_4, %dma_wait3A_15] : memref<64x128xf32, #tpu.memory_space<hbm>> -> memref<16x128xf32, #tpu.memory_space<hbm>>
        tpu.wait_dma2 semaphore(%run_scoped3A : memref<!tpu.dma_semaphore, #tpu.memory_space<semaphore_mem>>) src(%arg6 : memref<16x128xf32, #tpu.memory_space<vmem>>) dst(%dma_wait3A_16 : memref<16x128xf32, #tpu.memory_space<hbm>>)
        tpu.yield
      }) : () -> ()
    } else {
    }
    return
  }
}

module attributes {stable_mosaic.version = 14 : i64} {
  func.func @_kmedoids_body(%arg0: i32, %arg1: memref<1x128x256xf32, #tpu.memory_space<vmem>>, %arg2: memref<1x256x256xf32, #tpu.memory_space<vmem>>, %arg3: memref<1x256x128xf32, #tpu.memory_space<vmem>>, %arg4: memref<1x1x16xi32, #tpu.memory_space<vmem>>, %arg5: memref<16x256x8xf32, #tpu.memory_space<vmem>>, %arg6: memref<256x256xf32, #tpu.memory_space<vmem>>) attributes {dimension_semantics = [#tpu.dimension_semantics<arbitrary>], iteration_bounds = array<i64: 4>, scalar_prefetch = 0 : i64, scratch_operands = 2 : i64, tpu.core_type = #tpu.core_type<tc>, window_params = [{transform_indices = @transform_0, window_bounds = array<i64: 1, 128, 256>}, {transform_indices = @transform_1, window_bounds = array<i64: 1, 256, 256>}, {transform_indices = @transform_2, window_bounds = array<i64: 1, 256, 128>}, {transform_indices = @transform_3, window_bounds = array<i64: 1, 1, 16>}]} {
    %get3A = arith.constant 0 : index
    %get3A_0 = arith.constant 0 : index
    %get3A_1 = arith.constant 0 : index
    %get3A_2 = vector.load %arg1[%get3A, %get3A_0, %get3A_1] : memref<1x128x256xf32, #tpu.memory_space<vmem>>, vector<1x128x256xf32>
    %get3A_3 = vector.shape_cast %get3A_2 : vector<1x128x256xf32> to vector<128x256xf32>
    %get3A_4 = arith.constant 0 : index
    %get3A_5 = arith.constant 0 : index
    %get3A_6 = arith.constant 0 : index
    %get3A_7 = vector.load %arg2[%get3A_4, %get3A_5, %get3A_6] : memref<1x256x256xf32, #tpu.memory_space<vmem>>, vector<1x256x256xf32>
    %get3A_8 = vector.shape_cast %get3A_7 : vector<1x256x256xf32> to vector<256x256xf32>
    %reduce_sum3A = arith.constant dense<0.000000e+00> : vector<256xf32>
    %reduce_sum3A_9 = vector.multi_reduction <add>, %get3A_8, %reduce_sum3A [0] : vector<256x256xf32> to vector<256xf32>
    %broadcast_in_dim3A = vector.shape_cast %reduce_sum3A_9 : vector<256xf32> to vector<1x256xf32>
    %div3A = arith.constant 2.560000e+02 : f32
    %div3A_10 = vector.broadcast %div3A : f32 to vector<1x256xf32>
    %div3A_11 = arith.divf %broadcast_in_dim3A, %div3A_10 : vector<1x256xf32>
    %slice3A = vector.extract_strided_slice %get3A_3 {offsets = [0, 0], sizes = [8, 256], strides = [1, 1]} : vector<128x256xf32> to vector<8x256xf32>
    %transpose3A = tpu.transpose %slice3A, [1, 0] : vector<8x256xf32> -> vector<256x8xf32>
    %swap3A = arith.constant 0 : index
    %swap3A_12 = arith.constant 0 : index
    %swap3A_13 = arith.constant 0 : index
    %swap3A_14 = vector.load %arg5[%swap3A, %swap3A_12, %swap3A_13] : memref<16x256x8xf32, #tpu.memory_space<vmem>>, vector<1x256x8xf32>
    %swap3A_15 = vector.shape_cast %swap3A_14 : vector<1x256x8xf32> to vector<256x8xf32>
    %swap3A_16 = vector.shape_cast %transpose3A : vector<256x8xf32> to vector<1x256x8xf32>
    tpu.vector_store %arg5[%swap3A, %swap3A_12, %swap3A_13], %swap3A_16 {strides = array<i32>} : memref<16x256x8xf32, #tpu.memory_space<vmem>>, vector<1x256x8xf32>,
    %swap3A_17 = arith.constant 0 : index
    %swap3A_18 = arith.constant 0 : index
    %swap3A_19 = arith.constant 0 : index
    %swap3A_20 = vector.load %arg3[%swap3A_17, %swap3A_18, %swap3A_19] : memref<1x256x128xf32, #tpu.memory_space<vmem>>, vector<1x256x8xf32>
    %swap3A_21 = vector.shape_cast %swap3A_20 : vector<1x256x8xf32> to vector<256x8xf32>
    %swap3A_22 = vector.shape_cast %transpose3A : vector<256x8xf32> to vector<1x256x8xf32>
    tpu.vector_store %arg3[%swap3A_17, %swap3A_18, %swap3A_19], %swap3A_22 {strides = array<i32>} : memref<1x256x128xf32, #tpu.memory_space<vmem>>, vector<1x256x8xf32>,
    %slice3A_23 = vector.extract_strided_slice %get3A_3 {offsets = [8, 0], sizes = [8, 256], strides = [1, 1]} : vector<128x256xf32> to vector<8x256xf32>
    %transpose3A_24 = tpu.transpose %slice3A_23, [1, 0] : vector<8x256xf32> -> vector<256x8xf32>
    %swap3A_25 = arith.constant 1 : index
    %swap3A_26 = arith.constant 0 : index
    %swap3A_27 = arith.constant 0 : index
    %swap3A_28 = vector.load %arg5[%swap3A_25, %swap3A_26, %swap3A_27] : memref<16x256x8xf32, #tpu.memory_space<vmem>>, vector<1x256x8xf32>
    %swap3A_29 = vector.shape_cast %swap3A_28 : vector<1x256x8xf32> to vector<256x8xf32>
    %swap3A_30 = vector.shape_cast %transpose3A_24 : vector<256x8xf32> to vector<1x256x8xf32>
    tpu.vector_store %arg5[%swap3A_25, %swap3A_26, %swap3A_27], %swap3A_30 {strides = array<i32>} : memref<16x256x8xf32, #tpu.memory_space<vmem>>, vector<1x256x8xf32>,
    %swap3A_31 = arith.constant 0 : index
    %swap3A_32 = arith.constant 0 : index
    %swap3A_33 = arith.constant 8 : index
    %swap3A_34 = vector.load %arg3[%swap3A_31, %swap3A_32, %swap3A_33] : memref<1x256x128xf32, #tpu.memory_space<vmem>>, vector<1x256x8xf32>
    %swap3A_35 = vector.shape_cast %swap3A_34 : vector<1x256x8xf32> to vector<256x8xf32>
    %swap3A_36 = vector.shape_cast %transpose3A_24 : vector<256x8xf32> to vector<1x256x8xf32>
    tpu.vector_store %arg3[%swap3A_31, %swap3A_32, %swap3A_33], %swap3A_36 {strides = array<i32>} : memref<1x256x128xf32, #tpu.memory_space<vmem>>, vector<1x256x8xf32>,
    %slice3A_37 = vector.extract_strided_slice %get3A_3 {offsets = [16, 0], sizes = [8, 256], strides = [1, 1]} : vector<128x256xf32> to vector<8x256xf32>
    %transpose3A_38 = tpu.transpose %slice3A_37, [1, 0] : vector<8x256xf32> -> vector<256x8xf32>
    %swap3A_39 = arith.constant 2 : index
    %swap3A_40 = arith.constant 0 : index
    %swap3A_41 = arith.constant 0 : index
    %swap3A_42 = vector.load %arg5[%swap3A_39, %swap3A_40, %swap3A_41] : memref<16x256x8xf32, #tpu.memory_space<vmem>>, vector<1x256x8xf32>
    %swap3A_43 = vector.shape_cast %swap3A_42 : vector<1x256x8xf32> to vector<256x8xf32>
    %swap3A_44 = vector.shape_cast %transpose3A_38 : vector<256x8xf32> to vector<1x256x8xf32>
    tpu.vector_store %arg5[%swap3A_39, %swap3A_40, %swap3A_41], %swap3A_44 {strides = array<i32>} : memref<16x256x8xf32, #tpu.memory_space<vmem>>, vector<1x256x8xf32>,
    %swap3A_45 = arith.constant 0 : index
    %swap3A_46 = arith.constant 0 : index
    %swap3A_47 = arith.constant 16 : index
    %swap3A_48 = vector.load %arg3[%swap3A_45, %swap3A_46, %swap3A_47] : memref<1x256x128xf32, #tpu.memory_space<vmem>>, vector<1x256x8xf32>
    %swap3A_49 = vector.shape_cast %swap3A_48 : vector<1x256x8xf32> to vector<256x8xf32>
    %swap3A_50 = vector.shape_cast %transpose3A_38 : vector<256x8xf32> to vector<1x256x8xf32>
    tpu.vector_store %arg3[%swap3A_45, %swap3A_46, %swap3A_47], %swap3A_50 {strides = array<i32>} : memref<1x256x128xf32, #tpu.memory_space<vmem>>, vector<1x256x8xf32>,
    %slice3A_51 = vector.extract_strided_slice %get3A_3 {offsets = [24, 0], sizes = [8, 256], strides = [1, 1]} : vector<128x256xf32> to vector<8x256xf32>
    %transpose3A_52 = tpu.transpose %slice3A_51, [1, 0] : vector<8x256xf32> -> vector<256x8xf32>
    %swap3A_53 = arith.constant 3 : index
    %swap3A_54 = arith.constant 0 : index
    %swap3A_55 = arith.constant 0 : index
    %swap3A_56 = vector.load %arg5[%swap3A_53, %swap3A_54, %swap3A_55] : memref<16x256x8xf32, #tpu.memory_space<vmem>>, vector<1x256x8xf32>
    %swap3A_57 = vector.shape_cast %swap3A_56 : vector<1x256x8xf32> to vector<256x8xf32>
    %swap3A_58 = vector.shape_cast %transpose3A_52 : vector<256x8xf32> to vector<1x256x8xf32>
    tpu.vector_store %arg5[%swap3A_53, %swap3A_54, %swap3A_55], %swap3A_58 {strides = array<i32>} : memref<16x256x8xf32, #tpu.memory_space<vmem>>, vector<1x256x8xf32>,
    %swap3A_59 = arith.constant 0 : index
    %swap3A_60 = arith.constant 0 : index
    %swap3A_61 = arith.constant 24 : index
    %swap3A_62 = vector.load %arg3[%swap3A_59, %swap3A_60, %swap3A_61] : memref<1x256x128xf32, #tpu.memory_space<vmem>>, vector<1x256x8xf32>
    %swap3A_63 = vector.shape_cast %swap3A_62 : vector<1x256x8xf32> to vector<256x8xf32>
    %swap3A_64 = vector.shape_cast %transpose3A_52 : vector<256x8xf32> to vector<1x256x8xf32>
    tpu.vector_store %arg3[%swap3A_59, %swap3A_60, %swap3A_61], %swap3A_64 {strides = array<i32>} : memref<1x256x128xf32, #tpu.memory_space<vmem>>, vector<1x256x8xf32>,
    %slice3A_65 = vector.extract_strided_slice %get3A_3 {offsets = [32, 0], sizes = [8, 256], strides = [1, 1]} : vector<128x256xf32> to vector<8x256xf32>
    %transpose3A_66 = tpu.transpose %slice3A_65, [1, 0] : vector<8x256xf32> -> vector<256x8xf32>
    %swap3A_67 = arith.constant 4 : index
    %swap3A_68 = arith.constant 0 : index
    %swap3A_69 = arith.constant 0 : index
    %swap3A_70 = vector.load %arg5[%swap3A_67, %swap3A_68, %swap3A_69] : memref<16x256x8xf32, #tpu.memory_space<vmem>>, vector<1x256x8xf32>
    %swap3A_71 = vector.shape_cast %swap3A_70 : vector<1x256x8xf32> to vector<256x8xf32>
    %swap3A_72 = vector.shape_cast %transpose3A_66 : vector<256x8xf32> to vector<1x256x8xf32>
    tpu.vector_store %arg5[%swap3A_67, %swap3A_68, %swap3A_69], %swap3A_72 {strides = array<i32>} : memref<16x256x8xf32, #tpu.memory_space<vmem>>, vector<1x256x8xf32>,
    %swap3A_73 = arith.constant 0 : index
    %swap3A_74 = arith.constant 0 : index
    %swap3A_75 = arith.constant 32 : index
    %swap3A_76 = vector.load %arg3[%swap3A_73, %swap3A_74, %swap3A_75] : memref<1x256x128xf32, #tpu.memory_space<vmem>>, vector<1x256x8xf32>
    %swap3A_77 = vector.shape_cast %swap3A_76 : vector<1x256x8xf32> to vector<256x8xf32>
    %swap3A_78 = vector.shape_cast %transpose3A_66 : vector<256x8xf32> to vector<1x256x8xf32>
    tpu.vector_store %arg3[%swap3A_73, %swap3A_74, %swap3A_75], %swap3A_78 {strides = array<i32>} : memref<1x256x128xf32, #tpu.memory_space<vmem>>, vector<1x256x8xf32>,
    %slice3A_79 = vector.extract_strided_slice %get3A_3 {offsets = [40, 0], sizes = [8, 256], strides = [1, 1]} : vector<128x256xf32> to vector<8x256xf32>
    %transpose3A_80 = tpu.transpose %slice3A_79, [1, 0] : vector<8x256xf32> -> vector<256x8xf32>
    %swap3A_81 = arith.constant 5 : index
    %swap3A_82 = arith.constant 0 : index
    %swap3A_83 = arith.constant 0 : index
    %swap3A_84 = vector.load %arg5[%swap3A_81, %swap3A_82, %swap3A_83] : memref<16x256x8xf32, #tpu.memory_space<vmem>>, vector<1x256x8xf32>
    %swap3A_85 = vector.shape_cast %swap3A_84 : vector<1x256x8xf32> to vector<256x8xf32>
    %swap3A_86 = vector.shape_cast %transpose3A_80 : vector<256x8xf32> to vector<1x256x8xf32>
    tpu.vector_store %arg5[%swap3A_81, %swap3A_82, %swap3A_83], %swap3A_86 {strides = array<i32>} : memref<16x256x8xf32, #tpu.memory_space<vmem>>, vector<1x256x8xf32>,
    %swap3A_87 = arith.constant 0 : index
    %swap3A_88 = arith.constant 0 : index
    %swap3A_89 = arith.constant 40 : index
    %swap3A_90 = vector.load %arg3[%swap3A_87, %swap3A_88, %swap3A_89] : memref<1x256x128xf32, #tpu.memory_space<vmem>>, vector<1x256x8xf32>
    %swap3A_91 = vector.shape_cast %swap3A_90 : vector<1x256x8xf32> to vector<256x8xf32>
    %swap3A_92 = vector.shape_cast %transpose3A_80 : vector<256x8xf32> to vector<1x256x8xf32>
    tpu.vector_store %arg3[%swap3A_87, %swap3A_88, %swap3A_89], %swap3A_92 {strides = array<i32>} : memref<1x256x128xf32, #tpu.memory_space<vmem>>, vector<1x256x8xf32>,
    %slice3A_93 = vector.extract_strided_slice %get3A_3 {offsets = [48, 0], sizes = [8, 256], strides = [1, 1]} : vector<128x256xf32> to vector<8x256xf32>
    %transpose3A_94 = tpu.transpose %slice3A_93, [1, 0] : vector<8x256xf32> -> vector<256x8xf32>
    %swap3A_95 = arith.constant 6 : index
    %swap3A_96 = arith.constant 0 : index
    %swap3A_97 = arith.constant 0 : index
    %swap3A_98 = vector.load %arg5[%swap3A_95, %swap3A_96, %swap3A_97] : memref<16x256x8xf32, #tpu.memory_space<vmem>>, vector<1x256x8xf32>
    %swap3A_99 = vector.shape_cast %swap3A_98 : vector<1x256x8xf32> to vector<256x8xf32>
    %swap3A_100 = vector.shape_cast %transpose3A_94 : vector<256x8xf32> to vector<1x256x8xf32>
    tpu.vector_store %arg5[%swap3A_95, %swap3A_96, %swap3A_97], %swap3A_100 {strides = array<i32>} : memref<16x256x8xf32, #tpu.memory_space<vmem>>, vector<1x256x8xf32>,
    %swap3A_101 = arith.constant 0 : index
    %swap3A_102 = arith.constant 0 : index
    %swap3A_103 = arith.constant 48 : index
    %swap3A_104 = vector.load %arg3[%swap3A_101, %swap3A_102, %swap3A_103] : memref<1x256x128xf32, #tpu.memory_space<vmem>>, vector<1x256x8xf32>
    %swap3A_105 = vector.shape_cast %swap3A_104 : vector<1x256x8xf32> to vector<256x8xf32>
    %swap3A_106 = vector.shape_cast %transpose3A_94 : vector<256x8xf32> to vector<1x256x8xf32>
    tpu.vector_store %arg3[%swap3A_101, %swap3A_102, %swap3A_103], %swap3A_106 {strides = array<i32>} : memref<1x256x128xf32, #tpu.memory_space<vmem>>, vector<1x256x8xf32>,
    %slice3A_107 = vector.extract_strided_slice %get3A_3 {offsets = [56, 0], sizes = [8, 256], strides = [1, 1]} : vector<128x256xf32> to vector<8x256xf32>
    %transpose3A_108 = tpu.transpose %slice3A_107, [1, 0] : vector<8x256xf32> -> vector<256x8xf32>
    %swap3A_109 = arith.constant 7 : index
    %swap3A_110 = arith.constant 0 : index
    %swap3A_111 = arith.constant 0 : index
    %swap3A_112 = vector.load %arg5[%swap3A_109, %swap3A_110, %swap3A_111] : memref<16x256x8xf32, #tpu.memory_space<vmem>>, vector<1x256x8xf32>
    %swap3A_113 = vector.shape_cast %swap3A_112 : vector<1x256x8xf32> to vector<256x8xf32>
    %swap3A_114 = vector.shape_cast %transpose3A_108 : vector<256x8xf32> to vector<1x256x8xf32>
    tpu.vector_store %arg5[%swap3A_109, %swap3A_110, %swap3A_111], %swap3A_114 {strides = array<i32>} : memref<16x256x8xf32, #tpu.memory_space<vmem>>, vector<1x256x8xf32>,
    %swap3A_115 = arith.constant 0 : index
    %swap3A_116 = arith.constant 0 : index
    %swap3A_117 = arith.constant 56 : index
    %swap3A_118 = vector.load %arg3[%swap3A_115, %swap3A_116, %swap3A_117] : memref<1x256x128xf32, #tpu.memory_space<vmem>>, vector<1x256x8xf32>
    %swap3A_119 = vector.shape_cast %swap3A_118 : vector<1x256x8xf32> to vector<256x8xf32>
    %swap3A_120 = vector.shape_cast %transpose3A_108 : vector<256x8xf32> to vector<1x256x8xf32>
    tpu.vector_store %arg3[%swap3A_115, %swap3A_116, %swap3A_117], %swap3A_120 {strides = array<i32>} : memref<1x256x128xf32, #tpu.memory_space<vmem>>, vector<1x256x8xf32>,
    %slice3A_121 = vector.extract_strided_slice %get3A_3 {offsets = [64, 0], sizes = [8, 256], strides = [1, 1]} : vector<128x256xf32> to vector<8x256xf32>
    %transpose3A_122 = tpu.transpose %slice3A_121, [1, 0] : vector<8x256xf32> -> vector<256x8xf32>
    %swap3A_123 = arith.constant 8 : index
    %swap3A_124 = arith.constant 0 : index
    %swap3A_125 = arith.constant 0 : index
    %swap3A_126 = vector.load %arg5[%swap3A_123, %swap3A_124, %swap3A_125] : memref<16x256x8xf32, #tpu.memory_space<vmem>>, vector<1x256x8xf32>
    %swap3A_127 = vector.shape_cast %swap3A_126 : vector<1x256x8xf32> to vector<256x8xf32>
    %swap3A_128 = vector.shape_cast %transpose3A_122 : vector<256x8xf32> to vector<1x256x8xf32>
    tpu.vector_store %arg5[%swap3A_123, %swap3A_124, %swap3A_125], %swap3A_128 {strides = array<i32>} : memref<16x256x8xf32, #tpu.memory_space<vmem>>, vector<1x256x8xf32>,
    %swap3A_129 = arith.constant 0 : index
    %swap3A_130 = arith.constant 0 : index
    %swap3A_131 = arith.constant 64 : index
    %swap3A_132 = vector.load %arg3[%swap3A_129, %swap3A_130, %swap3A_131] : memref<1x256x128xf32, #tpu.memory_space<vmem>>, vector<1x256x8xf32>
    %swap3A_133 = vector.shape_cast %swap3A_132 : vector<1x256x8xf32> to vector<256x8xf32>
    %swap3A_134 = vector.shape_cast %transpose3A_122 : vector<256x8xf32> to vector<1x256x8xf32>
    tpu.vector_store %arg3[%swap3A_129, %swap3A_130, %swap3A_131], %swap3A_134 {strides = array<i32>} : memref<1x256x128xf32, #tpu.memory_space<vmem>>, vector<1x256x8xf32>,
    %slice3A_135 = vector.extract_strided_slice %get3A_3 {offsets = [72, 0], sizes = [8, 256], strides = [1, 1]} : vector<128x256xf32> to vector<8x256xf32>
    %transpose3A_136 = tpu.transpose %slice3A_135, [1, 0] : vector<8x256xf32> -> vector<256x8xf32>
    %swap3A_137 = arith.constant 9 : index
    %swap3A_138 = arith.constant 0 : index
    %swap3A_139 = arith.constant 0 : index
    %swap3A_140 = vector.load %arg5[%swap3A_137, %swap3A_138, %swap3A_139] : memref<16x256x8xf32, #tpu.memory_space<vmem>>, vector<1x256x8xf32>
    %swap3A_141 = vector.shape_cast %swap3A_140 : vector<1x256x8xf32> to vector<256x8xf32>
    %swap3A_142 = vector.shape_cast %transpose3A_136 : vector<256x8xf32> to vector<1x256x8xf32>
    tpu.vector_store %arg5[%swap3A_137, %swap3A_138, %swap3A_139], %swap3A_142 {strides = array<i32>} : memref<16x256x8xf32, #tpu.memory_space<vmem>>, vector<1x256x8xf32>,
    %swap3A_143 = arith.constant 0 : index
    %swap3A_144 = arith.constant 0 : index
    %swap3A_145 = arith.constant 72 : index
    %swap3A_146 = vector.load %arg3[%swap3A_143, %swap3A_144, %swap3A_145] : memref<1x256x128xf32, #tpu.memory_space<vmem>>, vector<1x256x8xf32>
    %swap3A_147 = vector.shape_cast %swap3A_146 : vector<1x256x8xf32> to vector<256x8xf32>
    %swap3A_148 = vector.shape_cast %transpose3A_136 : vector<256x8xf32> to vector<1x256x8xf32>
    tpu.vector_store %arg3[%swap3A_143, %swap3A_144, %swap3A_145], %swap3A_148 {strides = array<i32>} : memref<1x256x128xf32, #tpu.memory_space<vmem>>, vector<1x256x8xf32>,
    %slice3A_149 = vector.extract_strided_slice %get3A_3 {offsets = [80, 0], sizes = [8, 256], strides = [1, 1]} : vector<128x256xf32> to vector<8x256xf32>
    %transpose3A_150 = tpu.transpose %slice3A_149, [1, 0] : vector<8x256xf32> -> vector<256x8xf32>
    %swap3A_151 = arith.constant 10 : index
    %swap3A_152 = arith.constant 0 : index
    %swap3A_153 = arith.constant 0 : index
    %swap3A_154 = vector.load %arg5[%swap3A_151, %swap3A_152, %swap3A_153] : memref<16x256x8xf32, #tpu.memory_space<vmem>>, vector<1x256x8xf32>
    %swap3A_155 = vector.shape_cast %swap3A_154 : vector<1x256x8xf32> to vector<256x8xf32>
    %swap3A_156 = vector.shape_cast %transpose3A_150 : vector<256x8xf32> to vector<1x256x8xf32>
    tpu.vector_store %arg5[%swap3A_151, %swap3A_152, %swap3A_153], %swap3A_156 {strides = array<i32>} : memref<16x256x8xf32, #tpu.memory_space<vmem>>, vector<1x256x8xf32>,
    %swap3A_157 = arith.constant 0 : index
    %swap3A_158 = arith.constant 0 : index
    %swap3A_159 = arith.constant 80 : index
    %swap3A_160 = vector.load %arg3[%swap3A_157, %swap3A_158, %swap3A_159] : memref<1x256x128xf32, #tpu.memory_space<vmem>>, vector<1x256x8xf32>
    %swap3A_161 = vector.shape_cast %swap3A_160 : vector<1x256x8xf32> to vector<256x8xf32>
    %swap3A_162 = vector.shape_cast %transpose3A_150 : vector<256x8xf32> to vector<1x256x8xf32>
    tpu.vector_store %arg3[%swap3A_157, %swap3A_158, %swap3A_159], %swap3A_162 {strides = array<i32>} : memref<1x256x128xf32, #tpu.memory_space<vmem>>, vector<1x256x8xf32>,
    %slice3A_163 = vector.extract_strided_slice %get3A_3 {offsets = [88, 0], sizes = [8, 256], strides = [1, 1]} : vector<128x256xf32> to vector<8x256xf32>
    %transpose3A_164 = tpu.transpose %slice3A_163, [1, 0] : vector<8x256xf32> -> vector<256x8xf32>
    %swap3A_165 = arith.constant 11 : index
    %swap3A_166 = arith.constant 0 : index
    %swap3A_167 = arith.constant 0 : index
    %swap3A_168 = vector.load %arg5[%swap3A_165, %swap3A_166, %swap3A_167] : memref<16x256x8xf32, #tpu.memory_space<vmem>>, vector<1x256x8xf32>
    %swap3A_169 = vector.shape_cast %swap3A_168 : vector<1x256x8xf32> to vector<256x8xf32>
    %swap3A_170 = vector.shape_cast %transpose3A_164 : vector<256x8xf32> to vector<1x256x8xf32>
    tpu.vector_store %arg5[%swap3A_165, %swap3A_166, %swap3A_167], %swap3A_170 {strides = array<i32>} : memref<16x256x8xf32, #tpu.memory_space<vmem>>, vector<1x256x8xf32>,
    %swap3A_171 = arith.constant 0 : index
    %swap3A_172 = arith.constant 0 : index
    %swap3A_173 = arith.constant 88 : index
    %swap3A_174 = vector.load %arg3[%swap3A_171, %swap3A_172, %swap3A_173] : memref<1x256x128xf32, #tpu.memory_space<vmem>>, vector<1x256x8xf32>
    %swap3A_175 = vector.shape_cast %swap3A_174 : vector<1x256x8xf32> to vector<256x8xf32>
    %swap3A_176 = vector.shape_cast %transpose3A_164 : vector<256x8xf32> to vector<1x256x8xf32>
    tpu.vector_store %arg3[%swap3A_171, %swap3A_172, %swap3A_173], %swap3A_176 {strides = array<i32>} : memref<1x256x128xf32, #tpu.memory_space<vmem>>, vector<1x256x8xf32>,
    %slice3A_177 = vector.extract_strided_slice %get3A_3 {offsets = [96, 0], sizes = [8, 256], strides = [1, 1]} : vector<128x256xf32> to vector<8x256xf32>
    %transpose3A_178 = tpu.transpose %slice3A_177, [1, 0] : vector<8x256xf32> -> vector<256x8xf32>
    %swap3A_179 = arith.constant 12 : index
    %swap3A_180 = arith.constant 0 : index
    %swap3A_181 = arith.constant 0 : index
    %swap3A_182 = vector.load %arg5[%swap3A_179, %swap3A_180, %swap3A_181] : memref<16x256x8xf32, #tpu.memory_space<vmem>>, vector<1x256x8xf32>
    %swap3A_183 = vector.shape_cast %swap3A_182 : vector<1x256x8xf32> to vector<256x8xf32>
    %swap3A_184 = vector.shape_cast %transpose3A_178 : vector<256x8xf32> to vector<1x256x8xf32>
    tpu.vector_store %arg5[%swap3A_179, %swap3A_180, %swap3A_181], %swap3A_184 {strides = array<i32>} : memref<16x256x8xf32, #tpu.memory_space<vmem>>, vector<1x256x8xf32>,
    %swap3A_185 = arith.constant 0 : index
    %swap3A_186 = arith.constant 0 : index
    %swap3A_187 = arith.constant 96 : index
    %swap3A_188 = vector.load %arg3[%swap3A_185, %swap3A_186, %swap3A_187] : memref<1x256x128xf32, #tpu.memory_space<vmem>>, vector<1x256x8xf32>
    %swap3A_189 = vector.shape_cast %swap3A_188 : vector<1x256x8xf32> to vector<256x8xf32>
    %swap3A_190 = vector.shape_cast %transpose3A_178 : vector<256x8xf32> to vector<1x256x8xf32>
    tpu.vector_store %arg3[%swap3A_185, %swap3A_186, %swap3A_187], %swap3A_190 {strides = array<i32>} : memref<1x256x128xf32, #tpu.memory_space<vmem>>, vector<1x256x8xf32>,
    %slice3A_191 = vector.extract_strided_slice %get3A_3 {offsets = [104, 0], sizes = [8, 256], strides = [1, 1]} : vector<128x256xf32> to vector<8x256xf32>
    %transpose3A_192 = tpu.transpose %slice3A_191, [1, 0] : vector<8x256xf32> -> vector<256x8xf32>
    %swap3A_193 = arith.constant 13 : index
    %swap3A_194 = arith.constant 0 : index
    %swap3A_195 = arith.constant 0 : index
    %swap3A_196 = vector.load %arg5[%swap3A_193, %swap3A_194, %swap3A_195] : memref<16x256x8xf32, #tpu.memory_space<vmem>>, vector<1x256x8xf32>
    %swap3A_197 = vector.shape_cast %swap3A_196 : vector<1x256x8xf32> to vector<256x8xf32>
    %swap3A_198 = vector.shape_cast %transpose3A_192 : vector<256x8xf32> to vector<1x256x8xf32>
    tpu.vector_store %arg5[%swap3A_193, %swap3A_194, %swap3A_195], %swap3A_198 {strides = array<i32>} : memref<16x256x8xf32, #tpu.memory_space<vmem>>, vector<1x256x8xf32>,
    %swap3A_199 = arith.constant 0 : index
    %swap3A_200 = arith.constant 0 : index
    %swap3A_201 = arith.constant 104 : index
    %swap3A_202 = vector.load %arg3[%swap3A_199, %swap3A_200, %swap3A_201] : memref<1x256x128xf32, #tpu.memory_space<vmem>>, vector<1x256x8xf32>
    %swap3A_203 = vector.shape_cast %swap3A_202 : vector<1x256x8xf32> to vector<256x8xf32>
    %swap3A_204 = vector.shape_cast %transpose3A_192 : vector<256x8xf32> to vector<1x256x8xf32>
    tpu.vector_store %arg3[%swap3A_199, %swap3A_200, %swap3A_201], %swap3A_204 {strides = array<i32>} : memref<1x256x128xf32, #tpu.memory_space<vmem>>, vector<1x256x8xf32>,
    %slice3A_205 = vector.extract_strided_slice %get3A_3 {offsets = [112, 0], sizes = [8, 256], strides = [1, 1]} : vector<128x256xf32> to vector<8x256xf32>
    %transpose3A_206 = tpu.transpose %slice3A_205, [1, 0] : vector<8x256xf32> -> vector<256x8xf32>
    %swap3A_207 = arith.constant 14 : index
    %swap3A_208 = arith.constant 0 : index
    %swap3A_209 = arith.constant 0 : index
    %swap3A_210 = vector.load %arg5[%swap3A_207, %swap3A_208, %swap3A_209] : memref<16x256x8xf32, #tpu.memory_space<vmem>>, vector<1x256x8xf32>
    %swap3A_211 = vector.shape_cast %swap3A_210 : vector<1x256x8xf32> to vector<256x8xf32>
    %swap3A_212 = vector.shape_cast %transpose3A_206 : vector<256x8xf32> to vector<1x256x8xf32>
    tpu.vector_store %arg5[%swap3A_207, %swap3A_208, %swap3A_209], %swap3A_212 {strides = array<i32>} : memref<16x256x8xf32, #tpu.memory_space<vmem>>, vector<1x256x8xf32>,
    %swap3A_213 = arith.constant 0 : index
    %swap3A_214 = arith.constant 0 : index
    %swap3A_215 = arith.constant 112 : index
    %swap3A_216 = vector.load %arg3[%swap3A_213, %swap3A_214, %swap3A_215] : memref<1x256x128xf32, #tpu.memory_space<vmem>>, vector<1x256x8xf32>
    %swap3A_217 = vector.shape_cast %swap3A_216 : vector<1x256x8xf32> to vector<256x8xf32>
    %swap3A_218 = vector.shape_cast %transpose3A_206 : vector<256x8xf32> to vector<1x256x8xf32>
    tpu.vector_store %arg3[%swap3A_213, %swap3A_214, %swap3A_215], %swap3A_218 {strides = array<i32>} : memref<1x256x128xf32, #tpu.memory_space<vmem>>, vector<1x256x8xf32>,
    %slice3A_219 = vector.extract_strided_slice %get3A_3 {offsets = [120, 0], sizes = [8, 256], strides = [1, 1]} : vector<128x256xf32> to vector<8x256xf32>
    %transpose3A_220 = tpu.transpose %slice3A_219, [1, 0] : vector<8x256xf32> -> vector<256x8xf32>
    %swap3A_221 = arith.constant 15 : index
    %swap3A_222 = arith.constant 0 : index
    %swap3A_223 = arith.constant 0 : index
    %swap3A_224 = vector.load %arg5[%swap3A_221, %swap3A_222, %swap3A_223] : memref<16x256x8xf32, #tpu.memory_space<vmem>>, vector<1x256x8xf32>
    %swap3A_225 = vector.shape_cast %swap3A_224 : vector<1x256x8xf32> to vector<256x8xf32>
    %swap3A_226 = vector.shape_cast %transpose3A_220 : vector<256x8xf32> to vector<1x256x8xf32>
    tpu.vector_store %arg5[%swap3A_221, %swap3A_222, %swap3A_223], %swap3A_226 {strides = array<i32>} : memref<16x256x8xf32, #tpu.memory_space<vmem>>, vector<1x256x8xf32>,
    %swap3A_227 = arith.constant 0 : index
    %swap3A_228 = arith.constant 0 : index
    %swap3A_229 = arith.constant 120 : index
    %swap3A_230 = vector.load %arg3[%swap3A_227, %swap3A_228, %swap3A_229] : memref<1x256x128xf32, #tpu.memory_space<vmem>>, vector<1x256x8xf32>
    %swap3A_231 = vector.shape_cast %swap3A_230 : vector<1x256x8xf32> to vector<256x8xf32>
    %swap3A_232 = vector.shape_cast %transpose3A_220 : vector<256x8xf32> to vector<1x256x8xf32>
    tpu.vector_store %arg3[%swap3A_227, %swap3A_228, %swap3A_229], %swap3A_232 {strides = array<i32>} : memref<1x256x128xf32, #tpu.memory_space<vmem>>, vector<1x256x8xf32>,
    %scan3A = arith.constant 0 : i32
    %scan3A_233 = arith.constant 2 : i32
    %scan3A_234 = arith.addi %scan3A, %scan3A_233 : i32
    %scan3A_235 = arith.constant 1 : i32
    scf.for %scan3A_304 = %scan3A to %scan3A_234 step %scan3A_235  : i32 {
      %broadcast_in_dim3A_305 = arith.constant 0.000000e+00 : f32
      %broadcast_in_dim3A_306 = vector.broadcast %broadcast_in_dim3A_305 : f32 to vector<64x256xf32>
      %broadcast_in_dim3A_307 = arith.constant 0.000000e+00 : f32
      %broadcast_in_dim3A_308 = vector.broadcast %broadcast_in_dim3A_307 : f32 to vector<64x256xf32>
      %get3A_309 = arith.constant 0 : index
      %get3A_310 = arith.constant 0 : index
      %get3A_311 = arith.constant 0 : index
      %get3A_312 = vector.load %arg1[%get3A_309, %get3A_310, %get3A_311] : memref<1x128x256xf32, #tpu.memory_space<vmem>>, vector<1x8x256xf32>
      %get3A_313 = vector.shape_cast %get3A_312 : vector<1x8x256xf32> to vector<8x256xf32>
      %mul3A_314 = arith.constant 64 : i32
      %mul3A_315 = arith.muli %scan3A_304, %mul3A_314 : i32
      %get3A_316 = arith.constant 0 : index
      %get3A_317 = arith.index_cast %mul3A_315 : i32 to index
      %get3A_318 = arith.constant 0 : index
      %get3A_319 = vector.load %arg5[%get3A_316, %get3A_317, %get3A_318] : memref<16x256x8xf32, #tpu.memory_space<vmem>>, vector<1x64x8xf32>
      %get3A_320 = vector.shape_cast %get3A_319 : vector<1x64x8xf32> to vector<64x8xf32>
      %slice3A_321 = vector.extract_strided_slice %get3A_320 {offsets = [0, 0], sizes = [64, 1], strides = [1, 1]} : vector<64x8xf32> to vector<64x1xf32>
      %slice3A_322 = vector.extract_strided_slice %get3A_313 {offsets = [0, 0], sizes = [1, 256], strides = [1, 1]} : vector<8x256xf32> to vector<1x256xf32>
      %min3A = vector.broadcast %slice3A_321 : vector<64x1xf32> to vector<64x256xf32>
      %min3A_323 = vector.broadcast %slice3A_322 : vector<1x256xf32> to vector<64x256xf32>
      %min3A_324 = arith.minimumf %min3A, %min3A_323 : vector<64x256xf32>
      %add3A_325 = arith.addf %broadcast_in_dim3A_306, %min3A_324 : vector<64x256xf32>
      %slice3A_326 = vector.extract_strided_slice %get3A_320 {offsets = [0, 1], sizes = [64, 1], strides = [1, 1]} : vector<64x8xf32> to vector<64x1xf32>
      %slice3A_327 = vector.extract_strided_slice %get3A_313 {offsets = [1, 0], sizes = [1, 256], strides = [1, 1]} : vector<8x256xf32> to vector<1x256xf32>
      %min3A_328 = vector.broadcast %slice3A_326 : vector<64x1xf32> to vector<64x256xf32>
      %min3A_329 = vector.broadcast %slice3A_327 : vector<1x256xf32> to vector<64x256xf32>
      %min3A_330 = arith.minimumf %min3A_328, %min3A_329 : vector<64x256xf32>
      %add3A_331 = arith.addf %broadcast_in_dim3A_308, %min3A_330 : vector<64x256xf32>
      %slice3A_332 = vector.extract_strided_slice %get3A_320 {offsets = [0, 2], sizes = [64, 1], strides = [1, 1]} : vector<64x8xf32> to vector<64x1xf32>
      %slice3A_333 = vector.extract_strided_slice %get3A_313 {offsets = [2, 0], sizes = [1, 256], strides = [1, 1]} : vector<8x256xf32> to vector<1x256xf32>
      %min3A_334 = vector.broadcast %slice3A_332 : vector<64x1xf32> to vector<64x256xf32>
      %min3A_335 = vector.broadcast %slice3A_333 : vector<1x256xf32> to vector<64x256xf32>
      %min3A_336 = arith.minimumf %min3A_334, %min3A_335 : vector<64x256xf32>
      %add3A_337 = arith.addf %add3A_325, %min3A_336 : vector<64x256xf32>
      %slice3A_338 = vector.extract_strided_slice %get3A_320 {offsets = [0, 3], sizes = [64, 1], strides = [1, 1]} : vector<64x8xf32> to vector<64x1xf32>
      %slice3A_339 = vector.extract_strided_slice %get3A_313 {offsets = [3, 0], sizes = [1, 256], strides = [1, 1]} : vector<8x256xf32> to vector<1x256xf32>
      %min3A_340 = vector.broadcast %slice3A_338 : vector<64x1xf32> to vector<64x256xf32>
      %min3A_341 = vector.broadcast %slice3A_339 : vector<1x256xf32> to vector<64x256xf32>
      %min3A_342 = arith.minimumf %min3A_340, %min3A_341 : vector<64x256xf32>
      %add3A_343 = arith.addf %add3A_331, %min3A_342 : vector<64x256xf32>
      %slice3A_344 = vector.extract_strided_slice %get3A_320 {offsets = [0, 4], sizes = [64, 1], strides = [1, 1]} : vector<64x8xf32> to vector<64x1xf32>
      %slice3A_345 = vector.extract_strided_slice %get3A_313 {offsets = [4, 0], sizes = [1, 256], strides = [1, 1]} : vector<8x256xf32> to vector<1x256xf32>
      %min3A_346 = vector.broadcast %slice3A_344 : vector<64x1xf32> to vector<64x256xf32>
      %min3A_347 = vector.broadcast %slice3A_345 : vector<1x256xf32> to vector<64x256xf32>
      %min3A_348 = arith.minimumf %min3A_346, %min3A_347 : vector<64x256xf32>
      %add3A_349 = arith.addf %add3A_337, %min3A_348 : vector<64x256xf32>
      %slice3A_350 = vector.extract_strided_slice %get3A_320 {offsets = [0, 5], sizes = [64, 1], strides = [1, 1]} : vector<64x8xf32> to vector<64x1xf32>
      %slice3A_351 = vector.extract_strided_slice %get3A_313 {offsets = [5, 0], sizes = [1, 256], strides = [1, 1]} : vector<8x256xf32> to vector<1x256xf32>
      %min3A_352 = vector.broadcast %slice3A_350 : vector<64x1xf32> to vector<64x256xf32>
      %min3A_353 = vector.broadcast %slice3A_351 : vector<1x256xf32> to vector<64x256xf32>
      %min3A_354 = arith.minimumf %min3A_352, %min3A_353 : vector<64x256xf32>
      %add3A_355 = arith.addf %add3A_343, %min3A_354 : vector<64x256xf32>
      %slice3A_356 = vector.extract_strided_slice %get3A_320 {offsets = [0, 6], sizes = [64, 1], strides = [1, 1]} : vector<64x8xf32> to vector<64x1xf32>
      %slice3A_357 = vector.extract_strided_slice %get3A_313 {offsets = [6, 0], sizes = [1, 256], strides = [1, 1]} : vector<8x256xf32> to vector<1x256xf32>
      %min3A_358 = vector.broadcast %slice3A_356 : vector<64x1xf32> to vector<64x256xf32>
      %min3A_359 = vector.broadcast %slice3A_357 : vector<1x256xf32> to vector<64x256xf32>
      %min3A_360 = arith.minimumf %min3A_358, %min3A_359 : vector<64x256xf32>
      %add3A_361 = arith.addf %add3A_349, %min3A_360 : vector<64x256xf32>
      %slice3A_362 = vector.extract_strided_slice %get3A_320 {offsets = [0, 7], sizes = [64, 1], strides = [1, 1]} : vector<64x8xf32> to vector<64x1xf32>
      %slice3A_363 = vector.extract_strided_slice %get3A_313 {offsets = [7, 0], sizes = [1, 256], strides = [1, 1]} : vector<8x256xf32> to vector<1x256xf32>
      %min3A_364 = vector.broadcast %slice3A_362 : vector<64x1xf32> to vector<64x256xf32>
      %min3A_365 = vector.broadcast %slice3A_363 : vector<1x256xf32> to vector<64x256xf32>
      %min3A_366 = arith.minimumf %min3A_364, %min3A_365 : vector<64x256xf32>
      %add3A_367 = arith.addf %add3A_355, %min3A_366 : vector<64x256xf32>
      %get3A_368 = arith.constant 0 : index
      %get3A_369 = arith.constant 8 : index
      %get3A_370 = arith.constant 0 : index
      %get3A_371 = vector.load %arg1[%get3A_368, %get3A_369, %get3A_370] : memref<1x128x256xf32, #tpu.memory_space<vmem>>, vector<1x8x256xf32>
      %get3A_372 = vector.shape_cast %get3A_371 : vector<1x8x256xf32> to vector<8x256xf32>
      %mul3A_373 = arith.constant 64 : i32
      %mul3A_374 = arith.muli %scan3A_304, %mul3A_373 : i32
      %get3A_375 = arith.constant 1 : index
      %get3A_376 = arith.index_cast %mul3A_374 : i32 to index
      %get3A_377 = arith.constant 0 : index
      %get3A_378 = vector.load %arg5[%get3A_375, %get3A_376, %get3A_377] : memref<16x256x8xf32, #tpu.memory_space<vmem>>, vector<1x64x8xf32>
      %get3A_379 = vector.shape_cast %get3A_378 : vector<1x64x8xf32> to vector<64x8xf32>
      %slice3A_380 = vector.extract_strided_slice %get3A_379 {offsets = [0, 0], sizes = [64, 1], strides = [1, 1]} : vector<64x8xf32> to vector<64x1xf32>
      %slice3A_381 = vector.extract_strided_slice %get3A_372 {offsets = [0, 0], sizes = [1, 256], strides = [1, 1]} : vector<8x256xf32> to vector<1x256xf32>
      %min3A_382 = vector.broadcast %slice3A_380 : vector<64x1xf32> to vector<64x256xf32>
      %min3A_383 = vector.broadcast %slice3A_381 : vector<1x256xf32> to vector<64x256xf32>
      %min3A_384 = arith.minimumf %min3A_382, %min3A_383 : vector<64x256xf32>
      %add3A_385 = arith.addf %add3A_361, %min3A_384 : vector<64x256xf32>
      %slice3A_386 = vector.extract_strided_slice %get3A_379 {offsets = [0, 1], sizes = [64, 1], strides = [1, 1]} : vector<64x8xf32> to vector<64x1xf32>
      %slice3A_387 = vector.extract_strided_slice %get3A_372 {offsets = [1, 0], sizes = [1, 256], strides = [1, 1]} : vector<8x256xf32> to vector<1x256xf32>
      %min3A_388 = vector.broadcast %slice3A_386 : vector<64x1xf32> to vector<64x256xf32>
      %min3A_389 = vector.broadcast %slice3A_387 : vector<1x256xf32> to vector<64x256xf32>
      %min3A_390 = arith.minimumf %min3A_388, %min3A_389 : vector<64x256xf32>
      %add3A_391 = arith.addf %add3A_367, %min3A_390 : vector<64x256xf32>
      %slice3A_392 = vector.extract_strided_slice %get3A_379 {offsets = [0, 2], sizes = [64, 1], strides = [1, 1]} : vector<64x8xf32> to vector<64x1xf32>
      %slice3A_393 = vector.extract_strided_slice %get3A_372 {offsets = [2, 0], sizes = [1, 256], strides = [1, 1]} : vector<8x256xf32> to vector<1x256xf32>
      %min3A_394 = vector.broadcast %slice3A_392 : vector<64x1xf32> to vector<64x256xf32>
      %min3A_395 = vector.broadcast %slice3A_393 : vector<1x256xf32> to vector<64x256xf32>
      %min3A_396 = arith.minimumf %min3A_394, %min3A_395 : vector<64x256xf32>
      %add3A_397 = arith.addf %add3A_385, %min3A_396 : vector<64x256xf32>
      %slice3A_398 = vector.extract_strided_slice %get3A_379 {offsets = [0, 3], sizes = [64, 1], strides = [1, 1]} : vector<64x8xf32> to vector<64x1xf32>
      %slice3A_399 = vector.extract_strided_slice %get3A_372 {offsets = [3, 0], sizes = [1, 256], strides = [1, 1]} : vector<8x256xf32> to vector<1x256xf32>
      %min3A_400 = vector.broadcast %slice3A_398 : vector<64x1xf32> to vector<64x256xf32>
      %min3A_401 = vector.broadcast %slice3A_399 : vector<1x256xf32> to vector<64x256xf32>
      %min3A_402 = arith.minimumf %min3A_400, %min3A_401 : vector<64x256xf32>
      %add3A_403 = arith.addf %add3A_391, %min3A_402 : vector<64x256xf32>
      %slice3A_404 = vector.extract_strided_slice %get3A_379 {offsets = [0, 4], sizes = [64, 1], strides = [1, 1]} : vector<64x8xf32> to vector<64x1xf32>
      %slice3A_405 = vector.extract_strided_slice %get3A_372 {offsets = [4, 0], sizes = [1, 256], strides = [1, 1]} : vector<8x256xf32> to vector<1x256xf32>
      %min3A_406 = vector.broadcast %slice3A_404 : vector<64x1xf32> to vector<64x256xf32>
      %min3A_407 = vector.broadcast %slice3A_405 : vector<1x256xf32> to vector<64x256xf32>
      %min3A_408 = arith.minimumf %min3A_406, %min3A_407 : vector<64x256xf32>
      %add3A_409 = arith.addf %add3A_397, %min3A_408 : vector<64x256xf32>
      %slice3A_410 = vector.extract_strided_slice %get3A_379 {offsets = [0, 5], sizes = [64, 1], strides = [1, 1]} : vector<64x8xf32> to vector<64x1xf32>
      %slice3A_411 = vector.extract_strided_slice %get3A_372 {offsets = [5, 0], sizes = [1, 256], strides = [1, 1]} : vector<8x256xf32> to vector<1x256xf32>
      %min3A_412 = vector.broadcast %slice3A_410 : vector<64x1xf32> to vector<64x256xf32>
      %min3A_413 = vector.broadcast %slice3A_411 : vector<1x256xf32> to vector<64x256xf32>
      %min3A_414 = arith.minimumf %min3A_412, %min3A_413 : vector<64x256xf32>
      %add3A_415 = arith.addf %add3A_403, %min3A_414 : vector<64x256xf32>
      %slice3A_416 = vector.extract_strided_slice %get3A_379 {offsets = [0, 6], sizes = [64, 1], strides = [1, 1]} : vector<64x8xf32> to vector<64x1xf32>
      %slice3A_417 = vector.extract_strided_slice %get3A_372 {offsets = [6, 0], sizes = [1, 256], strides = [1, 1]} : vector<8x256xf32> to vector<1x256xf32>
      %min3A_418 = vector.broadcast %slice3A_416 : vector<64x1xf32> to vector<64x256xf32>
      %min3A_419 = vector.broadcast %slice3A_417 : vector<1x256xf32> to vector<64x256xf32>
      %min3A_420 = arith.minimumf %min3A_418, %min3A_419 : vector<64x256xf32>
      %add3A_421 = arith.addf %add3A_409, %min3A_420 : vector<64x256xf32>
      %slice3A_422 = vector.extract_strided_slice %get3A_379 {offsets = [0, 7], sizes = [64, 1], strides = [1, 1]} : vector<64x8xf32> to vector<64x1xf32>
      %slice3A_423 = vector.extract_strided_slice %get3A_372 {offsets = [7, 0], sizes = [1, 256], strides = [1, 1]} : vector<8x256xf32> to vector<1x256xf32>
      %min3A_424 = vector.broadcast %slice3A_422 : vector<64x1xf32> to vector<64x256xf32>
      %min3A_425 = vector.broadcast %slice3A_423 : vector<1x256xf32> to vector<64x256xf32>
      %min3A_426 = arith.minimumf %min3A_424, %min3A_425 : vector<64x256xf32>
      %add3A_427 = arith.addf %add3A_415, %min3A_426 : vector<64x256xf32>
      %get3A_428 = arith.constant 0 : index
      %get3A_429 = arith.constant 16 : index
      %get3A_430 = arith.constant 0 : index
      %get3A_431 = vector.load %arg1[%get3A_428, %get3A_429, %get3A_430] : memref<1x128x256xf32, #tpu.memory_space<vmem>>, vector<1x8x256xf32>
      %get3A_432 = vector.shape_cast %get3A_431 : vector<1x8x256xf32> to vector<8x256xf32>
      %mul3A_433 = arith.constant 64 : i32
      %mul3A_434 = arith.muli %scan3A_304, %mul3A_433 : i32
      %get3A_435 = arith.constant 2 : index
      %get3A_436 = arith.index_cast %mul3A_434 : i32 to index
      %get3A_437 = arith.constant 0 : index
      %get3A_438 = vector.load %arg5[%get3A_435, %get3A_436, %get3A_437] : memref<16x256x8xf32, #tpu.memory_space<vmem>>, vector<1x64x8xf32>
      %get3A_439 = vector.shape_cast %get3A_438 : vector<1x64x8xf32> to vector<64x8xf32>
      %slice3A_440 = vector.extract_strided_slice %get3A_439 {offsets = [0, 0], sizes = [64, 1], strides = [1, 1]} : vector<64x8xf32> to vector<64x1xf32>
      %slice3A_441 = vector.extract_strided_slice %get3A_432 {offsets = [0, 0], sizes = [1, 256], strides = [1, 1]} : vector<8x256xf32> to vector<1x256xf32>
      %min3A_442 = vector.broadcast %slice3A_440 : vector<64x1xf32> to vector<64x256xf32>
      %min3A_443 = vector.broadcast %slice3A_441 : vector<1x256xf32> to vector<64x256xf32>
      %min3A_444 = arith.minimumf %min3A_442, %min3A_443 : vector<64x256xf32>
      %add3A_445 = arith.addf %add3A_421, %min3A_444 : vector<64x256xf32>
      %slice3A_446 = vector.extract_strided_slice %get3A_439 {offsets = [0, 1], sizes = [64, 1], strides = [1, 1]} : vector<64x8xf32> to vector<64x1xf32>
      %slice3A_447 = vector.extract_strided_slice %get3A_432 {offsets = [1, 0], sizes = [1, 256], strides = [1, 1]} : vector<8x256xf32> to vector<1x256xf32>
      %min3A_448 = vector.broadcast %slice3A_446 : vector<64x1xf32> to vector<64x256xf32>
      %min3A_449 = vector.broadcast %slice3A_447 : vector<1x256xf32> to vector<64x256xf32>
      %min3A_450 = arith.minimumf %min3A_448, %min3A_449 : vector<64x256xf32>
      %add3A_451 = arith.addf %add3A_427, %min3A_450 : vector<64x256xf32>
      %slice3A_452 = vector.extract_strided_slice %get3A_439 {offsets = [0, 2], sizes = [64, 1], strides = [1, 1]} : vector<64x8xf32> to vector<64x1xf32>
      %slice3A_453 = vector.extract_strided_slice %get3A_432 {offsets = [2, 0], sizes = [1, 256], strides = [1, 1]} : vector<8x256xf32> to vector<1x256xf32>
      %min3A_454 = vector.broadcast %slice3A_452 : vector<64x1xf32> to vector<64x256xf32>
      %min3A_455 = vector.broadcast %slice3A_453 : vector<1x256xf32> to vector<64x256xf32>
      %min3A_456 = arith.minimumf %min3A_454, %min3A_455 : vector<64x256xf32>
      %add3A_457 = arith.addf %add3A_445, %min3A_456 : vector<64x256xf32>
      %slice3A_458 = vector.extract_strided_slice %get3A_439 {offsets = [0, 3], sizes = [64, 1], strides = [1, 1]} : vector<64x8xf32> to vector<64x1xf32>
      %slice3A_459 = vector.extract_strided_slice %get3A_432 {offsets = [3, 0], sizes = [1, 256], strides = [1, 1]} : vector<8x256xf32> to vector<1x256xf32>
      %min3A_460 = vector.broadcast %slice3A_458 : vector<64x1xf32> to vector<64x256xf32>
      %min3A_461 = vector.broadcast %slice3A_459 : vector<1x256xf32> to vector<64x256xf32>
      %min3A_462 = arith.minimumf %min3A_460, %min3A_461 : vector<64x256xf32>
      %add3A_463 = arith.addf %add3A_451, %min3A_462 : vector<64x256xf32>
      %slice3A_464 = vector.extract_strided_slice %get3A_439 {offsets = [0, 4], sizes = [64, 1], strides = [1, 1]} : vector<64x8xf32> to vector<64x1xf32>
      %slice3A_465 = vector.extract_strided_slice %get3A_432 {offsets = [4, 0], sizes = [1, 256], strides = [1, 1]} : vector<8x256xf32> to vector<1x256xf32>
      %min3A_466 = vector.broadcast %slice3A_464 : vector<64x1xf32> to vector<64x256xf32>
      %min3A_467 = vector.broadcast %slice3A_465 : vector<1x256xf32> to vector<64x256xf32>
      %min3A_468 = arith.minimumf %min3A_466, %min3A_467 : vector<64x256xf32>
      %add3A_469 = arith.addf %add3A_457, %min3A_468 : vector<64x256xf32>
      %slice3A_470 = vector.extract_strided_slice %get3A_439 {offsets = [0, 5], sizes = [64, 1], strides = [1, 1]} : vector<64x8xf32> to vector<64x1xf32>
      %slice3A_471 = vector.extract_strided_slice %get3A_432 {offsets = [5, 0], sizes = [1, 256], strides = [1, 1]} : vector<8x256xf32> to vector<1x256xf32>
      %min3A_472 = vector.broadcast %slice3A_470 : vector<64x1xf32> to vector<64x256xf32>
      %min3A_473 = vector.broadcast %slice3A_471 : vector<1x256xf32> to vector<64x256xf32>
      %min3A_474 = arith.minimumf %min3A_472, %min3A_473 : vector<64x256xf32>
      %add3A_475 = arith.addf %add3A_463, %min3A_474 : vector<64x256xf32>
      %slice3A_476 = vector.extract_strided_slice %get3A_439 {offsets = [0, 6], sizes = [64, 1], strides = [1, 1]} : vector<64x8xf32> to vector<64x1xf32>
      %slice3A_477 = vector.extract_strided_slice %get3A_432 {offsets = [6, 0], sizes = [1, 256], strides = [1, 1]} : vector<8x256xf32> to vector<1x256xf32>
      %min3A_478 = vector.broadcast %slice3A_476 : vector<64x1xf32> to vector<64x256xf32>
      %min3A_479 = vector.broadcast %slice3A_477 : vector<1x256xf32> to vector<64x256xf32>
      %min3A_480 = arith.minimumf %min3A_478, %min3A_479 : vector<64x256xf32>
      %add3A_481 = arith.addf %add3A_469, %min3A_480 : vector<64x256xf32>
      %slice3A_482 = vector.extract_strided_slice %get3A_439 {offsets = [0, 7], sizes = [64, 1], strides = [1, 1]} : vector<64x8xf32> to vector<64x1xf32>
      %slice3A_483 = vector.extract_strided_slice %get3A_432 {offsets = [7, 0], sizes = [1, 256], strides = [1, 1]} : vector<8x256xf32> to vector<1x256xf32>
      %min3A_484 = vector.broadcast %slice3A_482 : vector<64x1xf32> to vector<64x256xf32>
      %min3A_485 = vector.broadcast %slice3A_483 : vector<1x256xf32> to vector<64x256xf32>
      %min3A_486 = arith.minimumf %min3A_484, %min3A_485 : vector<64x256xf32>
      %add3A_487 = arith.addf %add3A_475, %min3A_486 : vector<64x256xf32>
      %get3A_488 = arith.constant 0 : index
      %get3A_489 = arith.constant 24 : index
      %get3A_490 = arith.constant 0 : index
      %get3A_491 = vector.load %arg1[%get3A_488, %get3A_489, %get3A_490] : memref<1x128x256xf32, #tpu.memory_space<vmem>>, vector<1x8x256xf32>
      %get3A_492 = vector.shape_cast %get3A_491 : vector<1x8x256xf32> to vector<8x256xf32>
      %mul3A_493 = arith.constant 64 : i32
      %mul3A_494 = arith.muli %scan3A_304, %mul3A_493 : i32
      %get3A_495 = arith.constant 3 : index
      %get3A_496 = arith.index_cast %mul3A_494 : i32 to index
      %get3A_497 = arith.constant 0 : index
      %get3A_498 = vector.load %arg5[%get3A_495, %get3A_496, %get3A_497] : memref<16x256x8xf32, #tpu.memory_space<vmem>>, vector<1x64x8xf32>
      %get3A_499 = vector.shape_cast %get3A_498 : vector<1x64x8xf32> to vector<64x8xf32>
      %slice3A_500 = vector.extract_strided_slice %get3A_499 {offsets = [0, 0], sizes = [64, 1], strides = [1, 1]} : vector<64x8xf32> to vector<64x1xf32>
      %slice3A_501 = vector.extract_strided_slice %get3A_492 {offsets = [0, 0], sizes = [1, 256], strides = [1, 1]} : vector<8x256xf32> to vector<1x256xf32>
      %min3A_502 = vector.broadcast %slice3A_500 : vector<64x1xf32> to vector<64x256xf32>
      %min3A_503 = vector.broadcast %slice3A_501 : vector<1x256xf32> to vector<64x256xf32>
      %min3A_504 = arith.minimumf %min3A_502, %min3A_503 : vector<64x256xf32>
      %add3A_505 = arith.addf %add3A_481, %min3A_504 : vector<64x256xf32>
      %slice3A_506 = vector.extract_strided_slice %get3A_499 {offsets = [0, 1], sizes = [64, 1], strides = [1, 1]} : vector<64x8xf32> to vector<64x1xf32>
      %slice3A_507 = vector.extract_strided_slice %get3A_492 {offsets = [1, 0], sizes = [1, 256], strides = [1, 1]} : vector<8x256xf32> to vector<1x256xf32>
      %min3A_508 = vector.broadcast %slice3A_506 : vector<64x1xf32> to vector<64x256xf32>
      %min3A_509 = vector.broadcast %slice3A_507 : vector<1x256xf32> to vector<64x256xf32>
      %min3A_510 = arith.minimumf %min3A_508, %min3A_509 : vector<64x256xf32>
      %add3A_511 = arith.addf %add3A_487, %min3A_510 : vector<64x256xf32>
      %slice3A_512 = vector.extract_strided_slice %get3A_499 {offsets = [0, 2], sizes = [64, 1], strides = [1, 1]} : vector<64x8xf32> to vector<64x1xf32>
      %slice3A_513 = vector.extract_strided_slice %get3A_492 {offsets = [2, 0], sizes = [1, 256], strides = [1, 1]} : vector<8x256xf32> to vector<1x256xf32>
      %min3A_514 = vector.broadcast %slice3A_512 : vector<64x1xf32> to vector<64x256xf32>
      %min3A_515 = vector.broadcast %slice3A_513 : vector<1x256xf32> to vector<64x256xf32>
      %min3A_516 = arith.minimumf %min3A_514, %min3A_515 : vector<64x256xf32>
      %add3A_517 = arith.addf %add3A_505, %min3A_516 : vector<64x256xf32>
      %slice3A_518 = vector.extract_strided_slice %get3A_499 {offsets = [0, 3], sizes = [64, 1], strides = [1, 1]} : vector<64x8xf32> to vector<64x1xf32>
      %slice3A_519 = vector.extract_strided_slice %get3A_492 {offsets = [3, 0], sizes = [1, 256], strides = [1, 1]} : vector<8x256xf32> to vector<1x256xf32>
      %min3A_520 = vector.broadcast %slice3A_518 : vector<64x1xf32> to vector<64x256xf32>
      %min3A_521 = vector.broadcast %slice3A_519 : vector<1x256xf32> to vector<64x256xf32>
      %min3A_522 = arith.minimumf %min3A_520, %min3A_521 : vector<64x256xf32>
      %add3A_523 = arith.addf %add3A_511, %min3A_522 : vector<64x256xf32>
      %slice3A_524 = vector.extract_strided_slice %get3A_499 {offsets = [0, 4], sizes = [64, 1], strides = [1, 1]} : vector<64x8xf32> to vector<64x1xf32>
      %slice3A_525 = vector.extract_strided_slice %get3A_492 {offsets = [4, 0], sizes = [1, 256], strides = [1, 1]} : vector<8x256xf32> to vector<1x256xf32>
      %min3A_526 = vector.broadcast %slice3A_524 : vector<64x1xf32> to vector<64x256xf32>
      %min3A_527 = vector.broadcast %slice3A_525 : vector<1x256xf32> to vector<64x256xf32>
      %min3A_528 = arith.minimumf %min3A_526, %min3A_527 : vector<64x256xf32>
      %add3A_529 = arith.addf %add3A_517, %min3A_528 : vector<64x256xf32>
      %slice3A_530 = vector.extract_strided_slice %get3A_499 {offsets = [0, 5], sizes = [64, 1], strides = [1, 1]} : vector<64x8xf32> to vector<64x1xf32>
      %slice3A_531 = vector.extract_strided_slice %get3A_492 {offsets = [5, 0], sizes = [1, 256], strides = [1, 1]} : vector<8x256xf32> to vector<1x256xf32>
      %min3A_532 = vector.broadcast %slice3A_530 : vector<64x1xf32> to vector<64x256xf32>
      %min3A_533 = vector.broadcast %slice3A_531 : vector<1x256xf32> to vector<64x256xf32>
      %min3A_534 = arith.minimumf %min3A_532, %min3A_533 : vector<64x256xf32>
      %add3A_535 = arith.addf %add3A_523, %min3A_534 : vector<64x256xf32>
      %slice3A_536 = vector.extract_strided_slice %get3A_499 {offsets = [0, 6], sizes = [64, 1], strides = [1, 1]} : vector<64x8xf32> to vector<64x1xf32>
      %slice3A_537 = vector.extract_strided_slice %get3A_492 {offsets = [6, 0], sizes = [1, 256], strides = [1, 1]} : vector<8x256xf32> to vector<1x256xf32>
      %min3A_538 = vector.broadcast %slice3A_536 : vector<64x1xf32> to vector<64x256xf32>
      %min3A_539 = vector.broadcast %slice3A_537 : vector<1x256xf32> to vector<64x256xf32>
      %min3A_540 = arith.minimumf %min3A_538, %min3A_539 : vector<64x256xf32>
      %add3A_541 = arith.addf %add3A_529, %min3A_540 : vector<64x256xf32>
      %slice3A_542 = vector.extract_strided_slice %get3A_499 {offsets = [0, 7], sizes = [64, 1], strides = [1, 1]} : vector<64x8xf32> to vector<64x1xf32>
      %slice3A_543 = vector.extract_strided_slice %get3A_492 {offsets = [7, 0], sizes = [1, 256], strides = [1, 1]} : vector<8x256xf32> to vector<1x256xf32>
      %min3A_544 = vector.broadcast %slice3A_542 : vector<64x1xf32> to vector<64x256xf32>
      %min3A_545 = vector.broadcast %slice3A_543 : vector<1x256xf32> to vector<64x256xf32>
      %min3A_546 = arith.minimumf %min3A_544, %min3A_545 : vector<64x256xf32>
      %add3A_547 = arith.addf %add3A_535, %min3A_546 : vector<64x256xf32>
      %get3A_548 = arith.constant 0 : index
      %get3A_549 = arith.constant 32 : index
      %get3A_550 = arith.constant 0 : index
      %get3A_551 = vector.load %arg1[%get3A_548, %get3A_549, %get3A_550] : memref<1x128x256xf32, #tpu.memory_space<vmem>>, vector<1x8x256xf32>
      %get3A_552 = vector.shape_cast %get3A_551 : vector<1x8x256xf32> to vector<8x256xf32>
      %mul3A_553 = arith.constant 64 : i32
      %mul3A_554 = arith.muli %scan3A_304, %mul3A_553 : i32
      %get3A_555 = arith.constant 4 : index
      %get3A_556 = arith.index_cast %mul3A_554 : i32 to index
      %get3A_557 = arith.constant 0 : index
      %get3A_558 = vector.load %arg5[%get3A_555, %get3A_556, %get3A_557] : memref<16x256x8xf32, #tpu.memory_space<vmem>>, vector<1x64x8xf32>
      %get3A_559 = vector.shape_cast %get3A_558 : vector<1x64x8xf32> to vector<64x8xf32>
      %slice3A_560 = vector.extract_strided_slice %get3A_559 {offsets = [0, 0], sizes = [64, 1], strides = [1, 1]} : vector<64x8xf32> to vector<64x1xf32>
      %slice3A_561 = vector.extract_strided_slice %get3A_552 {offsets = [0, 0], sizes = [1, 256], strides = [1, 1]} : vector<8x256xf32> to vector<1x256xf32>
      %min3A_562 = vector.broadcast %slice3A_560 : vector<64x1xf32> to vector<64x256xf32>
      %min3A_563 = vector.broadcast %slice3A_561 : vector<1x256xf32> to vector<64x256xf32>
      %min3A_564 = arith.minimumf %min3A_562, %min3A_563 : vector<64x256xf32>
      %add3A_565 = arith.addf %add3A_541, %min3A_564 : vector<64x256xf32>
      %slice3A_566 = vector.extract_strided_slice %get3A_559 {offsets = [0, 1], sizes = [64, 1], strides = [1, 1]} : vector<64x8xf32> to vector<64x1xf32>
      %slice3A_567 = vector.extract_strided_slice %get3A_552 {offsets = [1, 0], sizes = [1, 256], strides = [1, 1]} : vector<8x256xf32> to vector<1x256xf32>
      %min3A_568 = vector.broadcast %slice3A_566 : vector<64x1xf32> to vector<64x256xf32>
      %min3A_569 = vector.broadcast %slice3A_567 : vector<1x256xf32> to vector<64x256xf32>
      %min3A_570 = arith.minimumf %min3A_568, %min3A_569 : vector<64x256xf32>
      %add3A_571 = arith.addf %add3A_547, %min3A_570 : vector<64x256xf32>
      %slice3A_572 = vector.extract_strided_slice %get3A_559 {offsets = [0, 2], sizes = [64, 1], strides = [1, 1]} : vector<64x8xf32> to vector<64x1xf32>
      %slice3A_573 = vector.extract_strided_slice %get3A_552 {offsets = [2, 0], sizes = [1, 256], strides = [1, 1]} : vector<8x256xf32> to vector<1x256xf32>
      %min3A_574 = vector.broadcast %slice3A_572 : vector<64x1xf32> to vector<64x256xf32>
      %min3A_575 = vector.broadcast %slice3A_573 : vector<1x256xf32> to vector<64x256xf32>
      %min3A_576 = arith.minimumf %min3A_574, %min3A_575 : vector<64x256xf32>
      %add3A_577 = arith.addf %add3A_565, %min3A_576 : vector<64x256xf32>
      %slice3A_578 = vector.extract_strided_slice %get3A_559 {offsets = [0, 3], sizes = [64, 1], strides = [1, 1]} : vector<64x8xf32> to vector<64x1xf32>
      %slice3A_579 = vector.extract_strided_slice %get3A_552 {offsets = [3, 0], sizes = [1, 256], strides = [1, 1]} : vector<8x256xf32> to vector<1x256xf32>
      %min3A_580 = vector.broadcast %slice3A_578 : vector<64x1xf32> to vector<64x256xf32>
      %min3A_581 = vector.broadcast %slice3A_579 : vector<1x256xf32> to vector<64x256xf32>
      %min3A_582 = arith.minimumf %min3A_580, %min3A_581 : vector<64x256xf32>
      %add3A_583 = arith.addf %add3A_571, %min3A_582 : vector<64x256xf32>
      %slice3A_584 = vector.extract_strided_slice %get3A_559 {offsets = [0, 4], sizes = [64, 1], strides = [1, 1]} : vector<64x8xf32> to vector<64x1xf32>
      %slice3A_585 = vector.extract_strided_slice %get3A_552 {offsets = [4, 0], sizes = [1, 256], strides = [1, 1]} : vector<8x256xf32> to vector<1x256xf32>
      %min3A_586 = vector.broadcast %slice3A_584 : vector<64x1xf32> to vector<64x256xf32>
      %min3A_587 = vector.broadcast %slice3A_585 : vector<1x256xf32> to vector<64x256xf32>
      %min3A_588 = arith.minimumf %min3A_586, %min3A_587 : vector<64x256xf32>
      %add3A_589 = arith.addf %add3A_577, %min3A_588 : vector<64x256xf32>
      %slice3A_590 = vector.extract_strided_slice %get3A_559 {offsets = [0, 5], sizes = [64, 1], strides = [1, 1]} : vector<64x8xf32> to vector<64x1xf32>
      %slice3A_591 = vector.extract_strided_slice %get3A_552 {offsets = [5, 0], sizes = [1, 256], strides = [1, 1]} : vector<8x256xf32> to vector<1x256xf32>
      %min3A_592 = vector.broadcast %slice3A_590 : vector<64x1xf32> to vector<64x256xf32>
      %min3A_593 = vector.broadcast %slice3A_591 : vector<1x256xf32> to vector<64x256xf32>
      %min3A_594 = arith.minimumf %min3A_592, %min3A_593 : vector<64x256xf32>
      %add3A_595 = arith.addf %add3A_583, %min3A_594 : vector<64x256xf32>
      %slice3A_596 = vector.extract_strided_slice %get3A_559 {offsets = [0, 6], sizes = [64, 1], strides = [1, 1]} : vector<64x8xf32> to vector<64x1xf32>
      %slice3A_597 = vector.extract_strided_slice %get3A_552 {offsets = [6, 0], sizes = [1, 256], strides = [1, 1]} : vector<8x256xf32> to vector<1x256xf32>
      %min3A_598 = vector.broadcast %slice3A_596 : vector<64x1xf32> to vector<64x256xf32>
      %min3A_599 = vector.broadcast %slice3A_597 : vector<1x256xf32> to vector<64x256xf32>
      %min3A_600 = arith.minimumf %min3A_598, %min3A_599 : vector<64x256xf32>
      %add3A_601 = arith.addf %add3A_589, %min3A_600 : vector<64x256xf32>
      %slice3A_602 = vector.extract_strided_slice %get3A_559 {offsets = [0, 7], sizes = [64, 1], strides = [1, 1]} : vector<64x8xf32> to vector<64x1xf32>
      %slice3A_603 = vector.extract_strided_slice %get3A_552 {offsets = [7, 0], sizes = [1, 256], strides = [1, 1]} : vector<8x256xf32> to vector<1x256xf32>
      %min3A_604 = vector.broadcast %slice3A_602 : vector<64x1xf32> to vector<64x256xf32>
      %min3A_605 = vector.broadcast %slice3A_603 : vector<1x256xf32> to vector<64x256xf32>
      %min3A_606 = arith.minimumf %min3A_604, %min3A_605 : vector<64x256xf32>
      %add3A_607 = arith.addf %add3A_595, %min3A_606 : vector<64x256xf32>
      %get3A_608 = arith.constant 0 : index
      %get3A_609 = arith.constant 40 : index
      %get3A_610 = arith.constant 0 : index
      %get3A_611 = vector.load %arg1[%get3A_608, %get3A_609, %get3A_610] : memref<1x128x256xf32, #tpu.memory_space<vmem>>, vector<1x8x256xf32>
      %get3A_612 = vector.shape_cast %get3A_611 : vector<1x8x256xf32> to vector<8x256xf32>
      %mul3A_613 = arith.constant 64 : i32
      %mul3A_614 = arith.muli %scan3A_304, %mul3A_613 : i32
      %get3A_615 = arith.constant 5 : index
      %get3A_616 = arith.index_cast %mul3A_614 : i32 to index
      %get3A_617 = arith.constant 0 : index
      %get3A_618 = vector.load %arg5[%get3A_615, %get3A_616, %get3A_617] : memref<16x256x8xf32, #tpu.memory_space<vmem>>, vector<1x64x8xf32>
      %get3A_619 = vector.shape_cast %get3A_618 : vector<1x64x8xf32> to vector<64x8xf32>
      %slice3A_620 = vector.extract_strided_slice %get3A_619 {offsets = [0, 0], sizes = [64, 1], strides = [1, 1]} : vector<64x8xf32> to vector<64x1xf32>
      %slice3A_621 = vector.extract_strided_slice %get3A_612 {offsets = [0, 0], sizes = [1, 256], strides = [1, 1]} : vector<8x256xf32> to vector<1x256xf32>
      %min3A_622 = vector.broadcast %slice3A_620 : vector<64x1xf32> to vector<64x256xf32>
      %min3A_623 = vector.broadcast %slice3A_621 : vector<1x256xf32> to vector<64x256xf32>
      %min3A_624 = arith.minimumf %min3A_622, %min3A_623 : vector<64x256xf32>
      %add3A_625 = arith.addf %add3A_601, %min3A_624 : vector<64x256xf32>
      %slice3A_626 = vector.extract_strided_slice %get3A_619 {offsets = [0, 1], sizes = [64, 1], strides = [1, 1]} : vector<64x8xf32> to vector<64x1xf32>
      %slice3A_627 = vector.extract_strided_slice %get3A_612 {offsets = [1, 0], sizes = [1, 256], strides = [1, 1]} : vector<8x256xf32> to vector<1x256xf32>
      %min3A_628 = vector.broadcast %slice3A_626 : vector<64x1xf32> to vector<64x256xf32>
      %min3A_629 = vector.broadcast %slice3A_627 : vector<1x256xf32> to vector<64x256xf32>
      %min3A_630 = arith.minimumf %min3A_628, %min3A_629 : vector<64x256xf32>
      %add3A_631 = arith.addf %add3A_607, %min3A_630 : vector<64x256xf32>
      %slice3A_632 = vector.extract_strided_slice %get3A_619 {offsets = [0, 2], sizes = [64, 1], strides = [1, 1]} : vector<64x8xf32> to vector<64x1xf32>
      %slice3A_633 = vector.extract_strided_slice %get3A_612 {offsets = [2, 0], sizes = [1, 256], strides = [1, 1]} : vector<8x256xf32> to vector<1x256xf32>
      %min3A_634 = vector.broadcast %slice3A_632 : vector<64x1xf32> to vector<64x256xf32>
      %min3A_635 = vector.broadcast %slice3A_633 : vector<1x256xf32> to vector<64x256xf32>
      %min3A_636 = arith.minimumf %min3A_634, %min3A_635 : vector<64x256xf32>
      %add3A_637 = arith.addf %add3A_625, %min3A_636 : vector<64x256xf32>
      %slice3A_638 = vector.extract_strided_slice %get3A_619 {offsets = [0, 3], sizes = [64, 1], strides = [1, 1]} : vector<64x8xf32> to vector<64x1xf32>
      %slice3A_639 = vector.extract_strided_slice %get3A_612 {offsets = [3, 0], sizes = [1, 256], strides = [1, 1]} : vector<8x256xf32> to vector<1x256xf32>
      %min3A_640 = vector.broadcast %slice3A_638 : vector<64x1xf32> to vector<64x256xf32>
      %min3A_641 = vector.broadcast %slice3A_639 : vector<1x256xf32> to vector<64x256xf32>
      %min3A_642 = arith.minimumf %min3A_640, %min3A_641 : vector<64x256xf32>
      %add3A_643 = arith.addf %add3A_631, %min3A_642 : vector<64x256xf32>
      %slice3A_644 = vector.extract_strided_slice %get3A_619 {offsets = [0, 4], sizes = [64, 1], strides = [1, 1]} : vector<64x8xf32> to vector<64x1xf32>
      %slice3A_645 = vector.extract_strided_slice %get3A_612 {offsets = [4, 0], sizes = [1, 256], strides = [1, 1]} : vector<8x256xf32> to vector<1x256xf32>
      %min3A_646 = vector.broadcast %slice3A_644 : vector<64x1xf32> to vector<64x256xf32>
      %min3A_647 = vector.broadcast %slice3A_645 : vector<1x256xf32> to vector<64x256xf32>
      %min3A_648 = arith.minimumf %min3A_646, %min3A_647 : vector<64x256xf32>
      %add3A_649 = arith.addf %add3A_637, %min3A_648 : vector<64x256xf32>
      %slice3A_650 = vector.extract_strided_slice %get3A_619 {offsets = [0, 5], sizes = [64, 1], strides = [1, 1]} : vector<64x8xf32> to vector<64x1xf32>
      %slice3A_651 = vector.extract_strided_slice %get3A_612 {offsets = [5, 0], sizes = [1, 256], strides = [1, 1]} : vector<8x256xf32> to vector<1x256xf32>
      %min3A_652 = vector.broadcast %slice3A_650 : vector<64x1xf32> to vector<64x256xf32>
      %min3A_653 = vector.broadcast %slice3A_651 : vector<1x256xf32> to vector<64x256xf32>
      %min3A_654 = arith.minimumf %min3A_652, %min3A_653 : vector<64x256xf32>
      %add3A_655 = arith.addf %add3A_643, %min3A_654 : vector<64x256xf32>
      %slice3A_656 = vector.extract_strided_slice %get3A_619 {offsets = [0, 6], sizes = [64, 1], strides = [1, 1]} : vector<64x8xf32> to vector<64x1xf32>
      %slice3A_657 = vector.extract_strided_slice %get3A_612 {offsets = [6, 0], sizes = [1, 256], strides = [1, 1]} : vector<8x256xf32> to vector<1x256xf32>
      %min3A_658 = vector.broadcast %slice3A_656 : vector<64x1xf32> to vector<64x256xf32>
      %min3A_659 = vector.broadcast %slice3A_657 : vector<1x256xf32> to vector<64x256xf32>
      %min3A_660 = arith.minimumf %min3A_658, %min3A_659 : vector<64x256xf32>
      %add3A_661 = arith.addf %add3A_649, %min3A_660 : vector<64x256xf32>
      %slice3A_662 = vector.extract_strided_slice %get3A_619 {offsets = [0, 7], sizes = [64, 1], strides = [1, 1]} : vector<64x8xf32> to vector<64x1xf32>
      %slice3A_663 = vector.extract_strided_slice %get3A_612 {offsets = [7, 0], sizes = [1, 256], strides = [1, 1]} : vector<8x256xf32> to vector<1x256xf32>
      %min3A_664 = vector.broadcast %slice3A_662 : vector<64x1xf32> to vector<64x256xf32>
      %min3A_665 = vector.broadcast %slice3A_663 : vector<1x256xf32> to vector<64x256xf32>
      %min3A_666 = arith.minimumf %min3A_664, %min3A_665 : vector<64x256xf32>
      %add3A_667 = arith.addf %add3A_655, %min3A_666 : vector<64x256xf32>
      %get3A_668 = arith.constant 0 : index
      %get3A_669 = arith.constant 48 : index
      %get3A_670 = arith.constant 0 : index
      %get3A_671 = vector.load %arg1[%get3A_668, %get3A_669, %get3A_670] : memref<1x128x256xf32, #tpu.memory_space<vmem>>, vector<1x8x256xf32>
      %get3A_672 = vector.shape_cast %get3A_671 : vector<1x8x256xf32> to vector<8x256xf32>
      %mul3A_673 = arith.constant 64 : i32
      %mul3A_674 = arith.muli %scan3A_304, %mul3A_673 : i32
      %get3A_675 = arith.constant 6 : index
      %get3A_676 = arith.index_cast %mul3A_674 : i32 to index
      %get3A_677 = arith.constant 0 : index
      %get3A_678 = vector.load %arg5[%get3A_675, %get3A_676, %get3A_677] : memref<16x256x8xf32, #tpu.memory_space<vmem>>, vector<1x64x8xf32>
      %get3A_679 = vector.shape_cast %get3A_678 : vector<1x64x8xf32> to vector<64x8xf32>
      %slice3A_680 = vector.extract_strided_slice %get3A_679 {offsets = [0, 0], sizes = [64, 1], strides = [1, 1]} : vector<64x8xf32> to vector<64x1xf32>
      %slice3A_681 = vector.extract_strided_slice %get3A_672 {offsets = [0, 0], sizes = [1, 256], strides = [1, 1]} : vector<8x256xf32> to vector<1x256xf32>
      %min3A_682 = vector.broadcast %slice3A_680 : vector<64x1xf32> to vector<64x256xf32>
      %min3A_683 = vector.broadcast %slice3A_681 : vector<1x256xf32> to vector<64x256xf32>
      %min3A_684 = arith.minimumf %min3A_682, %min3A_683 : vector<64x256xf32>
      %add3A_685 = arith.addf %add3A_661, %min3A_684 : vector<64x256xf32>
      %slice3A_686 = vector.extract_strided_slice %get3A_679 {offsets = [0, 1], sizes = [64, 1], strides = [1, 1]} : vector<64x8xf32> to vector<64x1xf32>
      %slice3A_687 = vector.extract_strided_slice %get3A_672 {offsets = [1, 0], sizes = [1, 256], strides = [1, 1]} : vector<8x256xf32> to vector<1x256xf32>
      %min3A_688 = vector.broadcast %slice3A_686 : vector<64x1xf32> to vector<64x256xf32>
      %min3A_689 = vector.broadcast %slice3A_687 : vector<1x256xf32> to vector<64x256xf32>
      %min3A_690 = arith.minimumf %min3A_688, %min3A_689 : vector<64x256xf32>
      %add3A_691 = arith.addf %add3A_667, %min3A_690 : vector<64x256xf32>
      %slice3A_692 = vector.extract_strided_slice %get3A_679 {offsets = [0, 2], sizes = [64, 1], strides = [1, 1]} : vector<64x8xf32> to vector<64x1xf32>
      %slice3A_693 = vector.extract_strided_slice %get3A_672 {offsets = [2, 0], sizes = [1, 256], strides = [1, 1]} : vector<8x256xf32> to vector<1x256xf32>
      %min3A_694 = vector.broadcast %slice3A_692 : vector<64x1xf32> to vector<64x256xf32>
      %min3A_695 = vector.broadcast %slice3A_693 : vector<1x256xf32> to vector<64x256xf32>
      %min3A_696 = arith.minimumf %min3A_694, %min3A_695 : vector<64x256xf32>
      %add3A_697 = arith.addf %add3A_685, %min3A_696 : vector<64x256xf32>
      %slice3A_698 = vector.extract_strided_slice %get3A_679 {offsets = [0, 3], sizes = [64, 1], strides = [1, 1]} : vector<64x8xf32> to vector<64x1xf32>
      %slice3A_699 = vector.extract_strided_slice %get3A_672 {offsets = [3, 0], sizes = [1, 256], strides = [1, 1]} : vector<8x256xf32> to vector<1x256xf32>
      %min3A_700 = vector.broadcast %slice3A_698 : vector<64x1xf32> to vector<64x256xf32>
      %min3A_701 = vector.broadcast %slice3A_699 : vector<1x256xf32> to vector<64x256xf32>
      %min3A_702 = arith.minimumf %min3A_700, %min3A_701 : vector<64x256xf32>
      %add3A_703 = arith.addf %add3A_691, %min3A_702 : vector<64x256xf32>
      %slice3A_704 = vector.extract_strided_slice %get3A_679 {offsets = [0, 4], sizes = [64, 1], strides = [1, 1]} : vector<64x8xf32> to vector<64x1xf32>
      %slice3A_705 = vector.extract_strided_slice %get3A_672 {offsets = [4, 0], sizes = [1, 256], strides = [1, 1]} : vector<8x256xf32> to vector<1x256xf32>
      %min3A_706 = vector.broadcast %slice3A_704 : vector<64x1xf32> to vector<64x256xf32>
      %min3A_707 = vector.broadcast %slice3A_705 : vector<1x256xf32> to vector<64x256xf32>
      %min3A_708 = arith.minimumf %min3A_706, %min3A_707 : vector<64x256xf32>
      %add3A_709 = arith.addf %add3A_697, %min3A_708 : vector<64x256xf32>
      %slice3A_710 = vector.extract_strided_slice %get3A_679 {offsets = [0, 5], sizes = [64, 1], strides = [1, 1]} : vector<64x8xf32> to vector<64x1xf32>
      %slice3A_711 = vector.extract_strided_slice %get3A_672 {offsets = [5, 0], sizes = [1, 256], strides = [1, 1]} : vector<8x256xf32> to vector<1x256xf32>
      %min3A_712 = vector.broadcast %slice3A_710 : vector<64x1xf32> to vector<64x256xf32>
      %min3A_713 = vector.broadcast %slice3A_711 : vector<1x256xf32> to vector<64x256xf32>
      %min3A_714 = arith.minimumf %min3A_712, %min3A_713 : vector<64x256xf32>
      %add3A_715 = arith.addf %add3A_703, %min3A_714 : vector<64x256xf32>
      %slice3A_716 = vector.extract_strided_slice %get3A_679 {offsets = [0, 6], sizes = [64, 1], strides = [1, 1]} : vector<64x8xf32> to vector<64x1xf32>
      %slice3A_717 = vector.extract_strided_slice %get3A_672 {offsets = [6, 0], sizes = [1, 256], strides = [1, 1]} : vector<8x256xf32> to vector<1x256xf32>
      %min3A_718 = vector.broadcast %slice3A_716 : vector<64x1xf32> to vector<64x256xf32>
      %min3A_719 = vector.broadcast %slice3A_717 : vector<1x256xf32> to vector<64x256xf32>
      %min3A_720 = arith.minimumf %min3A_718, %min3A_719 : vector<64x256xf32>
      %add3A_721 = arith.addf %add3A_709, %min3A_720 : vector<64x256xf32>
      %slice3A_722 = vector.extract_strided_slice %get3A_679 {offsets = [0, 7], sizes = [64, 1], strides = [1, 1]} : vector<64x8xf32> to vector<64x1xf32>
      %slice3A_723 = vector.extract_strided_slice %get3A_672 {offsets = [7, 0], sizes = [1, 256], strides = [1, 1]} : vector<8x256xf32> to vector<1x256xf32>
      %min3A_724 = vector.broadcast %slice3A_722 : vector<64x1xf32> to vector<64x256xf32>
      %min3A_725 = vector.broadcast %slice3A_723 : vector<1x256xf32> to vector<64x256xf32>
      %min3A_726 = arith.minimumf %min3A_724, %min3A_725 : vector<64x256xf32>
      %add3A_727 = arith.addf %add3A_715, %min3A_726 : vector<64x256xf32>
      %get3A_728 = arith.constant 0 : index
      %get3A_729 = arith.constant 56 : index
      %get3A_730 = arith.constant 0 : index
      %get3A_731 = vector.load %arg1[%get3A_728, %get3A_729, %get3A_730] : memref<1x128x256xf32, #tpu.memory_space<vmem>>, vector<1x8x256xf32>
      %get3A_732 = vector.shape_cast %get3A_731 : vector<1x8x256xf32> to vector<8x256xf32>
      %mul3A_733 = arith.constant 64 : i32
      %mul3A_734 = arith.muli %scan3A_304, %mul3A_733 : i32
      %get3A_735 = arith.constant 7 : index
      %get3A_736 = arith.index_cast %mul3A_734 : i32 to index
      %get3A_737 = arith.constant 0 : index
      %get3A_738 = vector.load %arg5[%get3A_735, %get3A_736, %get3A_737] : memref<16x256x8xf32, #tpu.memory_space<vmem>>, vector<1x64x8xf32>
      %get3A_739 = vector.shape_cast %get3A_738 : vector<1x64x8xf32> to vector<64x8xf32>
      %slice3A_740 = vector.extract_strided_slice %get3A_739 {offsets = [0, 0], sizes = [64, 1], strides = [1, 1]} : vector<64x8xf32> to vector<64x1xf32>
      %slice3A_741 = vector.extract_strided_slice %get3A_732 {offsets = [0, 0], sizes = [1, 256], strides = [1, 1]} : vector<8x256xf32> to vector<1x256xf32>
      %min3A_742 = vector.broadcast %slice3A_740 : vector<64x1xf32> to vector<64x256xf32>
      %min3A_743 = vector.broadcast %slice3A_741 : vector<1x256xf32> to vector<64x256xf32>
      %min3A_744 = arith.minimumf %min3A_742, %min3A_743 : vector<64x256xf32>
      %add3A_745 = arith.addf %add3A_721, %min3A_744 : vector<64x256xf32>
      %slice3A_746 = vector.extract_strided_slice %get3A_739 {offsets = [0, 1], sizes = [64, 1], strides = [1, 1]} : vector<64x8xf32> to vector<64x1xf32>
      %slice3A_747 = vector.extract_strided_slice %get3A_732 {offsets = [1, 0], sizes = [1, 256], strides = [1, 1]} : vector<8x256xf32> to vector<1x256xf32>
      %min3A_748 = vector.broadcast %slice3A_746 : vector<64x1xf32> to vector<64x256xf32>
      %min3A_749 = vector.broadcast %slice3A_747 : vector<1x256xf32> to vector<64x256xf32>
      %min3A_750 = arith.minimumf %min3A_748, %min3A_749 : vector<64x256xf32>
      %add3A_751 = arith.addf %add3A_727, %min3A_750 : vector<64x256xf32>
      %slice3A_752 = vector.extract_strided_slice %get3A_739 {offsets = [0, 2], sizes = [64, 1], strides = [1, 1]} : vector<64x8xf32> to vector<64x1xf32>
      %slice3A_753 = vector.extract_strided_slice %get3A_732 {offsets = [2, 0], sizes = [1, 256], strides = [1, 1]} : vector<8x256xf32> to vector<1x256xf32>
      %min3A_754 = vector.broadcast %slice3A_752 : vector<64x1xf32> to vector<64x256xf32>
      %min3A_755 = vector.broadcast %slice3A_753 : vector<1x256xf32> to vector<64x256xf32>
      %min3A_756 = arith.minimumf %min3A_754, %min3A_755 : vector<64x256xf32>
      %add3A_757 = arith.addf %add3A_745, %min3A_756 : vector<64x256xf32>
      %slice3A_758 = vector.extract_strided_slice %get3A_739 {offsets = [0, 3], sizes = [64, 1], strides = [1, 1]} : vector<64x8xf32> to vector<64x1xf32>
      %slice3A_759 = vector.extract_strided_slice %get3A_732 {offsets = [3, 0], sizes = [1, 256], strides = [1, 1]} : vector<8x256xf32> to vector<1x256xf32>
      %min3A_760 = vector.broadcast %slice3A_758 : vector<64x1xf32> to vector<64x256xf32>
      %min3A_761 = vector.broadcast %slice3A_759 : vector<1x256xf32> to vector<64x256xf32>
      %min3A_762 = arith.minimumf %min3A_760, %min3A_761 : vector<64x256xf32>
      %add3A_763 = arith.addf %add3A_751, %min3A_762 : vector<64x256xf32>
      %slice3A_764 = vector.extract_strided_slice %get3A_739 {offsets = [0, 4], sizes = [64, 1], strides = [1, 1]} : vector<64x8xf32> to vector<64x1xf32>
      %slice3A_765 = vector.extract_strided_slice %get3A_732 {offsets = [4, 0], sizes = [1, 256], strides = [1, 1]} : vector<8x256xf32> to vector<1x256xf32>
      %min3A_766 = vector.broadcast %slice3A_764 : vector<64x1xf32> to vector<64x256xf32>
      %min3A_767 = vector.broadcast %slice3A_765 : vector<1x256xf32> to vector<64x256xf32>
      %min3A_768 = arith.minimumf %min3A_766, %min3A_767 : vector<64x256xf32>
      %add3A_769 = arith.addf %add3A_757, %min3A_768 : vector<64x256xf32>
      %slice3A_770 = vector.extract_strided_slice %get3A_739 {offsets = [0, 5], sizes = [64, 1], strides = [1, 1]} : vector<64x8xf32> to vector<64x1xf32>
      %slice3A_771 = vector.extract_strided_slice %get3A_732 {offsets = [5, 0], sizes = [1, 256], strides = [1, 1]} : vector<8x256xf32> to vector<1x256xf32>
      %min3A_772 = vector.broadcast %slice3A_770 : vector<64x1xf32> to vector<64x256xf32>
      %min3A_773 = vector.broadcast %slice3A_771 : vector<1x256xf32> to vector<64x256xf32>
      %min3A_774 = arith.minimumf %min3A_772, %min3A_773 : vector<64x256xf32>
      %add3A_775 = arith.addf %add3A_763, %min3A_774 : vector<64x256xf32>
      %slice3A_776 = vector.extract_strided_slice %get3A_739 {offsets = [0, 6], sizes = [64, 1], strides = [1, 1]} : vector<64x8xf32> to vector<64x1xf32>
      %slice3A_777 = vector.extract_strided_slice %get3A_732 {offsets = [6, 0], sizes = [1, 256], strides = [1, 1]} : vector<8x256xf32> to vector<1x256xf32>
      %min3A_778 = vector.broadcast %slice3A_776 : vector<64x1xf32> to vector<64x256xf32>
      %min3A_779 = vector.broadcast %slice3A_777 : vector<1x256xf32> to vector<64x256xf32>
      %min3A_780 = arith.minimumf %min3A_778, %min3A_779 : vector<64x256xf32>
      %add3A_781 = arith.addf %add3A_769, %min3A_780 : vector<64x256xf32>
      %slice3A_782 = vector.extract_strided_slice %get3A_739 {offsets = [0, 7], sizes = [64, 1], strides = [1, 1]} : vector<64x8xf32> to vector<64x1xf32>
      %slice3A_783 = vector.extract_strided_slice %get3A_732 {offsets = [7, 0], sizes = [1, 256], strides = [1, 1]} : vector<8x256xf32> to vector<1x256xf32>
      %min3A_784 = vector.broadcast %slice3A_782 : vector<64x1xf32> to vector<64x256xf32>
      %min3A_785 = vector.broadcast %slice3A_783 : vector<1x256xf32> to vector<64x256xf32>
      %min3A_786 = arith.minimumf %min3A_784, %min3A_785 : vector<64x256xf32>
      %add3A_787 = arith.addf %add3A_775, %min3A_786 : vector<64x256xf32>
      %get3A_788 = arith.constant 0 : index
      %get3A_789 = arith.constant 64 : index
      %get3A_790 = arith.constant 0 : index
      %get3A_791 = vector.load %arg1[%get3A_788, %get3A_789, %get3A_790] : memref<1x128x256xf32, #tpu.memory_space<vmem>>, vector<1x8x256xf32>
      %get3A_792 = vector.shape_cast %get3A_791 : vector<1x8x256xf32> to vector<8x256xf32>
      %mul3A_793 = arith.constant 64 : i32
      %mul3A_794 = arith.muli %scan3A_304, %mul3A_793 : i32
      %get3A_795 = arith.constant 8 : index
      %get3A_796 = arith.index_cast %mul3A_794 : i32 to index
      %get3A_797 = arith.constant 0 : index
      %get3A_798 = vector.load %arg5[%get3A_795, %get3A_796, %get3A_797] : memref<16x256x8xf32, #tpu.memory_space<vmem>>, vector<1x64x8xf32>
      %get3A_799 = vector.shape_cast %get3A_798 : vector<1x64x8xf32> to vector<64x8xf32>
      %slice3A_800 = vector.extract_strided_slice %get3A_799 {offsets = [0, 0], sizes = [64, 1], strides = [1, 1]} : vector<64x8xf32> to vector<64x1xf32>
      %slice3A_801 = vector.extract_strided_slice %get3A_792 {offsets = [0, 0], sizes = [1, 256], strides = [1, 1]} : vector<8x256xf32> to vector<1x256xf32>
      %min3A_802 = vector.broadcast %slice3A_800 : vector<64x1xf32> to vector<64x256xf32>
      %min3A_803 = vector.broadcast %slice3A_801 : vector<1x256xf32> to vector<64x256xf32>
      %min3A_804 = arith.minimumf %min3A_802, %min3A_803 : vector<64x256xf32>
      %add3A_805 = arith.addf %add3A_781, %min3A_804 : vector<64x256xf32>
      %slice3A_806 = vector.extract_strided_slice %get3A_799 {offsets = [0, 1], sizes = [64, 1], strides = [1, 1]} : vector<64x8xf32> to vector<64x1xf32>
      %slice3A_807 = vector.extract_strided_slice %get3A_792 {offsets = [1, 0], sizes = [1, 256], strides = [1, 1]} : vector<8x256xf32> to vector<1x256xf32>
      %min3A_808 = vector.broadcast %slice3A_806 : vector<64x1xf32> to vector<64x256xf32>
      %min3A_809 = vector.broadcast %slice3A_807 : vector<1x256xf32> to vector<64x256xf32>
      %min3A_810 = arith.minimumf %min3A_808, %min3A_809 : vector<64x256xf32>
      %add3A_811 = arith.addf %add3A_787, %min3A_810 : vector<64x256xf32>
      %slice3A_812 = vector.extract_strided_slice %get3A_799 {offsets = [0, 2], sizes = [64, 1], strides = [1, 1]} : vector<64x8xf32> to vector<64x1xf32>
      %slice3A_813 = vector.extract_strided_slice %get3A_792 {offsets = [2, 0], sizes = [1, 256], strides = [1, 1]} : vector<8x256xf32> to vector<1x256xf32>
      %min3A_814 = vector.broadcast %slice3A_812 : vector<64x1xf32> to vector<64x256xf32>
      %min3A_815 = vector.broadcast %slice3A_813 : vector<1x256xf32> to vector<64x256xf32>
      %min3A_816 = arith.minimumf %min3A_814, %min3A_815 : vector<64x256xf32>
      %add3A_817 = arith.addf %add3A_805, %min3A_816 : vector<64x256xf32>
      %slice3A_818 = vector.extract_strided_slice %get3A_799 {offsets = [0, 3], sizes = [64, 1], strides = [1, 1]} : vector<64x8xf32> to vector<64x1xf32>
      %slice3A_819 = vector.extract_strided_slice %get3A_792 {offsets = [3, 0], sizes = [1, 256], strides = [1, 1]} : vector<8x256xf32> to vector<1x256xf32>
      %min3A_820 = vector.broadcast %slice3A_818 : vector<64x1xf32> to vector<64x256xf32>
      %min3A_821 = vector.broadcast %slice3A_819 : vector<1x256xf32> to vector<64x256xf32>
      %min3A_822 = arith.minimumf %min3A_820, %min3A_821 : vector<64x256xf32>
      %add3A_823 = arith.addf %add3A_811, %min3A_822 : vector<64x256xf32>
      %slice3A_824 = vector.extract_strided_slice %get3A_799 {offsets = [0, 4], sizes = [64, 1], strides = [1, 1]} : vector<64x8xf32> to vector<64x1xf32>
      %slice3A_825 = vector.extract_strided_slice %get3A_792 {offsets = [4, 0], sizes = [1, 256], strides = [1, 1]} : vector<8x256xf32> to vector<1x256xf32>
      %min3A_826 = vector.broadcast %slice3A_824 : vector<64x1xf32> to vector<64x256xf32>
      %min3A_827 = vector.broadcast %slice3A_825 : vector<1x256xf32> to vector<64x256xf32>
      %min3A_828 = arith.minimumf %min3A_826, %min3A_827 : vector<64x256xf32>
      %add3A_829 = arith.addf %add3A_817, %min3A_828 : vector<64x256xf32>
      %slice3A_830 = vector.extract_strided_slice %get3A_799 {offsets = [0, 5], sizes = [64, 1], strides = [1, 1]} : vector<64x8xf32> to vector<64x1xf32>
      %slice3A_831 = vector.extract_strided_slice %get3A_792 {offsets = [5, 0], sizes = [1, 256], strides = [1, 1]} : vector<8x256xf32> to vector<1x256xf32>
      %min3A_832 = vector.broadcast %slice3A_830 : vector<64x1xf32> to vector<64x256xf32>
      %min3A_833 = vector.broadcast %slice3A_831 : vector<1x256xf32> to vector<64x256xf32>
      %min3A_834 = arith.minimumf %min3A_832, %min3A_833 : vector<64x256xf32>
      %add3A_835 = arith.addf %add3A_823, %min3A_834 : vector<64x256xf32>
      %slice3A_836 = vector.extract_strided_slice %get3A_799 {offsets = [0, 6], sizes = [64, 1], strides = [1, 1]} : vector<64x8xf32> to vector<64x1xf32>
      %slice3A_837 = vector.extract_strided_slice %get3A_792 {offsets = [6, 0], sizes = [1, 256], strides = [1, 1]} : vector<8x256xf32> to vector<1x256xf32>
      %min3A_838 = vector.broadcast %slice3A_836 : vector<64x1xf32> to vector<64x256xf32>
      %min3A_839 = vector.broadcast %slice3A_837 : vector<1x256xf32> to vector<64x256xf32>
      %min3A_840 = arith.minimumf %min3A_838, %min3A_839 : vector<64x256xf32>
      %add3A_841 = arith.addf %add3A_829, %min3A_840 : vector<64x256xf32>
      %slice3A_842 = vector.extract_strided_slice %get3A_799 {offsets = [0, 7], sizes = [64, 1], strides = [1, 1]} : vector<64x8xf32> to vector<64x1xf32>
      %slice3A_843 = vector.extract_strided_slice %get3A_792 {offsets = [7, 0], sizes = [1, 256], strides = [1, 1]} : vector<8x256xf32> to vector<1x256xf32>
      %min3A_844 = vector.broadcast %slice3A_842 : vector<64x1xf32> to vector<64x256xf32>
      %min3A_845 = vector.broadcast %slice3A_843 : vector<1x256xf32> to vector<64x256xf32>
      %min3A_846 = arith.minimumf %min3A_844, %min3A_845 : vector<64x256xf32>
      %add3A_847 = arith.addf %add3A_835, %min3A_846 : vector<64x256xf32>
      %get3A_848 = arith.constant 0 : index
      %get3A_849 = arith.constant 72 : index
      %get3A_850 = arith.constant 0 : index
      %get3A_851 = vector.load %arg1[%get3A_848, %get3A_849, %get3A_850] : memref<1x128x256xf32, #tpu.memory_space<vmem>>, vector<1x8x256xf32>
      %get3A_852 = vector.shape_cast %get3A_851 : vector<1x8x256xf32> to vector<8x256xf32>
      %mul3A_853 = arith.constant 64 : i32
      %mul3A_854 = arith.muli %scan3A_304, %mul3A_853 : i32
      %get3A_855 = arith.constant 9 : index
      %get3A_856 = arith.index_cast %mul3A_854 : i32 to index
      %get3A_857 = arith.constant 0 : index
      %get3A_858 = vector.load %arg5[%get3A_855, %get3A_856, %get3A_857] : memref<16x256x8xf32, #tpu.memory_space<vmem>>, vector<1x64x8xf32>
      %get3A_859 = vector.shape_cast %get3A_858 : vector<1x64x8xf32> to vector<64x8xf32>
      %slice3A_860 = vector.extract_strided_slice %get3A_859 {offsets = [0, 0], sizes = [64, 1], strides = [1, 1]} : vector<64x8xf32> to vector<64x1xf32>
      %slice3A_861 = vector.extract_strided_slice %get3A_852 {offsets = [0, 0], sizes = [1, 256], strides = [1, 1]} : vector<8x256xf32> to vector<1x256xf32>
      %min3A_862 = vector.broadcast %slice3A_860 : vector<64x1xf32> to vector<64x256xf32>
      %min3A_863 = vector.broadcast %slice3A_861 : vector<1x256xf32> to vector<64x256xf32>
      %min3A_864 = arith.minimumf %min3A_862, %min3A_863 : vector<64x256xf32>
      %add3A_865 = arith.addf %add3A_841, %min3A_864 : vector<64x256xf32>
      %slice3A_866 = vector.extract_strided_slice %get3A_859 {offsets = [0, 1], sizes = [64, 1], strides = [1, 1]} : vector<64x8xf32> to vector<64x1xf32>
      %slice3A_867 = vector.extract_strided_slice %get3A_852 {offsets = [1, 0], sizes = [1, 256], strides = [1, 1]} : vector<8x256xf32> to vector<1x256xf32>
      %min3A_868 = vector.broadcast %slice3A_866 : vector<64x1xf32> to vector<64x256xf32>
      %min3A_869 = vector.broadcast %slice3A_867 : vector<1x256xf32> to vector<64x256xf32>
      %min3A_870 = arith.minimumf %min3A_868, %min3A_869 : vector<64x256xf32>
      %add3A_871 = arith.addf %add3A_847, %min3A_870 : vector<64x256xf32>
      %slice3A_872 = vector.extract_strided_slice %get3A_859 {offsets = [0, 2], sizes = [64, 1], strides = [1, 1]} : vector<64x8xf32> to vector<64x1xf32>
      %slice3A_873 = vector.extract_strided_slice %get3A_852 {offsets = [2, 0], sizes = [1, 256], strides = [1, 1]} : vector<8x256xf32> to vector<1x256xf32>
      %min3A_874 = vector.broadcast %slice3A_872 : vector<64x1xf32> to vector<64x256xf32>
      %min3A_875 = vector.broadcast %slice3A_873 : vector<1x256xf32> to vector<64x256xf32>
      %min3A_876 = arith.minimumf %min3A_874, %min3A_875 : vector<64x256xf32>
      %add3A_877 = arith.addf %add3A_865, %min3A_876 : vector<64x256xf32>
      %slice3A_878 = vector.extract_strided_slice %get3A_859 {offsets = [0, 3], sizes = [64, 1], strides = [1, 1]} : vector<64x8xf32> to vector<64x1xf32>
      %slice3A_879 = vector.extract_strided_slice %get3A_852 {offsets = [3, 0], sizes = [1, 256], strides = [1, 1]} : vector<8x256xf32> to vector<1x256xf32>
      %min3A_880 = vector.broadcast %slice3A_878 : vector<64x1xf32> to vector<64x256xf32>
      %min3A_881 = vector.broadcast %slice3A_879 : vector<1x256xf32> to vector<64x256xf32>
      %min3A_882 = arith.minimumf %min3A_880, %min3A_881 : vector<64x256xf32>
      %add3A_883 = arith.addf %add3A_871, %min3A_882 : vector<64x256xf32>
      %slice3A_884 = vector.extract_strided_slice %get3A_859 {offsets = [0, 4], sizes = [64, 1], strides = [1, 1]} : vector<64x8xf32> to vector<64x1xf32>
      %slice3A_885 = vector.extract_strided_slice %get3A_852 {offsets = [4, 0], sizes = [1, 256], strides = [1, 1]} : vector<8x256xf32> to vector<1x256xf32>
      %min3A_886 = vector.broadcast %slice3A_884 : vector<64x1xf32> to vector<64x256xf32>
      %min3A_887 = vector.broadcast %slice3A_885 : vector<1x256xf32> to vector<64x256xf32>
      %min3A_888 = arith.minimumf %min3A_886, %min3A_887 : vector<64x256xf32>
      %add3A_889 = arith.addf %add3A_877, %min3A_888 : vector<64x256xf32>
      %slice3A_890 = vector.extract_strided_slice %get3A_859 {offsets = [0, 5], sizes = [64, 1], strides = [1, 1]} : vector<64x8xf32> to vector<64x1xf32>
      %slice3A_891 = vector.extract_strided_slice %get3A_852 {offsets = [5, 0], sizes = [1, 256], strides = [1, 1]} : vector<8x256xf32> to vector<1x256xf32>
      %min3A_892 = vector.broadcast %slice3A_890 : vector<64x1xf32> to vector<64x256xf32>
      %min3A_893 = vector.broadcast %slice3A_891 : vector<1x256xf32> to vector<64x256xf32>
      %min3A_894 = arith.minimumf %min3A_892, %min3A_893 : vector<64x256xf32>
      %add3A_895 = arith.addf %add3A_883, %min3A_894 : vector<64x256xf32>
      %slice3A_896 = vector.extract_strided_slice %get3A_859 {offsets = [0, 6], sizes = [64, 1], strides = [1, 1]} : vector<64x8xf32> to vector<64x1xf32>
      %slice3A_897 = vector.extract_strided_slice %get3A_852 {offsets = [6, 0], sizes = [1, 256], strides = [1, 1]} : vector<8x256xf32> to vector<1x256xf32>
      %min3A_898 = vector.broadcast %slice3A_896 : vector<64x1xf32> to vector<64x256xf32>
      %min3A_899 = vector.broadcast %slice3A_897 : vector<1x256xf32> to vector<64x256xf32>
      %min3A_900 = arith.minimumf %min3A_898, %min3A_899 : vector<64x256xf32>
      %add3A_901 = arith.addf %add3A_889, %min3A_900 : vector<64x256xf32>
      %slice3A_902 = vector.extract_strided_slice %get3A_859 {offsets = [0, 7], sizes = [64, 1], strides = [1, 1]} : vector<64x8xf32> to vector<64x1xf32>
      %slice3A_903 = vector.extract_strided_slice %get3A_852 {offsets = [7, 0], sizes = [1, 256], strides = [1, 1]} : vector<8x256xf32> to vector<1x256xf32>
      %min3A_904 = vector.broadcast %slice3A_902 : vector<64x1xf32> to vector<64x256xf32>
      %min3A_905 = vector.broadcast %slice3A_903 : vector<1x256xf32> to vector<64x256xf32>
      %min3A_906 = arith.minimumf %min3A_904, %min3A_905 : vector<64x256xf32>
      %add3A_907 = arith.addf %add3A_895, %min3A_906 : vector<64x256xf32>
      %get3A_908 = arith.constant 0 : index
      %get3A_909 = arith.constant 80 : index
      %get3A_910 = arith.constant 0 : index
      %get3A_911 = vector.load %arg1[%get3A_908, %get3A_909, %get3A_910] : memref<1x128x256xf32, #tpu.memory_space<vmem>>, vector<1x8x256xf32>
      %get3A_912 = vector.shape_cast %get3A_911 : vector<1x8x256xf32> to vector<8x256xf32>
      %mul3A_913 = arith.constant 64 : i32
      %mul3A_914 = arith.muli %scan3A_304, %mul3A_913 : i32
      %get3A_915 = arith.constant 10 : index
      %get3A_916 = arith.index_cast %mul3A_914 : i32 to index
      %get3A_917 = arith.constant 0 : index
      %get3A_918 = vector.load %arg5[%get3A_915, %get3A_916, %get3A_917] : memref<16x256x8xf32, #tpu.memory_space<vmem>>, vector<1x64x8xf32>
      %get3A_919 = vector.shape_cast %get3A_918 : vector<1x64x8xf32> to vector<64x8xf32>
      %slice3A_920 = vector.extract_strided_slice %get3A_919 {offsets = [0, 0], sizes = [64, 1], strides = [1, 1]} : vector<64x8xf32> to vector<64x1xf32>
      %slice3A_921 = vector.extract_strided_slice %get3A_912 {offsets = [0, 0], sizes = [1, 256], strides = [1, 1]} : vector<8x256xf32> to vector<1x256xf32>
      %min3A_922 = vector.broadcast %slice3A_920 : vector<64x1xf32> to vector<64x256xf32>
      %min3A_923 = vector.broadcast %slice3A_921 : vector<1x256xf32> to vector<64x256xf32>
      %min3A_924 = arith.minimumf %min3A_922, %min3A_923 : vector<64x256xf32>
      %add3A_925 = arith.addf %add3A_901, %min3A_924 : vector<64x256xf32>
      %slice3A_926 = vector.extract_strided_slice %get3A_919 {offsets = [0, 1], sizes = [64, 1], strides = [1, 1]} : vector<64x8xf32> to vector<64x1xf32>
      %slice3A_927 = vector.extract_strided_slice %get3A_912 {offsets = [1, 0], sizes = [1, 256], strides = [1, 1]} : vector<8x256xf32> to vector<1x256xf32>
      %min3A_928 = vector.broadcast %slice3A_926 : vector<64x1xf32> to vector<64x256xf32>
      %min3A_929 = vector.broadcast %slice3A_927 : vector<1x256xf32> to vector<64x256xf32>
      %min3A_930 = arith.minimumf %min3A_928, %min3A_929 : vector<64x256xf32>
      %add3A_931 = arith.addf %add3A_907, %min3A_930 : vector<64x256xf32>
      %slice3A_932 = vector.extract_strided_slice %get3A_919 {offsets = [0, 2], sizes = [64, 1], strides = [1, 1]} : vector<64x8xf32> to vector<64x1xf32>
      %slice3A_933 = vector.extract_strided_slice %get3A_912 {offsets = [2, 0], sizes = [1, 256], strides = [1, 1]} : vector<8x256xf32> to vector<1x256xf32>
      %min3A_934 = vector.broadcast %slice3A_932 : vector<64x1xf32> to vector<64x256xf32>
      %min3A_935 = vector.broadcast %slice3A_933 : vector<1x256xf32> to vector<64x256xf32>
      %min3A_936 = arith.minimumf %min3A_934, %min3A_935 : vector<64x256xf32>
      %add3A_937 = arith.addf %add3A_925, %min3A_936 : vector<64x256xf32>
      %slice3A_938 = vector.extract_strided_slice %get3A_919 {offsets = [0, 3], sizes = [64, 1], strides = [1, 1]} : vector<64x8xf32> to vector<64x1xf32>
      %slice3A_939 = vector.extract_strided_slice %get3A_912 {offsets = [3, 0], sizes = [1, 256], strides = [1, 1]} : vector<8x256xf32> to vector<1x256xf32>
      %min3A_940 = vector.broadcast %slice3A_938 : vector<64x1xf32> to vector<64x256xf32>
      %min3A_941 = vector.broadcast %slice3A_939 : vector<1x256xf32> to vector<64x256xf32>
      %min3A_942 = arith.minimumf %min3A_940, %min3A_941 : vector<64x256xf32>
      %add3A_943 = arith.addf %add3A_931, %min3A_942 : vector<64x256xf32>
      %slice3A_944 = vector.extract_strided_slice %get3A_919 {offsets = [0, 4], sizes = [64, 1], strides = [1, 1]} : vector<64x8xf32> to vector<64x1xf32>
      %slice3A_945 = vector.extract_strided_slice %get3A_912 {offsets = [4, 0], sizes = [1, 256], strides = [1, 1]} : vector<8x256xf32> to vector<1x256xf32>
      %min3A_946 = vector.broadcast %slice3A_944 : vector<64x1xf32> to vector<64x256xf32>
      %min3A_947 = vector.broadcast %slice3A_945 : vector<1x256xf32> to vector<64x256xf32>
      %min3A_948 = arith.minimumf %min3A_946, %min3A_947 : vector<64x256xf32>
      %add3A_949 = arith.addf %add3A_937, %min3A_948 : vector<64x256xf32>
      %slice3A_950 = vector.extract_strided_slice %get3A_919 {offsets = [0, 5], sizes = [64, 1], strides = [1, 1]} : vector<64x8xf32> to vector<64x1xf32>
      %slice3A_951 = vector.extract_strided_slice %get3A_912 {offsets = [5, 0], sizes = [1, 256], strides = [1, 1]} : vector<8x256xf32> to vector<1x256xf32>
      %min3A_952 = vector.broadcast %slice3A_950 : vector<64x1xf32> to vector<64x256xf32>
      %min3A_953 = vector.broadcast %slice3A_951 : vector<1x256xf32> to vector<64x256xf32>
      %min3A_954 = arith.minimumf %min3A_952, %min3A_953 : vector<64x256xf32>
      %add3A_955 = arith.addf %add3A_943, %min3A_954 : vector<64x256xf32>
      %slice3A_956 = vector.extract_strided_slice %get3A_919 {offsets = [0, 6], sizes = [64, 1], strides = [1, 1]} : vector<64x8xf32> to vector<64x1xf32>
      %slice3A_957 = vector.extract_strided_slice %get3A_912 {offsets = [6, 0], sizes = [1, 256], strides = [1, 1]} : vector<8x256xf32> to vector<1x256xf32>
      %min3A_958 = vector.broadcast %slice3A_956 : vector<64x1xf32> to vector<64x256xf32>
      %min3A_959 = vector.broadcast %slice3A_957 : vector<1x256xf32> to vector<64x256xf32>
      %min3A_960 = arith.minimumf %min3A_958, %min3A_959 : vector<64x256xf32>
      %add3A_961 = arith.addf %add3A_949, %min3A_960 : vector<64x256xf32>
      %slice3A_962 = vector.extract_strided_slice %get3A_919 {offsets = [0, 7], sizes = [64, 1], strides = [1, 1]} : vector<64x8xf32> to vector<64x1xf32>
      %slice3A_963 = vector.extract_strided_slice %get3A_912 {offsets = [7, 0], sizes = [1, 256], strides = [1, 1]} : vector<8x256xf32> to vector<1x256xf32>
      %min3A_964 = vector.broadcast %slice3A_962 : vector<64x1xf32> to vector<64x256xf32>
      %min3A_965 = vector.broadcast %slice3A_963 : vector<1x256xf32> to vector<64x256xf32>
      %min3A_966 = arith.minimumf %min3A_964, %min3A_965 : vector<64x256xf32>
      %add3A_967 = arith.addf %add3A_955, %min3A_966 : vector<64x256xf32>
      %get3A_968 = arith.constant 0 : index
      %get3A_969 = arith.constant 88 : index
      %get3A_970 = arith.constant 0 : index
      %get3A_971 = vector.load %arg1[%get3A_968, %get3A_969, %get3A_970] : memref<1x128x256xf32, #tpu.memory_space<vmem>>, vector<1x8x256xf32>
      %get3A_972 = vector.shape_cast %get3A_971 : vector<1x8x256xf32> to vector<8x256xf32>
      %mul3A_973 = arith.constant 64 : i32
      %mul3A_974 = arith.muli %scan3A_304, %mul3A_973 : i32
      %get3A_975 = arith.constant 11 : index
      %get3A_976 = arith.index_cast %mul3A_974 : i32 to index
      %get3A_977 = arith.constant 0 : index
      %get3A_978 = vector.load %arg5[%get3A_975, %get3A_976, %get3A_977] : memref<16x256x8xf32, #tpu.memory_space<vmem>>, vector<1x64x8xf32>
      %get3A_979 = vector.shape_cast %get3A_978 : vector<1x64x8xf32> to vector<64x8xf32>
      %slice3A_980 = vector.extract_strided_slice %get3A_979 {offsets = [0, 0], sizes = [64, 1], strides = [1, 1]} : vector<64x8xf32> to vector<64x1xf32>
      %slice3A_981 = vector.extract_strided_slice %get3A_972 {offsets = [0, 0], sizes = [1, 256], strides = [1, 1]} : vector<8x256xf32> to vector<1x256xf32>
      %min3A_982 = vector.broadcast %slice3A_980 : vector<64x1xf32> to vector<64x256xf32>
      %min3A_983 = vector.broadcast %slice3A_981 : vector<1x256xf32> to vector<64x256xf32>
      %min3A_984 = arith.minimumf %min3A_982, %min3A_983 : vector<64x256xf32>
      %add3A_985 = arith.addf %add3A_961, %min3A_984 : vector<64x256xf32>
      %slice3A_986 = vector.extract_strided_slice %get3A_979 {offsets = [0, 1], sizes = [64, 1], strides = [1, 1]} : vector<64x8xf32> to vector<64x1xf32>
      %slice3A_987 = vector.extract_strided_slice %get3A_972 {offsets = [1, 0], sizes = [1, 256], strides = [1, 1]} : vector<8x256xf32> to vector<1x256xf32>
      %min3A_988 = vector.broadcast %slice3A_986 : vector<64x1xf32> to vector<64x256xf32>
      %min3A_989 = vector.broadcast %slice3A_987 : vector<1x256xf32> to vector<64x256xf32>
      %min3A_990 = arith.minimumf %min3A_988, %min3A_989 : vector<64x256xf32>
      %add3A_991 = arith.addf %add3A_967, %min3A_990 : vector<64x256xf32>
      %slice3A_992 = vector.extract_strided_slice %get3A_979 {offsets = [0, 2], sizes = [64, 1], strides = [1, 1]} : vector<64x8xf32> to vector<64x1xf32>
      %slice3A_993 = vector.extract_strided_slice %get3A_972 {offsets = [2, 0], sizes = [1, 256], strides = [1, 1]} : vector<8x256xf32> to vector<1x256xf32>
      %min3A_994 = vector.broadcast %slice3A_992 : vector<64x1xf32> to vector<64x256xf32>
      %min3A_995 = vector.broadcast %slice3A_993 : vector<1x256xf32> to vector<64x256xf32>
      %min3A_996 = arith.minimumf %min3A_994, %min3A_995 : vector<64x256xf32>
      %add3A_997 = arith.addf %add3A_985, %min3A_996 : vector<64x256xf32>
      %slice3A_998 = vector.extract_strided_slice %get3A_979 {offsets = [0, 3], sizes = [64, 1], strides = [1, 1]} : vector<64x8xf32> to vector<64x1xf32>
      %slice3A_999 = vector.extract_strided_slice %get3A_972 {offsets = [3, 0], sizes = [1, 256], strides = [1, 1]} : vector<8x256xf32> to vector<1x256xf32>
      %min3A_1000 = vector.broadcast %slice3A_998 : vector<64x1xf32> to vector<64x256xf32>
      %min3A_1001 = vector.broadcast %slice3A_999 : vector<1x256xf32> to vector<64x256xf32>
      %min3A_1002 = arith.minimumf %min3A_1000, %min3A_1001 : vector<64x256xf32>
      %add3A_1003 = arith.addf %add3A_991, %min3A_1002 : vector<64x256xf32>
      %slice3A_1004 = vector.extract_strided_slice %get3A_979 {offsets = [0, 4], sizes = [64, 1], strides = [1, 1]} : vector<64x8xf32> to vector<64x1xf32>
      %slice3A_1005 = vector.extract_strided_slice %get3A_972 {offsets = [4, 0], sizes = [1, 256], strides = [1, 1]} : vector<8x256xf32> to vector<1x256xf32>
      %min3A_1006 = vector.broadcast %slice3A_1004 : vector<64x1xf32> to vector<64x256xf32>
      %min3A_1007 = vector.broadcast %slice3A_1005 : vector<1x256xf32> to vector<64x256xf32>
      %min3A_1008 = arith.minimumf %min3A_1006, %min3A_1007 : vector<64x256xf32>
      %add3A_1009 = arith.addf %add3A_997, %min3A_1008 : vector<64x256xf32>
      %slice3A_1010 = vector.extract_strided_slice %get3A_979 {offsets = [0, 5], sizes = [64, 1], strides = [1, 1]} : vector<64x8xf32> to vector<64x1xf32>
      %slice3A_1011 = vector.extract_strided_slice %get3A_972 {offsets = [5, 0], sizes = [1, 256], strides = [1, 1]} : vector<8x256xf32> to vector<1x256xf32>
      %min3A_1012 = vector.broadcast %slice3A_1010 : vector<64x1xf32> to vector<64x256xf32>
      %min3A_1013 = vector.broadcast %slice3A_1011 : vector<1x256xf32> to vector<64x256xf32>
      %min3A_1014 = arith.minimumf %min3A_1012, %min3A_1013 : vector<64x256xf32>
      %add3A_1015 = arith.addf %add3A_1003, %min3A_1014 : vector<64x256xf32>
      %slice3A_1016 = vector.extract_strided_slice %get3A_979 {offsets = [0, 6], sizes = [64, 1], strides = [1, 1]} : vector<64x8xf32> to vector<64x1xf32>
      %slice3A_1017 = vector.extract_strided_slice %get3A_972 {offsets = [6, 0], sizes = [1, 256], strides = [1, 1]} : vector<8x256xf32> to vector<1x256xf32>
      %min3A_1018 = vector.broadcast %slice3A_1016 : vector<64x1xf32> to vector<64x256xf32>
      %min3A_1019 = vector.broadcast %slice3A_1017 : vector<1x256xf32> to vector<64x256xf32>
      %min3A_1020 = arith.minimumf %min3A_1018, %min3A_1019 : vector<64x256xf32>
      %add3A_1021 = arith.addf %add3A_1009, %min3A_1020 : vector<64x256xf32>
      %slice3A_1022 = vector.extract_strided_slice %get3A_979 {offsets = [0, 7], sizes = [64, 1], strides = [1, 1]} : vector<64x8xf32> to vector<64x1xf32>
      %slice3A_1023 = vector.extract_strided_slice %get3A_972 {offsets = [7, 0], sizes = [1, 256], strides = [1, 1]} : vector<8x256xf32> to vector<1x256xf32>
      %min3A_1024 = vector.broadcast %slice3A_1022 : vector<64x1xf32> to vector<64x256xf32>
      %min3A_1025 = vector.broadcast %slice3A_1023 : vector<1x256xf32> to vector<64x256xf32>
      %min3A_1026 = arith.minimumf %min3A_1024, %min3A_1025 : vector<64x256xf32>
      %add3A_1027 = arith.addf %add3A_1015, %min3A_1026 : vector<64x256xf32>
      %get3A_1028 = arith.constant 0 : index
      %get3A_1029 = arith.constant 96 : index
      %get3A_1030 = arith.constant 0 : index
      %get3A_1031 = vector.load %arg1[%get3A_1028, %get3A_1029, %get3A_1030] : memref<1x128x256xf32, #tpu.memory_space<vmem>>, vector<1x8x256xf32>
      %get3A_1032 = vector.shape_cast %get3A_1031 : vector<1x8x256xf32> to vector<8x256xf32>
      %mul3A_1033 = arith.constant 64 : i32
      %mul3A_1034 = arith.muli %scan3A_304, %mul3A_1033 : i32
      %get3A_1035 = arith.constant 12 : index
      %get3A_1036 = arith.index_cast %mul3A_1034 : i32 to index
      %get3A_1037 = arith.constant 0 : index
      %get3A_1038 = vector.load %arg5[%get3A_1035, %get3A_1036, %get3A_1037] : memref<16x256x8xf32, #tpu.memory_space<vmem>>, vector<1x64x8xf32>
      %get3A_1039 = vector.shape_cast %get3A_1038 : vector<1x64x8xf32> to vector<64x8xf32>
      %slice3A_1040 = vector.extract_strided_slice %get3A_1039 {offsets = [0, 0], sizes = [64, 1], strides = [1, 1]} : vector<64x8xf32> to vector<64x1xf32>
      %slice3A_1041 = vector.extract_strided_slice %get3A_1032 {offsets = [0, 0], sizes = [1, 256], strides = [1, 1]} : vector<8x256xf32> to vector<1x256xf32>
      %min3A_1042 = vector.broadcast %slice3A_1040 : vector<64x1xf32> to vector<64x256xf32>
      %min3A_1043 = vector.broadcast %slice3A_1041 : vector<1x256xf32> to vector<64x256xf32>
      %min3A_1044 = arith.minimumf %min3A_1042, %min3A_1043 : vector<64x256xf32>
      %add3A_1045 = arith.addf %add3A_1021, %min3A_1044 : vector<64x256xf32>
      %slice3A_1046 = vector.extract_strided_slice %get3A_1039 {offsets = [0, 1], sizes = [64, 1], strides = [1, 1]} : vector<64x8xf32> to vector<64x1xf32>
      %slice3A_1047 = vector.extract_strided_slice %get3A_1032 {offsets = [1, 0], sizes = [1, 256], strides = [1, 1]} : vector<8x256xf32> to vector<1x256xf32>
      %min3A_1048 = vector.broadcast %slice3A_1046 : vector<64x1xf32> to vector<64x256xf32>
      %min3A_1049 = vector.broadcast %slice3A_1047 : vector<1x256xf32> to vector<64x256xf32>
      %min3A_1050 = arith.minimumf %min3A_1048, %min3A_1049 : vector<64x256xf32>
      %add3A_1051 = arith.addf %add3A_1027, %min3A_1050 : vector<64x256xf32>
      %slice3A_1052 = vector.extract_strided_slice %get3A_1039 {offsets = [0, 2], sizes = [64, 1], strides = [1, 1]} : vector<64x8xf32> to vector<64x1xf32>
      %slice3A_1053 = vector.extract_strided_slice %get3A_1032 {offsets = [2, 0], sizes = [1, 256], strides = [1, 1]} : vector<8x256xf32> to vector<1x256xf32>
      %min3A_1054 = vector.broadcast %slice3A_1052 : vector<64x1xf32> to vector<64x256xf32>
      %min3A_1055 = vector.broadcast %slice3A_1053 : vector<1x256xf32> to vector<64x256xf32>
      %min3A_1056 = arith.minimumf %min3A_1054, %min3A_1055 : vector<64x256xf32>
      %add3A_1057 = arith.addf %add3A_1045, %min3A_1056 : vector<64x256xf32>
      %slice3A_1058 = vector.extract_strided_slice %get3A_1039 {offsets = [0, 3], sizes = [64, 1], strides = [1, 1]} : vector<64x8xf32> to vector<64x1xf32>
      %slice3A_1059 = vector.extract_strided_slice %get3A_1032 {offsets = [3, 0], sizes = [1, 256], strides = [1, 1]} : vector<8x256xf32> to vector<1x256xf32>
      %min3A_1060 = vector.broadcast %slice3A_1058 : vector<64x1xf32> to vector<64x256xf32>
      %min3A_1061 = vector.broadcast %slice3A_1059 : vector<1x256xf32> to vector<64x256xf32>
      %min3A_1062 = arith.minimumf %min3A_1060, %min3A_1061 : vector<64x256xf32>
      %add3A_1063 = arith.addf %add3A_1051, %min3A_1062 : vector<64x256xf32>
      %slice3A_1064 = vector.extract_strided_slice %get3A_1039 {offsets = [0, 4], sizes = [64, 1], strides = [1, 1]} : vector<64x8xf32> to vector<64x1xf32>
      %slice3A_1065 = vector.extract_strided_slice %get3A_1032 {offsets = [4, 0], sizes = [1, 256], strides = [1, 1]} : vector<8x256xf32> to vector<1x256xf32>
      %min3A_1066 = vector.broadcast %slice3A_1064 : vector<64x1xf32> to vector<64x256xf32>
      %min3A_1067 = vector.broadcast %slice3A_1065 : vector<1x256xf32> to vector<64x256xf32>
      %min3A_1068 = arith.minimumf %min3A_1066, %min3A_1067 : vector<64x256xf32>
      %add3A_1069 = arith.addf %add3A_1057, %min3A_1068 : vector<64x256xf32>
      %slice3A_1070 = vector.extract_strided_slice %get3A_1039 {offsets = [0, 5], sizes = [64, 1], strides = [1, 1]} : vector<64x8xf32> to vector<64x1xf32>
      %slice3A_1071 = vector.extract_strided_slice %get3A_1032 {offsets = [5, 0], sizes = [1, 256], strides = [1, 1]} : vector<8x256xf32> to vector<1x256xf32>
      %min3A_1072 = vector.broadcast %slice3A_1070 : vector<64x1xf32> to vector<64x256xf32>
      %min3A_1073 = vector.broadcast %slice3A_1071 : vector<1x256xf32> to vector<64x256xf32>
      %min3A_1074 = arith.minimumf %min3A_1072, %min3A_1073 : vector<64x256xf32>
      %add3A_1075 = arith.addf %add3A_1063, %min3A_1074 : vector<64x256xf32>
      %slice3A_1076 = vector.extract_strided_slice %get3A_1039 {offsets = [0, 6], sizes = [64, 1], strides = [1, 1]} : vector<64x8xf32> to vector<64x1xf32>
      %slice3A_1077 = vector.extract_strided_slice %get3A_1032 {offsets = [6, 0], sizes = [1, 256], strides = [1, 1]} : vector<8x256xf32> to vector<1x256xf32>
      %min3A_1078 = vector.broadcast %slice3A_1076 : vector<64x1xf32> to vector<64x256xf32>
      %min3A_1079 = vector.broadcast %slice3A_1077 : vector<1x256xf32> to vector<64x256xf32>
      %min3A_1080 = arith.minimumf %min3A_1078, %min3A_1079 : vector<64x256xf32>
      %add3A_1081 = arith.addf %add3A_1069, %min3A_1080 : vector<64x256xf32>
      %slice3A_1082 = vector.extract_strided_slice %get3A_1039 {offsets = [0, 7], sizes = [64, 1], strides = [1, 1]} : vector<64x8xf32> to vector<64x1xf32>
      %slice3A_1083 = vector.extract_strided_slice %get3A_1032 {offsets = [7, 0], sizes = [1, 256], strides = [1, 1]} : vector<8x256xf32> to vector<1x256xf32>
      %min3A_1084 = vector.broadcast %slice3A_1082 : vector<64x1xf32> to vector<64x256xf32>
      %min3A_1085 = vector.broadcast %slice3A_1083 : vector<1x256xf32> to vector<64x256xf32>
      %min3A_1086 = arith.minimumf %min3A_1084, %min3A_1085 : vector<64x256xf32>
      %add3A_1087 = arith.addf %add3A_1075, %min3A_1086 : vector<64x256xf32>
      %get3A_1088 = arith.constant 0 : index
      %get3A_1089 = arith.constant 104 : index
      %get3A_1090 = arith.constant 0 : index
      %get3A_1091 = vector.load %arg1[%get3A_1088, %get3A_1089, %get3A_1090] : memref<1x128x256xf32, #tpu.memory_space<vmem>>, vector<1x8x256xf32>
      %get3A_1092 = vector.shape_cast %get3A_1091 : vector<1x8x256xf32> to vector<8x256xf32>
      %mul3A_1093 = arith.constant 64 : i32
      %mul3A_1094 = arith.muli %scan3A_304, %mul3A_1093 : i32
      %get3A_1095 = arith.constant 13 : index
      %get3A_1096 = arith.index_cast %mul3A_1094 : i32 to index
      %get3A_1097 = arith.constant 0 : index
      %get3A_1098 = vector.load %arg5[%get3A_1095, %get3A_1096, %get3A_1097] : memref<16x256x8xf32, #tpu.memory_space<vmem>>, vector<1x64x8xf32>
      %get3A_1099 = vector.shape_cast %get3A_1098 : vector<1x64x8xf32> to vector<64x8xf32>
      %slice3A_1100 = vector.extract_strided_slice %get3A_1099 {offsets = [0, 0], sizes = [64, 1], strides = [1, 1]} : vector<64x8xf32> to vector<64x1xf32>
      %slice3A_1101 = vector.extract_strided_slice %get3A_1092 {offsets = [0, 0], sizes = [1, 256], strides = [1, 1]} : vector<8x256xf32> to vector<1x256xf32>
      %min3A_1102 = vector.broadcast %slice3A_1100 : vector<64x1xf32> to vector<64x256xf32>
      %min3A_1103 = vector.broadcast %slice3A_1101 : vector<1x256xf32> to vector<64x256xf32>
      %min3A_1104 = arith.minimumf %min3A_1102, %min3A_1103 : vector<64x256xf32>
      %add3A_1105 = arith.addf %add3A_1081, %min3A_1104 : vector<64x256xf32>
      %slice3A_1106 = vector.extract_strided_slice %get3A_1099 {offsets = [0, 1], sizes = [64, 1], strides = [1, 1]} : vector<64x8xf32> to vector<64x1xf32>
      %slice3A_1107 = vector.extract_strided_slice %get3A_1092 {offsets = [1, 0], sizes = [1, 256], strides = [1, 1]} : vector<8x256xf32> to vector<1x256xf32>
      %min3A_1108 = vector.broadcast %slice3A_1106 : vector<64x1xf32> to vector<64x256xf32>
      %min3A_1109 = vector.broadcast %slice3A_1107 : vector<1x256xf32> to vector<64x256xf32>
      %min3A_1110 = arith.minimumf %min3A_1108, %min3A_1109 : vector<64x256xf32>
      %add3A_1111 = arith.addf %add3A_1087, %min3A_1110 : vector<64x256xf32>
      %slice3A_1112 = vector.extract_strided_slice %get3A_1099 {offsets = [0, 2], sizes = [64, 1], strides = [1, 1]} : vector<64x8xf32> to vector<64x1xf32>
      %slice3A_1113 = vector.extract_strided_slice %get3A_1092 {offsets = [2, 0], sizes = [1, 256], strides = [1, 1]} : vector<8x256xf32> to vector<1x256xf32>
      %min3A_1114 = vector.broadcast %slice3A_1112 : vector<64x1xf32> to vector<64x256xf32>
      %min3A_1115 = vector.broadcast %slice3A_1113 : vector<1x256xf32> to vector<64x256xf32>
      %min3A_1116 = arith.minimumf %min3A_1114, %min3A_1115 : vector<64x256xf32>
      %add3A_1117 = arith.addf %add3A_1105, %min3A_1116 : vector<64x256xf32>
      %slice3A_1118 = vector.extract_strided_slice %get3A_1099 {offsets = [0, 3], sizes = [64, 1], strides = [1, 1]} : vector<64x8xf32> to vector<64x1xf32>
      %slice3A_1119 = vector.extract_strided_slice %get3A_1092 {offsets = [3, 0], sizes = [1, 256], strides = [1, 1]} : vector<8x256xf32> to vector<1x256xf32>
      %min3A_1120 = vector.broadcast %slice3A_1118 : vector<64x1xf32> to vector<64x256xf32>
      %min3A_1121 = vector.broadcast %slice3A_1119 : vector<1x256xf32> to vector<64x256xf32>
      %min3A_1122 = arith.minimumf %min3A_1120, %min3A_1121 : vector<64x256xf32>
      %add3A_1123 = arith.addf %add3A_1111, %min3A_1122 : vector<64x256xf32>
      %slice3A_1124 = vector.extract_strided_slice %get3A_1099 {offsets = [0, 4], sizes = [64, 1], strides = [1, 1]} : vector<64x8xf32> to vector<64x1xf32>
      %slice3A_1125 = vector.extract_strided_slice %get3A_1092 {offsets = [4, 0], sizes = [1, 256], strides = [1, 1]} : vector<8x256xf32> to vector<1x256xf32>
      %min3A_1126 = vector.broadcast %slice3A_1124 : vector<64x1xf32> to vector<64x256xf32>
      %min3A_1127 = vector.broadcast %slice3A_1125 : vector<1x256xf32> to vector<64x256xf32>
      %min3A_1128 = arith.minimumf %min3A_1126, %min3A_1127 : vector<64x256xf32>
      %add3A_1129 = arith.addf %add3A_1117, %min3A_1128 : vector<64x256xf32>
      %slice3A_1130 = vector.extract_strided_slice %get3A_1099 {offsets = [0, 5], sizes = [64, 1], strides = [1, 1]} : vector<64x8xf32> to vector<64x1xf32>
      %slice3A_1131 = vector.extract_strided_slice %get3A_1092 {offsets = [5, 0], sizes = [1, 256], strides = [1, 1]} : vector<8x256xf32> to vector<1x256xf32>
      %min3A_1132 = vector.broadcast %slice3A_1130 : vector<64x1xf32> to vector<64x256xf32>
      %min3A_1133 = vector.broadcast %slice3A_1131 : vector<1x256xf32> to vector<64x256xf32>
      %min3A_1134 = arith.minimumf %min3A_1132, %min3A_1133 : vector<64x256xf32>
      %add3A_1135 = arith.addf %add3A_1123, %min3A_1134 : vector<64x256xf32>
      %slice3A_1136 = vector.extract_strided_slice %get3A_1099 {offsets = [0, 6], sizes = [64, 1], strides = [1, 1]} : vector<64x8xf32> to vector<64x1xf32>
      %slice3A_1137 = vector.extract_strided_slice %get3A_1092 {offsets = [6, 0], sizes = [1, 256], strides = [1, 1]} : vector<8x256xf32> to vector<1x256xf32>
      %min3A_1138 = vector.broadcast %slice3A_1136 : vector<64x1xf32> to vector<64x256xf32>
      %min3A_1139 = vector.broadcast %slice3A_1137 : vector<1x256xf32> to vector<64x256xf32>
      %min3A_1140 = arith.minimumf %min3A_1138, %min3A_1139 : vector<64x256xf32>
      %add3A_1141 = arith.addf %add3A_1129, %min3A_1140 : vector<64x256xf32>
      %slice3A_1142 = vector.extract_strided_slice %get3A_1099 {offsets = [0, 7], sizes = [64, 1], strides = [1, 1]} : vector<64x8xf32> to vector<64x1xf32>
      %slice3A_1143 = vector.extract_strided_slice %get3A_1092 {offsets = [7, 0], sizes = [1, 256], strides = [1, 1]} : vector<8x256xf32> to vector<1x256xf32>
      %min3A_1144 = vector.broadcast %slice3A_1142 : vector<64x1xf32> to vector<64x256xf32>
      %min3A_1145 = vector.broadcast %slice3A_1143 : vector<1x256xf32> to vector<64x256xf32>
      %min3A_1146 = arith.minimumf %min3A_1144, %min3A_1145 : vector<64x256xf32>
      %add3A_1147 = arith.addf %add3A_1135, %min3A_1146 : vector<64x256xf32>
      %get3A_1148 = arith.constant 0 : index
      %get3A_1149 = arith.constant 112 : index
      %get3A_1150 = arith.constant 0 : index
      %get3A_1151 = vector.load %arg1[%get3A_1148, %get3A_1149, %get3A_1150] : memref<1x128x256xf32, #tpu.memory_space<vmem>>, vector<1x8x256xf32>
      %get3A_1152 = vector.shape_cast %get3A_1151 : vector<1x8x256xf32> to vector<8x256xf32>
      %mul3A_1153 = arith.constant 64 : i32
      %mul3A_1154 = arith.muli %scan3A_304, %mul3A_1153 : i32
      %get3A_1155 = arith.constant 14 : index
      %get3A_1156 = arith.index_cast %mul3A_1154 : i32 to index
      %get3A_1157 = arith.constant 0 : index
      %get3A_1158 = vector.load %arg5[%get3A_1155, %get3A_1156, %get3A_1157] : memref<16x256x8xf32, #tpu.memory_space<vmem>>, vector<1x64x8xf32>
      %get3A_1159 = vector.shape_cast %get3A_1158 : vector<1x64x8xf32> to vector<64x8xf32>
      %slice3A_1160 = vector.extract_strided_slice %get3A_1159 {offsets = [0, 0], sizes = [64, 1], strides = [1, 1]} : vector<64x8xf32> to vector<64x1xf32>
      %slice3A_1161 = vector.extract_strided_slice %get3A_1152 {offsets = [0, 0], sizes = [1, 256], strides = [1, 1]} : vector<8x256xf32> to vector<1x256xf32>
      %min3A_1162 = vector.broadcast %slice3A_1160 : vector<64x1xf32> to vector<64x256xf32>
      %min3A_1163 = vector.broadcast %slice3A_1161 : vector<1x256xf32> to vector<64x256xf32>
      %min3A_1164 = arith.minimumf %min3A_1162, %min3A_1163 : vector<64x256xf32>
      %add3A_1165 = arith.addf %add3A_1141, %min3A_1164 : vector<64x256xf32>
      %slice3A_1166 = vector.extract_strided_slice %get3A_1159 {offsets = [0, 1], sizes = [64, 1], strides = [1, 1]} : vector<64x8xf32> to vector<64x1xf32>
      %slice3A_1167 = vector.extract_strided_slice %get3A_1152 {offsets = [1, 0], sizes = [1, 256], strides = [1, 1]} : vector<8x256xf32> to vector<1x256xf32>
      %min3A_1168 = vector.broadcast %slice3A_1166 : vector<64x1xf32> to vector<64x256xf32>
      %min3A_1169 = vector.broadcast %slice3A_1167 : vector<1x256xf32> to vector<64x256xf32>
      %min3A_1170 = arith.minimumf %min3A_1168, %min3A_1169 : vector<64x256xf32>
      %add3A_1171 = arith.addf %add3A_1147, %min3A_1170 : vector<64x256xf32>
      %slice3A_1172 = vector.extract_strided_slice %get3A_1159 {offsets = [0, 2], sizes = [64, 1], strides = [1, 1]} : vector<64x8xf32> to vector<64x1xf32>
      %slice3A_1173 = vector.extract_strided_slice %get3A_1152 {offsets = [2, 0], sizes = [1, 256], strides = [1, 1]} : vector<8x256xf32> to vector<1x256xf32>
      %min3A_1174 = vector.broadcast %slice3A_1172 : vector<64x1xf32> to vector<64x256xf32>
      %min3A_1175 = vector.broadcast %slice3A_1173 : vector<1x256xf32> to vector<64x256xf32>
      %min3A_1176 = arith.minimumf %min3A_1174, %min3A_1175 : vector<64x256xf32>
      %add3A_1177 = arith.addf %add3A_1165, %min3A_1176 : vector<64x256xf32>
      %slice3A_1178 = vector.extract_strided_slice %get3A_1159 {offsets = [0, 3], sizes = [64, 1], strides = [1, 1]} : vector<64x8xf32> to vector<64x1xf32>
      %slice3A_1179 = vector.extract_strided_slice %get3A_1152 {offsets = [3, 0], sizes = [1, 256], strides = [1, 1]} : vector<8x256xf32> to vector<1x256xf32>
      %min3A_1180 = vector.broadcast %slice3A_1178 : vector<64x1xf32> to vector<64x256xf32>
      %min3A_1181 = vector.broadcast %slice3A_1179 : vector<1x256xf32> to vector<64x256xf32>
      %min3A_1182 = arith.minimumf %min3A_1180, %min3A_1181 : vector<64x256xf32>
      %add3A_1183 = arith.addf %add3A_1171, %min3A_1182 : vector<64x256xf32>
      %slice3A_1184 = vector.extract_strided_slice %get3A_1159 {offsets = [0, 4], sizes = [64, 1], strides = [1, 1]} : vector<64x8xf32> to vector<64x1xf32>
      %slice3A_1185 = vector.extract_strided_slice %get3A_1152 {offsets = [4, 0], sizes = [1, 256], strides = [1, 1]} : vector<8x256xf32> to vector<1x256xf32>
      %min3A_1186 = vector.broadcast %slice3A_1184 : vector<64x1xf32> to vector<64x256xf32>
      %min3A_1187 = vector.broadcast %slice3A_1185 : vector<1x256xf32> to vector<64x256xf32>
      %min3A_1188 = arith.minimumf %min3A_1186, %min3A_1187 : vector<64x256xf32>
      %add3A_1189 = arith.addf %add3A_1177, %min3A_1188 : vector<64x256xf32>
      %slice3A_1190 = vector.extract_strided_slice %get3A_1159 {offsets = [0, 5], sizes = [64, 1], strides = [1, 1]} : vector<64x8xf32> to vector<64x1xf32>
      %slice3A_1191 = vector.extract_strided_slice %get3A_1152 {offsets = [5, 0], sizes = [1, 256], strides = [1, 1]} : vector<8x256xf32> to vector<1x256xf32>
      %min3A_1192 = vector.broadcast %slice3A_1190 : vector<64x1xf32> to vector<64x256xf32>
      %min3A_1193 = vector.broadcast %slice3A_1191 : vector<1x256xf32> to vector<64x256xf32>
      %min3A_1194 = arith.minimumf %min3A_1192, %min3A_1193 : vector<64x256xf32>
      %add3A_1195 = arith.addf %add3A_1183, %min3A_1194 : vector<64x256xf32>
      %slice3A_1196 = vector.extract_strided_slice %get3A_1159 {offsets = [0, 6], sizes = [64, 1], strides = [1, 1]} : vector<64x8xf32> to vector<64x1xf32>
      %slice3A_1197 = vector.extract_strided_slice %get3A_1152 {offsets = [6, 0], sizes = [1, 256], strides = [1, 1]} : vector<8x256xf32> to vector<1x256xf32>
      %min3A_1198 = vector.broadcast %slice3A_1196 : vector<64x1xf32> to vector<64x256xf32>
      %min3A_1199 = vector.broadcast %slice3A_1197 : vector<1x256xf32> to vector<64x256xf32>
      %min3A_1200 = arith.minimumf %min3A_1198, %min3A_1199 : vector<64x256xf32>
      %add3A_1201 = arith.addf %add3A_1189, %min3A_1200 : vector<64x256xf32>
      %slice3A_1202 = vector.extract_strided_slice %get3A_1159 {offsets = [0, 7], sizes = [64, 1], strides = [1, 1]} : vector<64x8xf32> to vector<64x1xf32>
      %slice3A_1203 = vector.extract_strided_slice %get3A_1152 {offsets = [7, 0], sizes = [1, 256], strides = [1, 1]} : vector<8x256xf32> to vector<1x256xf32>
      %min3A_1204 = vector.broadcast %slice3A_1202 : vector<64x1xf32> to vector<64x256xf32>
      %min3A_1205 = vector.broadcast %slice3A_1203 : vector<1x256xf32> to vector<64x256xf32>
      %min3A_1206 = arith.minimumf %min3A_1204, %min3A_1205 : vector<64x256xf32>
      %add3A_1207 = arith.addf %add3A_1195, %min3A_1206 : vector<64x256xf32>
      %get3A_1208 = arith.constant 0 : index
      %get3A_1209 = arith.constant 120 : index
      %get3A_1210 = arith.constant 0 : index
      %get3A_1211 = vector.load %arg1[%get3A_1208, %get3A_1209, %get3A_1210] : memref<1x128x256xf32, #tpu.memory_space<vmem>>, vector<1x8x256xf32>
      %get3A_1212 = vector.shape_cast %get3A_1211 : vector<1x8x256xf32> to vector<8x256xf32>
      %mul3A_1213 = arith.constant 64 : i32
      %mul3A_1214 = arith.muli %scan3A_304, %mul3A_1213 : i32
      %get3A_1215 = arith.constant 15 : index
      %get3A_1216 = arith.index_cast %mul3A_1214 : i32 to index
      %get3A_1217 = arith.constant 0 : index
      %get3A_1218 = vector.load %arg5[%get3A_1215, %get3A_1216, %get3A_1217] : memref<16x256x8xf32, #tpu.memory_space<vmem>>, vector<1x64x8xf32>
      %get3A_1219 = vector.shape_cast %get3A_1218 : vector<1x64x8xf32> to vector<64x8xf32>
      %slice3A_1220 = vector.extract_strided_slice %get3A_1219 {offsets = [0, 0], sizes = [64, 1], strides = [1, 1]} : vector<64x8xf32> to vector<64x1xf32>
      %slice3A_1221 = vector.extract_strided_slice %get3A_1212 {offsets = [0, 0], sizes = [1, 256], strides = [1, 1]} : vector<8x256xf32> to vector<1x256xf32>
      %min3A_1222 = vector.broadcast %slice3A_1220 : vector<64x1xf32> to vector<64x256xf32>
      %min3A_1223 = vector.broadcast %slice3A_1221 : vector<1x256xf32> to vector<64x256xf32>
      %min3A_1224 = arith.minimumf %min3A_1222, %min3A_1223 : vector<64x256xf32>
      %add3A_1225 = arith.addf %add3A_1201, %min3A_1224 : vector<64x256xf32>
      %slice3A_1226 = vector.extract_strided_slice %get3A_1219 {offsets = [0, 1], sizes = [64, 1], strides = [1, 1]} : vector<64x8xf32> to vector<64x1xf32>
      %slice3A_1227 = vector.extract_strided_slice %get3A_1212 {offsets = [1, 0], sizes = [1, 256], strides = [1, 1]} : vector<8x256xf32> to vector<1x256xf32>
      %min3A_1228 = vector.broadcast %slice3A_1226 : vector<64x1xf32> to vector<64x256xf32>
      %min3A_1229 = vector.broadcast %slice3A_1227 : vector<1x256xf32> to vector<64x256xf32>
      %min3A_1230 = arith.minimumf %min3A_1228, %min3A_1229 : vector<64x256xf32>
      %add3A_1231 = arith.addf %add3A_1207, %min3A_1230 : vector<64x256xf32>
      %slice3A_1232 = vector.extract_strided_slice %get3A_1219 {offsets = [0, 2], sizes = [64, 1], strides = [1, 1]} : vector<64x8xf32> to vector<64x1xf32>
      %slice3A_1233 = vector.extract_strided_slice %get3A_1212 {offsets = [2, 0], sizes = [1, 256], strides = [1, 1]} : vector<8x256xf32> to vector<1x256xf32>
      %min3A_1234 = vector.broadcast %slice3A_1232 : vector<64x1xf32> to vector<64x256xf32>
      %min3A_1235 = vector.broadcast %slice3A_1233 : vector<1x256xf32> to vector<64x256xf32>
      %min3A_1236 = arith.minimumf %min3A_1234, %min3A_1235 : vector<64x256xf32>
      %add3A_1237 = arith.addf %add3A_1225, %min3A_1236 : vector<64x256xf32>
      %slice3A_1238 = vector.extract_strided_slice %get3A_1219 {offsets = [0, 3], sizes = [64, 1], strides = [1, 1]} : vector<64x8xf32> to vector<64x1xf32>
      %slice3A_1239 = vector.extract_strided_slice %get3A_1212 {offsets = [3, 0], sizes = [1, 256], strides = [1, 1]} : vector<8x256xf32> to vector<1x256xf32>
      %min3A_1240 = vector.broadcast %slice3A_1238 : vector<64x1xf32> to vector<64x256xf32>
      %min3A_1241 = vector.broadcast %slice3A_1239 : vector<1x256xf32> to vector<64x256xf32>
      %min3A_1242 = arith.minimumf %min3A_1240, %min3A_1241 : vector<64x256xf32>
      %add3A_1243 = arith.addf %add3A_1231, %min3A_1242 : vector<64x256xf32>
      %slice3A_1244 = vector.extract_strided_slice %get3A_1219 {offsets = [0, 4], sizes = [64, 1], strides = [1, 1]} : vector<64x8xf32> to vector<64x1xf32>
      %slice3A_1245 = vector.extract_strided_slice %get3A_1212 {offsets = [4, 0], sizes = [1, 256], strides = [1, 1]} : vector<8x256xf32> to vector<1x256xf32>
      %min3A_1246 = vector.broadcast %slice3A_1244 : vector<64x1xf32> to vector<64x256xf32>
      %min3A_1247 = vector.broadcast %slice3A_1245 : vector<1x256xf32> to vector<64x256xf32>
      %min3A_1248 = arith.minimumf %min3A_1246, %min3A_1247 : vector<64x256xf32>
      %add3A_1249 = arith.addf %add3A_1237, %min3A_1248 : vector<64x256xf32>
      %slice3A_1250 = vector.extract_strided_slice %get3A_1219 {offsets = [0, 5], sizes = [64, 1], strides = [1, 1]} : vector<64x8xf32> to vector<64x1xf32>
      %slice3A_1251 = vector.extract_strided_slice %get3A_1212 {offsets = [5, 0], sizes = [1, 256], strides = [1, 1]} : vector<8x256xf32> to vector<1x256xf32>
      %min3A_1252 = vector.broadcast %slice3A_1250 : vector<64x1xf32> to vector<64x256xf32>
      %min3A_1253 = vector.broadcast %slice3A_1251 : vector<1x256xf32> to vector<64x256xf32>
      %min3A_1254 = arith.minimumf %min3A_1252, %min3A_1253 : vector<64x256xf32>
      %add3A_1255 = arith.addf %add3A_1243, %min3A_1254 : vector<64x256xf32>
      %slice3A_1256 = vector.extract_strided_slice %get3A_1219 {offsets = [0, 6], sizes = [64, 1], strides = [1, 1]} : vector<64x8xf32> to vector<64x1xf32>
      %slice3A_1257 = vector.extract_strided_slice %get3A_1212 {offsets = [6, 0], sizes = [1, 256], strides = [1, 1]} : vector<8x256xf32> to vector<1x256xf32>
      %min3A_1258 = vector.broadcast %slice3A_1256 : vector<64x1xf32> to vector<64x256xf32>
      %min3A_1259 = vector.broadcast %slice3A_1257 : vector<1x256xf32> to vector<64x256xf32>
      %min3A_1260 = arith.minimumf %min3A_1258, %min3A_1259 : vector<64x256xf32>
      %add3A_1261 = arith.addf %add3A_1249, %min3A_1260 : vector<64x256xf32>
      %slice3A_1262 = vector.extract_strided_slice %get3A_1219 {offsets = [0, 7], sizes = [64, 1], strides = [1, 1]} : vector<64x8xf32> to vector<64x1xf32>
      %slice3A_1263 = vector.extract_strided_slice %get3A_1212 {offsets = [7, 0], sizes = [1, 256], strides = [1, 1]} : vector<8x256xf32> to vector<1x256xf32>
      %min3A_1264 = vector.broadcast %slice3A_1262 : vector<64x1xf32> to vector<64x256xf32>
      %min3A_1265 = vector.broadcast %slice3A_1263 : vector<1x256xf32> to vector<64x256xf32>
      %min3A_1266 = arith.minimumf %min3A_1264, %min3A_1265 : vector<64x256xf32>
      %add3A_1267 = arith.addf %add3A_1255, %min3A_1266 : vector<64x256xf32>
      %add3A_1268 = arith.addf %add3A_1261, %add3A_1267 : vector<64x256xf32>
      %mul3A_1269 = arith.constant 64 : i32
      %mul3A_1270 = arith.muli %scan3A_304, %mul3A_1269 : i32
      %swap3A_1271 = arith.index_cast %mul3A_1270 : i32 to index
      %swap3A_1272 = arith.constant 0 : index
      %swap3A_1273 = vector.load %arg6[%swap3A_1271, %swap3A_1272] : memref<256x256xf32, #tpu.memory_space<vmem>>, vector<64x256xf32>
      tpu.vector_store %arg6[%swap3A_1271, %swap3A_1272], %add3A_1268 {strides = array<i32>} : memref<256x256xf32, #tpu.memory_space<vmem>>, vector<64x256xf32>,
    }
    %scan3A_236 = arith.constant 2 : i32
    %scan3A_237 = arith.constant 0 : i32
    %scan3A_238 = arith.constant 2 : i32
    %scan3A_239 = arith.addi %scan3A_237, %scan3A_238 : i32
    %scan3A_240 = arith.constant 1 : i32
    scf.for %scan3A_304 = %scan3A_237 to %scan3A_239 step %scan3A_240  : i32 {
      %broadcast_in_dim3A_305 = arith.constant 0.000000e+00 : f32
      %broadcast_in_dim3A_306 = vector.broadcast %broadcast_in_dim3A_305 : f32 to vector<64x128xf32>
      %broadcast_in_dim3A_307 = arith.constant 0.000000e+00 : f32
      %broadcast_in_dim3A_308 = vector.broadcast %broadcast_in_dim3A_307 : f32 to vector<64x128xf32>
      %get3A_309 = arith.constant 0 : index
      %get3A_310 = arith.constant 0 : index
      %get3A_311 = arith.constant 128 : index
      %get3A_312 = vector.load %arg1[%get3A_309, %get3A_310, %get3A_311] : memref<1x128x256xf32, #tpu.memory_space<vmem>>, vector<1x8x128xf32>
      %get3A_313 = vector.shape_cast %get3A_312 : vector<1x8x128xf32> to vector<8x128xf32>
      %mul3A_314 = arith.constant 64 : i32
      %mul3A_315 = arith.muli %scan3A_304, %mul3A_314 : i32
      %add3A_316 = arith.constant 128 : i32
      %add3A_317 = arith.addi %add3A_316, %mul3A_315 : i32
      %get3A_318 = arith.constant 0 : index
      %get3A_319 = arith.index_cast %add3A_317 : i32 to index
      %get3A_320 = arith.constant 0 : index
      %get3A_321 = vector.load %arg5[%get3A_318, %get3A_319, %get3A_320] : memref<16x256x8xf32, #tpu.memory_space<vmem>>, vector<1x64x8xf32>
      %get3A_322 = vector.shape_cast %get3A_321 : vector<1x64x8xf32> to vector<64x8xf32>
      %slice3A_323 = vector.extract_strided_slice %get3A_322 {offsets = [0, 0], sizes = [64, 1], strides = [1, 1]} : vector<64x8xf32> to vector<64x1xf32>
      %slice3A_324 = vector.extract_strided_slice %get3A_313 {offsets = [0, 0], sizes = [1, 128], strides = [1, 1]} : vector<8x128xf32> to vector<1x128xf32>
      %min3A = vector.broadcast %slice3A_323 : vector<64x1xf32> to vector<64x128xf32>
      %min3A_325 = vector.broadcast %slice3A_324 : vector<1x128xf32> to vector<64x128xf32>
      %min3A_326 = arith.minimumf %min3A, %min3A_325 : vector<64x128xf32>
      %add3A_327 = arith.addf %broadcast_in_dim3A_306, %min3A_326 : vector<64x128xf32>
      %slice3A_328 = vector.extract_strided_slice %get3A_322 {offsets = [0, 1], sizes = [64, 1], strides = [1, 1]} : vector<64x8xf32> to vector<64x1xf32>
      %slice3A_329 = vector.extract_strided_slice %get3A_313 {offsets = [1, 0], sizes = [1, 128], strides = [1, 1]} : vector<8x128xf32> to vector<1x128xf32>
      %min3A_330 = vector.broadcast %slice3A_328 : vector<64x1xf32> to vector<64x128xf32>
      %min3A_331 = vector.broadcast %slice3A_329 : vector<1x128xf32> to vector<64x128xf32>
      %min3A_332 = arith.minimumf %min3A_330, %min3A_331 : vector<64x128xf32>
      %add3A_333 = arith.addf %broadcast_in_dim3A_308, %min3A_332 : vector<64x128xf32>
      %slice3A_334 = vector.extract_strided_slice %get3A_322 {offsets = [0, 2], sizes = [64, 1], strides = [1, 1]} : vector<64x8xf32> to vector<64x1xf32>
      %slice3A_335 = vector.extract_strided_slice %get3A_313 {offsets = [2, 0], sizes = [1, 128], strides = [1, 1]} : vector<8x128xf32> to vector<1x128xf32>
      %min3A_336 = vector.broadcast %slice3A_334 : vector<64x1xf32> to vector<64x128xf32>
      %min3A_337 = vector.broadcast %slice3A_335 : vector<1x128xf32> to vector<64x128xf32>
      %min3A_338 = arith.minimumf %min3A_336, %min3A_337 : vector<64x128xf32>
      %add3A_339 = arith.addf %add3A_327, %min3A_338 : vector<64x128xf32>
      %slice3A_340 = vector.extract_strided_slice %get3A_322 {offsets = [0, 3], sizes = [64, 1], strides = [1, 1]} : vector<64x8xf32> to vector<64x1xf32>
      %slice3A_341 = vector.extract_strided_slice %get3A_313 {offsets = [3, 0], sizes = [1, 128], strides = [1, 1]} : vector<8x128xf32> to vector<1x128xf32>
      %min3A_342 = vector.broadcast %slice3A_340 : vector<64x1xf32> to vector<64x128xf32>
      %min3A_343 = vector.broadcast %slice3A_341 : vector<1x128xf32> to vector<64x128xf32>
      %min3A_344 = arith.minimumf %min3A_342, %min3A_343 : vector<64x128xf32>
      %add3A_345 = arith.addf %add3A_333, %min3A_344 : vector<64x128xf32>
      %slice3A_346 = vector.extract_strided_slice %get3A_322 {offsets = [0, 4], sizes = [64, 1], strides = [1, 1]} : vector<64x8xf32> to vector<64x1xf32>
      %slice3A_347 = vector.extract_strided_slice %get3A_313 {offsets = [4, 0], sizes = [1, 128], strides = [1, 1]} : vector<8x128xf32> to vector<1x128xf32>
      %min3A_348 = vector.broadcast %slice3A_346 : vector<64x1xf32> to vector<64x128xf32>
      %min3A_349 = vector.broadcast %slice3A_347 : vector<1x128xf32> to vector<64x128xf32>
      %min3A_350 = arith.minimumf %min3A_348, %min3A_349 : vector<64x128xf32>
      %add3A_351 = arith.addf %add3A_339, %min3A_350 : vector<64x128xf32>
      %slice3A_352 = vector.extract_strided_slice %get3A_322 {offsets = [0, 5], sizes = [64, 1], strides = [1, 1]} : vector<64x8xf32> to vector<64x1xf32>
      %slice3A_353 = vector.extract_strided_slice %get3A_313 {offsets = [5, 0], sizes = [1, 128], strides = [1, 1]} : vector<8x128xf32> to vector<1x128xf32>
      %min3A_354 = vector.broadcast %slice3A_352 : vector<64x1xf32> to vector<64x128xf32>
      %min3A_355 = vector.broadcast %slice3A_353 : vector<1x128xf32> to vector<64x128xf32>
      %min3A_356 = arith.minimumf %min3A_354, %min3A_355 : vector<64x128xf32>
      %add3A_357 = arith.addf %add3A_345, %min3A_356 : vector<64x128xf32>
      %slice3A_358 = vector.extract_strided_slice %get3A_322 {offsets = [0, 6], sizes = [64, 1], strides = [1, 1]} : vector<64x8xf32> to vector<64x1xf32>
      %slice3A_359 = vector.extract_strided_slice %get3A_313 {offsets = [6, 0], sizes = [1, 128], strides = [1, 1]} : vector<8x128xf32> to vector<1x128xf32>
      %min3A_360 = vector.broadcast %slice3A_358 : vector<64x1xf32> to vector<64x128xf32>
      %min3A_361 = vector.broadcast %slice3A_359 : vector<1x128xf32> to vector<64x128xf32>
      %min3A_362 = arith.minimumf %min3A_360, %min3A_361 : vector<64x128xf32>
      %add3A_363 = arith.addf %add3A_351, %min3A_362 : vector<64x128xf32>
      %slice3A_364 = vector.extract_strided_slice %get3A_322 {offsets = [0, 7], sizes = [64, 1], strides = [1, 1]} : vector<64x8xf32> to vector<64x1xf32>
      %slice3A_365 = vector.extract_strided_slice %get3A_313 {offsets = [7, 0], sizes = [1, 128], strides = [1, 1]} : vector<8x128xf32> to vector<1x128xf32>
      %min3A_366 = vector.broadcast %slice3A_364 : vector<64x1xf32> to vector<64x128xf32>
      %min3A_367 = vector.broadcast %slice3A_365 : vector<1x128xf32> to vector<64x128xf32>
      %min3A_368 = arith.minimumf %min3A_366, %min3A_367 : vector<64x128xf32>
      %add3A_369 = arith.addf %add3A_357, %min3A_368 : vector<64x128xf32>
      %get3A_370 = arith.constant 0 : index
      %get3A_371 = arith.constant 8 : index
      %get3A_372 = arith.constant 128 : index
      %get3A_373 = vector.load %arg1[%get3A_370, %get3A_371, %get3A_372] : memref<1x128x256xf32, #tpu.memory_space<vmem>>, vector<1x8x128xf32>
      %get3A_374 = vector.shape_cast %get3A_373 : vector<1x8x128xf32> to vector<8x128xf32>
      %mul3A_375 = arith.constant 64 : i32
      %mul3A_376 = arith.muli %scan3A_304, %mul3A_375 : i32
      %add3A_377 = arith.constant 128 : i32
      %add3A_378 = arith.addi %add3A_377, %mul3A_376 : i32
      %get3A_379 = arith.constant 1 : index
      %get3A_380 = arith.index_cast %add3A_378 : i32 to index
      %get3A_381 = arith.constant 0 : index
      %get3A_382 = vector.load %arg5[%get3A_379, %get3A_380, %get3A_381] : memref<16x256x8xf32, #tpu.memory_space<vmem>>, vector<1x64x8xf32>
      %get3A_383 = vector.shape_cast %get3A_382 : vector<1x64x8xf32> to vector<64x8xf32>
      %slice3A_384 = vector.extract_strided_slice %get3A_383 {offsets = [0, 0], sizes = [64, 1], strides = [1, 1]} : vector<64x8xf32> to vector<64x1xf32>
      %slice3A_385 = vector.extract_strided_slice %get3A_374 {offsets = [0, 0], sizes = [1, 128], strides = [1, 1]} : vector<8x128xf32> to vector<1x128xf32>
      %min3A_386 = vector.broadcast %slice3A_384 : vector<64x1xf32> to vector<64x128xf32>
      %min3A_387 = vector.broadcast %slice3A_385 : vector<1x128xf32> to vector<64x128xf32>
      %min3A_388 = arith.minimumf %min3A_386, %min3A_387 : vector<64x128xf32>
      %add3A_389 = arith.addf %add3A_363, %min3A_388 : vector<64x128xf32>
      %slice3A_390 = vector.extract_strided_slice %get3A_383 {offsets = [0, 1], sizes = [64, 1], strides = [1, 1]} : vector<64x8xf32> to vector<64x1xf32>
      %slice3A_391 = vector.extract_strided_slice %get3A_374 {offsets = [1, 0], sizes = [1, 128], strides = [1, 1]} : vector<8x128xf32> to vector<1x128xf32>
      %min3A_392 = vector.broadcast %slice3A_390 : vector<64x1xf32> to vector<64x128xf32>
      %min3A_393 = vector.broadcast %slice3A_391 : vector<1x128xf32> to vector<64x128xf32>
      %min3A_394 = arith.minimumf %min3A_392, %min3A_393 : vector<64x128xf32>
      %add3A_395 = arith.addf %add3A_369, %min3A_394 : vector<64x128xf32>
      %slice3A_396 = vector.extract_strided_slice %get3A_383 {offsets = [0, 2], sizes = [64, 1], strides = [1, 1]} : vector<64x8xf32> to vector<64x1xf32>
      %slice3A_397 = vector.extract_strided_slice %get3A_374 {offsets = [2, 0], sizes = [1, 128], strides = [1, 1]} : vector<8x128xf32> to vector<1x128xf32>
      %min3A_398 = vector.broadcast %slice3A_396 : vector<64x1xf32> to vector<64x128xf32>
      %min3A_399 = vector.broadcast %slice3A_397 : vector<1x128xf32> to vector<64x128xf32>
      %min3A_400 = arith.minimumf %min3A_398, %min3A_399 : vector<64x128xf32>
      %add3A_401 = arith.addf %add3A_389, %min3A_400 : vector<64x128xf32>
      %slice3A_402 = vector.extract_strided_slice %get3A_383 {offsets = [0, 3], sizes = [64, 1], strides = [1, 1]} : vector<64x8xf32> to vector<64x1xf32>
      %slice3A_403 = vector.extract_strided_slice %get3A_374 {offsets = [3, 0], sizes = [1, 128], strides = [1, 1]} : vector<8x128xf32> to vector<1x128xf32>
      %min3A_404 = vector.broadcast %slice3A_402 : vector<64x1xf32> to vector<64x128xf32>
      %min3A_405 = vector.broadcast %slice3A_403 : vector<1x128xf32> to vector<64x128xf32>
      %min3A_406 = arith.minimumf %min3A_404, %min3A_405 : vector<64x128xf32>
      %add3A_407 = arith.addf %add3A_395, %min3A_406 : vector<64x128xf32>
      %slice3A_408 = vector.extract_strided_slice %get3A_383 {offsets = [0, 4], sizes = [64, 1], strides = [1, 1]} : vector<64x8xf32> to vector<64x1xf32>
      %slice3A_409 = vector.extract_strided_slice %get3A_374 {offsets = [4, 0], sizes = [1, 128], strides = [1, 1]} : vector<8x128xf32> to vector<1x128xf32>
      %min3A_410 = vector.broadcast %slice3A_408 : vector<64x1xf32> to vector<64x128xf32>
      %min3A_411 = vector.broadcast %slice3A_409 : vector<1x128xf32> to vector<64x128xf32>
      %min3A_412 = arith.minimumf %min3A_410, %min3A_411 : vector<64x128xf32>
      %add3A_413 = arith.addf %add3A_401, %min3A_412 : vector<64x128xf32>
      %slice3A_414 = vector.extract_strided_slice %get3A_383 {offsets = [0, 5], sizes = [64, 1], strides = [1, 1]} : vector<64x8xf32> to vector<64x1xf32>
      %slice3A_415 = vector.extract_strided_slice %get3A_374 {offsets = [5, 0], sizes = [1, 128], strides = [1, 1]} : vector<8x128xf32> to vector<1x128xf32>
      %min3A_416 = vector.broadcast %slice3A_414 : vector<64x1xf32> to vector<64x128xf32>
      %min3A_417 = vector.broadcast %slice3A_415 : vector<1x128xf32> to vector<64x128xf32>
      %min3A_418 = arith.minimumf %min3A_416, %min3A_417 : vector<64x128xf32>
      %add3A_419 = arith.addf %add3A_407, %min3A_418 : vector<64x128xf32>
      %slice3A_420 = vector.extract_strided_slice %get3A_383 {offsets = [0, 6], sizes = [64, 1], strides = [1, 1]} : vector<64x8xf32> to vector<64x1xf32>
      %slice3A_421 = vector.extract_strided_slice %get3A_374 {offsets = [6, 0], sizes = [1, 128], strides = [1, 1]} : vector<8x128xf32> to vector<1x128xf32>
      %min3A_422 = vector.broadcast %slice3A_420 : vector<64x1xf32> to vector<64x128xf32>
      %min3A_423 = vector.broadcast %slice3A_421 : vector<1x128xf32> to vector<64x128xf32>
      %min3A_424 = arith.minimumf %min3A_422, %min3A_423 : vector<64x128xf32>
      %add3A_425 = arith.addf %add3A_413, %min3A_424 : vector<64x128xf32>
      %slice3A_426 = vector.extract_strided_slice %get3A_383 {offsets = [0, 7], sizes = [64, 1], strides = [1, 1]} : vector<64x8xf32> to vector<64x1xf32>
      %slice3A_427 = vector.extract_strided_slice %get3A_374 {offsets = [7, 0], sizes = [1, 128], strides = [1, 1]} : vector<8x128xf32> to vector<1x128xf32>
      %min3A_428 = vector.broadcast %slice3A_426 : vector<64x1xf32> to vector<64x128xf32>
      %min3A_429 = vector.broadcast %slice3A_427 : vector<1x128xf32> to vector<64x128xf32>
      %min3A_430 = arith.minimumf %min3A_428, %min3A_429 : vector<64x128xf32>
      %add3A_431 = arith.addf %add3A_419, %min3A_430 : vector<64x128xf32>
      %get3A_432 = arith.constant 0 : index
      %get3A_433 = arith.constant 16 : index
      %get3A_434 = arith.constant 128 : index
      %get3A_435 = vector.load %arg1[%get3A_432, %get3A_433, %get3A_434] : memref<1x128x256xf32, #tpu.memory_space<vmem>>, vector<1x8x128xf32>
      %get3A_436 = vector.shape_cast %get3A_435 : vector<1x8x128xf32> to vector<8x128xf32>
      %mul3A_437 = arith.constant 64 : i32
      %mul3A_438 = arith.muli %scan3A_304, %mul3A_437 : i32
      %add3A_439 = arith.constant 128 : i32
      %add3A_440 = arith.addi %add3A_439, %mul3A_438 : i32
      %get3A_441 = arith.constant 2 : index
      %get3A_442 = arith.index_cast %add3A_440 : i32 to index
      %get3A_443 = arith.constant 0 : index
      %get3A_444 = vector.load %arg5[%get3A_441, %get3A_442, %get3A_443] : memref<16x256x8xf32, #tpu.memory_space<vmem>>, vector<1x64x8xf32>
      %get3A_445 = vector.shape_cast %get3A_444 : vector<1x64x8xf32> to vector<64x8xf32>
      %slice3A_446 = vector.extract_strided_slice %get3A_445 {offsets = [0, 0], sizes = [64, 1], strides = [1, 1]} : vector<64x8xf32> to vector<64x1xf32>
      %slice3A_447 = vector.extract_strided_slice %get3A_436 {offsets = [0, 0], sizes = [1, 128], strides = [1, 1]} : vector<8x128xf32> to vector<1x128xf32>
      %min3A_448 = vector.broadcast %slice3A_446 : vector<64x1xf32> to vector<64x128xf32>
      %min3A_449 = vector.broadcast %slice3A_447 : vector<1x128xf32> to vector<64x128xf32>
      %min3A_450 = arith.minimumf %min3A_448, %min3A_449 : vector<64x128xf32>
      %add3A_451 = arith.addf %add3A_425, %min3A_450 : vector<64x128xf32>
      %slice3A_452 = vector.extract_strided_slice %get3A_445 {offsets = [0, 1], sizes = [64, 1], strides = [1, 1]} : vector<64x8xf32> to vector<64x1xf32>
      %slice3A_453 = vector.extract_strided_slice %get3A_436 {offsets = [1, 0], sizes = [1, 128], strides = [1, 1]} : vector<8x128xf32> to vector<1x128xf32>
      %min3A_454 = vector.broadcast %slice3A_452 : vector<64x1xf32> to vector<64x128xf32>
      %min3A_455 = vector.broadcast %slice3A_453 : vector<1x128xf32> to vector<64x128xf32>
      %min3A_456 = arith.minimumf %min3A_454, %min3A_455 : vector<64x128xf32>
      %add3A_457 = arith.addf %add3A_431, %min3A_456 : vector<64x128xf32>
      %slice3A_458 = vector.extract_strided_slice %get3A_445 {offsets = [0, 2], sizes = [64, 1], strides = [1, 1]} : vector<64x8xf32> to vector<64x1xf32>
      %slice3A_459 = vector.extract_strided_slice %get3A_436 {offsets = [2, 0], sizes = [1, 128], strides = [1, 1]} : vector<8x128xf32> to vector<1x128xf32>
      %min3A_460 = vector.broadcast %slice3A_458 : vector<64x1xf32> to vector<64x128xf32>
      %min3A_461 = vector.broadcast %slice3A_459 : vector<1x128xf32> to vector<64x128xf32>
      %min3A_462 = arith.minimumf %min3A_460, %min3A_461 : vector<64x128xf32>
      %add3A_463 = arith.addf %add3A_451, %min3A_462 : vector<64x128xf32>
      %slice3A_464 = vector.extract_strided_slice %get3A_445 {offsets = [0, 3], sizes = [64, 1], strides = [1, 1]} : vector<64x8xf32> to vector<64x1xf32>
      %slice3A_465 = vector.extract_strided_slice %get3A_436 {offsets = [3, 0], sizes = [1, 128], strides = [1, 1]} : vector<8x128xf32> to vector<1x128xf32>
      %min3A_466 = vector.broadcast %slice3A_464 : vector<64x1xf32> to vector<64x128xf32>
      %min3A_467 = vector.broadcast %slice3A_465 : vector<1x128xf32> to vector<64x128xf32>
      %min3A_468 = arith.minimumf %min3A_466, %min3A_467 : vector<64x128xf32>
      %add3A_469 = arith.addf %add3A_457, %min3A_468 : vector<64x128xf32>
      %slice3A_470 = vector.extract_strided_slice %get3A_445 {offsets = [0, 4], sizes = [64, 1], strides = [1, 1]} : vector<64x8xf32> to vector<64x1xf32>
      %slice3A_471 = vector.extract_strided_slice %get3A_436 {offsets = [4, 0], sizes = [1, 128], strides = [1, 1]} : vector<8x128xf32> to vector<1x128xf32>
      %min3A_472 = vector.broadcast %slice3A_470 : vector<64x1xf32> to vector<64x128xf32>
      %min3A_473 = vector.broadcast %slice3A_471 : vector<1x128xf32> to vector<64x128xf32>
      %min3A_474 = arith.minimumf %min3A_472, %min3A_473 : vector<64x128xf32>
      %add3A_475 = arith.addf %add3A_463, %min3A_474 : vector<64x128xf32>
      %slice3A_476 = vector.extract_strided_slice %get3A_445 {offsets = [0, 5], sizes = [64, 1], strides = [1, 1]} : vector<64x8xf32> to vector<64x1xf32>
      %slice3A_477 = vector.extract_strided_slice %get3A_436 {offsets = [5, 0], sizes = [1, 128], strides = [1, 1]} : vector<8x128xf32> to vector<1x128xf32>
      %min3A_478 = vector.broadcast %slice3A_476 : vector<64x1xf32> to vector<64x128xf32>
      %min3A_479 = vector.broadcast %slice3A_477 : vector<1x128xf32> to vector<64x128xf32>
      %min3A_480 = arith.minimumf %min3A_478, %min3A_479 : vector<64x128xf32>
      %add3A_481 = arith.addf %add3A_469, %min3A_480 : vector<64x128xf32>
      %slice3A_482 = vector.extract_strided_slice %get3A_445 {offsets = [0, 6], sizes = [64, 1], strides = [1, 1]} : vector<64x8xf32> to vector<64x1xf32>
      %slice3A_483 = vector.extract_strided_slice %get3A_436 {offsets = [6, 0], sizes = [1, 128], strides = [1, 1]} : vector<8x128xf32> to vector<1x128xf32>
      %min3A_484 = vector.broadcast %slice3A_482 : vector<64x1xf32> to vector<64x128xf32>
      %min3A_485 = vector.broadcast %slice3A_483 : vector<1x128xf32> to vector<64x128xf32>
      %min3A_486 = arith.minimumf %min3A_484, %min3A_485 : vector<64x128xf32>
      %add3A_487 = arith.addf %add3A_475, %min3A_486 : vector<64x128xf32>
      %slice3A_488 = vector.extract_strided_slice %get3A_445 {offsets = [0, 7], sizes = [64, 1], strides = [1, 1]} : vector<64x8xf32> to vector<64x1xf32>
      %slice3A_489 = vector.extract_strided_slice %get3A_436 {offsets = [7, 0], sizes = [1, 128], strides = [1, 1]} : vector<8x128xf32> to vector<1x128xf32>
      %min3A_490 = vector.broadcast %slice3A_488 : vector<64x1xf32> to vector<64x128xf32>
      %min3A_491 = vector.broadcast %slice3A_489 : vector<1x128xf32> to vector<64x128xf32>
      %min3A_492 = arith.minimumf %min3A_490, %min3A_491 : vector<64x128xf32>
      %add3A_493 = arith.addf %add3A_481, %min3A_492 : vector<64x128xf32>
      %get3A_494 = arith.constant 0 : index
      %get3A_495 = arith.constant 24 : index
      %get3A_496 = arith.constant 128 : index
      %get3A_497 = vector.load %arg1[%get3A_494, %get3A_495, %get3A_496] : memref<1x128x256xf32, #tpu.memory_space<vmem>>, vector<1x8x128xf32>
      %get3A_498 = vector.shape_cast %get3A_497 : vector<1x8x128xf32> to vector<8x128xf32>
      %mul3A_499 = arith.constant 64 : i32
      %mul3A_500 = arith.muli %scan3A_304, %mul3A_499 : i32
      %add3A_501 = arith.constant 128 : i32
      %add3A_502 = arith.addi %add3A_501, %mul3A_500 : i32
      %get3A_503 = arith.constant 3 : index
      %get3A_504 = arith.index_cast %add3A_502 : i32 to index
      %get3A_505 = arith.constant 0 : index
      %get3A_506 = vector.load %arg5[%get3A_503, %get3A_504, %get3A_505] : memref<16x256x8xf32, #tpu.memory_space<vmem>>, vector<1x64x8xf32>
      %get3A_507 = vector.shape_cast %get3A_506 : vector<1x64x8xf32> to vector<64x8xf32>
      %slice3A_508 = vector.extract_strided_slice %get3A_507 {offsets = [0, 0], sizes = [64, 1], strides = [1, 1]} : vector<64x8xf32> to vector<64x1xf32>
      %slice3A_509 = vector.extract_strided_slice %get3A_498 {offsets = [0, 0], sizes = [1, 128], strides = [1, 1]} : vector<8x128xf32> to vector<1x128xf32>
      %min3A_510 = vector.broadcast %slice3A_508 : vector<64x1xf32> to vector<64x128xf32>
      %min3A_511 = vector.broadcast %slice3A_509 : vector<1x128xf32> to vector<64x128xf32>
      %min3A_512 = arith.minimumf %min3A_510, %min3A_511 : vector<64x128xf32>
      %add3A_513 = arith.addf %add3A_487, %min3A_512 : vector<64x128xf32>
      %slice3A_514 = vector.extract_strided_slice %get3A_507 {offsets = [0, 1], sizes = [64, 1], strides = [1, 1]} : vector<64x8xf32> to vector<64x1xf32>
      %slice3A_515 = vector.extract_strided_slice %get3A_498 {offsets = [1, 0], sizes = [1, 128], strides = [1, 1]} : vector<8x128xf32> to vector<1x128xf32>
      %min3A_516 = vector.broadcast %slice3A_514 : vector<64x1xf32> to vector<64x128xf32>
      %min3A_517 = vector.broadcast %slice3A_515 : vector<1x128xf32> to vector<64x128xf32>
      %min3A_518 = arith.minimumf %min3A_516, %min3A_517 : vector<64x128xf32>
      %add3A_519 = arith.addf %add3A_493, %min3A_518 : vector<64x128xf32>
      %slice3A_520 = vector.extract_strided_slice %get3A_507 {offsets = [0, 2], sizes = [64, 1], strides = [1, 1]} : vector<64x8xf32> to vector<64x1xf32>
      %slice3A_521 = vector.extract_strided_slice %get3A_498 {offsets = [2, 0], sizes = [1, 128], strides = [1, 1]} : vector<8x128xf32> to vector<1x128xf32>
      %min3A_522 = vector.broadcast %slice3A_520 : vector<64x1xf32> to vector<64x128xf32>
      %min3A_523 = vector.broadcast %slice3A_521 : vector<1x128xf32> to vector<64x128xf32>
      %min3A_524 = arith.minimumf %min3A_522, %min3A_523 : vector<64x128xf32>
      %add3A_525 = arith.addf %add3A_513, %min3A_524 : vector<64x128xf32>
      %slice3A_526 = vector.extract_strided_slice %get3A_507 {offsets = [0, 3], sizes = [64, 1], strides = [1, 1]} : vector<64x8xf32> to vector<64x1xf32>
      %slice3A_527 = vector.extract_strided_slice %get3A_498 {offsets = [3, 0], sizes = [1, 128], strides = [1, 1]} : vector<8x128xf32> to vector<1x128xf32>
      %min3A_528 = vector.broadcast %slice3A_526 : vector<64x1xf32> to vector<64x128xf32>
      %min3A_529 = vector.broadcast %slice3A_527 : vector<1x128xf32> to vector<64x128xf32>
      %min3A_530 = arith.minimumf %min3A_528, %min3A_529 : vector<64x128xf32>
      %add3A_531 = arith.addf %add3A_519, %min3A_530 : vector<64x128xf32>
      %slice3A_532 = vector.extract_strided_slice %get3A_507 {offsets = [0, 4], sizes = [64, 1], strides = [1, 1]} : vector<64x8xf32> to vector<64x1xf32>
      %slice3A_533 = vector.extract_strided_slice %get3A_498 {offsets = [4, 0], sizes = [1, 128], strides = [1, 1]} : vector<8x128xf32> to vector<1x128xf32>
      %min3A_534 = vector.broadcast %slice3A_532 : vector<64x1xf32> to vector<64x128xf32>
      %min3A_535 = vector.broadcast %slice3A_533 : vector<1x128xf32> to vector<64x128xf32>
      %min3A_536 = arith.minimumf %min3A_534, %min3A_535 : vector<64x128xf32>
      %add3A_537 = arith.addf %add3A_525, %min3A_536 : vector<64x128xf32>
      %slice3A_538 = vector.extract_strided_slice %get3A_507 {offsets = [0, 5], sizes = [64, 1], strides = [1, 1]} : vector<64x8xf32> to vector<64x1xf32>
      %slice3A_539 = vector.extract_strided_slice %get3A_498 {offsets = [5, 0], sizes = [1, 128], strides = [1, 1]} : vector<8x128xf32> to vector<1x128xf32>
      %min3A_540 = vector.broadcast %slice3A_538 : vector<64x1xf32> to vector<64x128xf32>
      %min3A_541 = vector.broadcast %slice3A_539 : vector<1x128xf32> to vector<64x128xf32>
      %min3A_542 = arith.minimumf %min3A_540, %min3A_541 : vector<64x128xf32>
      %add3A_543 = arith.addf %add3A_531, %min3A_542 : vector<64x128xf32>
      %slice3A_544 = vector.extract_strided_slice %get3A_507 {offsets = [0, 6], sizes = [64, 1], strides = [1, 1]} : vector<64x8xf32> to vector<64x1xf32>
      %slice3A_545 = vector.extract_strided_slice %get3A_498 {offsets = [6, 0], sizes = [1, 128], strides = [1, 1]} : vector<8x128xf32> to vector<1x128xf32>
      %min3A_546 = vector.broadcast %slice3A_544 : vector<64x1xf32> to vector<64x128xf32>
      %min3A_547 = vector.broadcast %slice3A_545 : vector<1x128xf32> to vector<64x128xf32>
      %min3A_548 = arith.minimumf %min3A_546, %min3A_547 : vector<64x128xf32>
      %add3A_549 = arith.addf %add3A_537, %min3A_548 : vector<64x128xf32>
      %slice3A_550 = vector.extract_strided_slice %get3A_507 {offsets = [0, 7], sizes = [64, 1], strides = [1, 1]} : vector<64x8xf32> to vector<64x1xf32>
      %slice3A_551 = vector.extract_strided_slice %get3A_498 {offsets = [7, 0], sizes = [1, 128], strides = [1, 1]} : vector<8x128xf32> to vector<1x128xf32>
      %min3A_552 = vector.broadcast %slice3A_550 : vector<64x1xf32> to vector<64x128xf32>
      %min3A_553 = vector.broadcast %slice3A_551 : vector<1x128xf32> to vector<64x128xf32>
      %min3A_554 = arith.minimumf %min3A_552, %min3A_553 : vector<64x128xf32>
      %add3A_555 = arith.addf %add3A_543, %min3A_554 : vector<64x128xf32>
      %get3A_556 = arith.constant 0 : index
      %get3A_557 = arith.constant 32 : index
      %get3A_558 = arith.constant 128 : index
      %get3A_559 = vector.load %arg1[%get3A_556, %get3A_557, %get3A_558] : memref<1x128x256xf32, #tpu.memory_space<vmem>>, vector<1x8x128xf32>
      %get3A_560 = vector.shape_cast %get3A_559 : vector<1x8x128xf32> to vector<8x128xf32>
      %mul3A_561 = arith.constant 64 : i32
      %mul3A_562 = arith.muli %scan3A_304, %mul3A_561 : i32
      %add3A_563 = arith.constant 128 : i32
      %add3A_564 = arith.addi %add3A_563, %mul3A_562 : i32
      %get3A_565 = arith.constant 4 : index
      %get3A_566 = arith.index_cast %add3A_564 : i32 to index
      %get3A_567 = arith.constant 0 : index
      %get3A_568 = vector.load %arg5[%get3A_565, %get3A_566, %get3A_567] : memref<16x256x8xf32, #tpu.memory_space<vmem>>, vector<1x64x8xf32>
      %get3A_569 = vector.shape_cast %get3A_568 : vector<1x64x8xf32> to vector<64x8xf32>
      %slice3A_570 = vector.extract_strided_slice %get3A_569 {offsets = [0, 0], sizes = [64, 1], strides = [1, 1]} : vector<64x8xf32> to vector<64x1xf32>
      %slice3A_571 = vector.extract_strided_slice %get3A_560 {offsets = [0, 0], sizes = [1, 128], strides = [1, 1]} : vector<8x128xf32> to vector<1x128xf32>
      %min3A_572 = vector.broadcast %slice3A_570 : vector<64x1xf32> to vector<64x128xf32>
      %min3A_573 = vector.broadcast %slice3A_571 : vector<1x128xf32> to vector<64x128xf32>
      %min3A_574 = arith.minimumf %min3A_572, %min3A_573 : vector<64x128xf32>
      %add3A_575 = arith.addf %add3A_549, %min3A_574 : vector<64x128xf32>
      %slice3A_576 = vector.extract_strided_slice %get3A_569 {offsets = [0, 1], sizes = [64, 1], strides = [1, 1]} : vector<64x8xf32> to vector<64x1xf32>
      %slice3A_577 = vector.extract_strided_slice %get3A_560 {offsets = [1, 0], sizes = [1, 128], strides = [1, 1]} : vector<8x128xf32> to vector<1x128xf32>
      %min3A_578 = vector.broadcast %slice3A_576 : vector<64x1xf32> to vector<64x128xf32>
      %min3A_579 = vector.broadcast %slice3A_577 : vector<1x128xf32> to vector<64x128xf32>
      %min3A_580 = arith.minimumf %min3A_578, %min3A_579 : vector<64x128xf32>
      %add3A_581 = arith.addf %add3A_555, %min3A_580 : vector<64x128xf32>
      %slice3A_582 = vector.extract_strided_slice %get3A_569 {offsets = [0, 2], sizes = [64, 1], strides = [1, 1]} : vector<64x8xf32> to vector<64x1xf32>
      %slice3A_583 = vector.extract_strided_slice %get3A_560 {offsets = [2, 0], sizes = [1, 128], strides = [1, 1]} : vector<8x128xf32> to vector<1x128xf32>
      %min3A_584 = vector.broadcast %slice3A_582 : vector<64x1xf32> to vector<64x128xf32>
      %min3A_585 = vector.broadcast %slice3A_583 : vector<1x128xf32> to vector<64x128xf32>
      %min3A_586 = arith.minimumf %min3A_584, %min3A_585 : vector<64x128xf32>
      %add3A_587 = arith.addf %add3A_575, %min3A_586 : vector<64x128xf32>
      %slice3A_588 = vector.extract_strided_slice %get3A_569 {offsets = [0, 3], sizes = [64, 1], strides = [1, 1]} : vector<64x8xf32> to vector<64x1xf32>
      %slice3A_589 = vector.extract_strided_slice %get3A_560 {offsets = [3, 0], sizes = [1, 128], strides = [1, 1]} : vector<8x128xf32> to vector<1x128xf32>
      %min3A_590 = vector.broadcast %slice3A_588 : vector<64x1xf32> to vector<64x128xf32>
      %min3A_591 = vector.broadcast %slice3A_589 : vector<1x128xf32> to vector<64x128xf32>
      %min3A_592 = arith.minimumf %min3A_590, %min3A_591 : vector<64x128xf32>
      %add3A_593 = arith.addf %add3A_581, %min3A_592 : vector<64x128xf32>
      %slice3A_594 = vector.extract_strided_slice %get3A_569 {offsets = [0, 4], sizes = [64, 1], strides = [1, 1]} : vector<64x8xf32> to vector<64x1xf32>
      %slice3A_595 = vector.extract_strided_slice %get3A_560 {offsets = [4, 0], sizes = [1, 128], strides = [1, 1]} : vector<8x128xf32> to vector<1x128xf32>
      %min3A_596 = vector.broadcast %slice3A_594 : vector<64x1xf32> to vector<64x128xf32>
      %min3A_597 = vector.broadcast %slice3A_595 : vector<1x128xf32> to vector<64x128xf32>
      %min3A_598 = arith.minimumf %min3A_596, %min3A_597 : vector<64x128xf32>
      %add3A_599 = arith.addf %add3A_587, %min3A_598 : vector<64x128xf32>
      %slice3A_600 = vector.extract_strided_slice %get3A_569 {offsets = [0, 5], sizes = [64, 1], strides = [1, 1]} : vector<64x8xf32> to vector<64x1xf32>
      %slice3A_601 = vector.extract_strided_slice %get3A_560 {offsets = [5, 0], sizes = [1, 128], strides = [1, 1]} : vector<8x128xf32> to vector<1x128xf32>
      %min3A_602 = vector.broadcast %slice3A_600 : vector<64x1xf32> to vector<64x128xf32>
      %min3A_603 = vector.broadcast %slice3A_601 : vector<1x128xf32> to vector<64x128xf32>
      %min3A_604 = arith.minimumf %min3A_602, %min3A_603 : vector<64x128xf32>
      %add3A_605 = arith.addf %add3A_593, %min3A_604 : vector<64x128xf32>
      %slice3A_606 = vector.extract_strided_slice %get3A_569 {offsets = [0, 6], sizes = [64, 1], strides = [1, 1]} : vector<64x8xf32> to vector<64x1xf32>
      %slice3A_607 = vector.extract_strided_slice %get3A_560 {offsets = [6, 0], sizes = [1, 128], strides = [1, 1]} : vector<8x128xf32> to vector<1x128xf32>
      %min3A_608 = vector.broadcast %slice3A_606 : vector<64x1xf32> to vector<64x128xf32>
      %min3A_609 = vector.broadcast %slice3A_607 : vector<1x128xf32> to vector<64x128xf32>
      %min3A_610 = arith.minimumf %min3A_608, %min3A_609 : vector<64x128xf32>
      %add3A_611 = arith.addf %add3A_599, %min3A_610 : vector<64x128xf32>
      %slice3A_612 = vector.extract_strided_slice %get3A_569 {offsets = [0, 7], sizes = [64, 1], strides = [1, 1]} : vector<64x8xf32> to vector<64x1xf32>
      %slice3A_613 = vector.extract_strided_slice %get3A_560 {offsets = [7, 0], sizes = [1, 128], strides = [1, 1]} : vector<8x128xf32> to vector<1x128xf32>
      %min3A_614 = vector.broadcast %slice3A_612 : vector<64x1xf32> to vector<64x128xf32>
      %min3A_615 = vector.broadcast %slice3A_613 : vector<1x128xf32> to vector<64x128xf32>
      %min3A_616 = arith.minimumf %min3A_614, %min3A_615 : vector<64x128xf32>
      %add3A_617 = arith.addf %add3A_605, %min3A_616 : vector<64x128xf32>
      %get3A_618 = arith.constant 0 : index
      %get3A_619 = arith.constant 40 : index
      %get3A_620 = arith.constant 128 : index
      %get3A_621 = vector.load %arg1[%get3A_618, %get3A_619, %get3A_620] : memref<1x128x256xf32, #tpu.memory_space<vmem>>, vector<1x8x128xf32>
      %get3A_622 = vector.shape_cast %get3A_621 : vector<1x8x128xf32> to vector<8x128xf32>
      %mul3A_623 = arith.constant 64 : i32
      %mul3A_624 = arith.muli %scan3A_304, %mul3A_623 : i32
      %add3A_625 = arith.constant 128 : i32
      %add3A_626 = arith.addi %add3A_625, %mul3A_624 : i32
      %get3A_627 = arith.constant 5 : index
      %get3A_628 = arith.index_cast %add3A_626 : i32 to index
      %get3A_629 = arith.constant 0 : index
      %get3A_630 = vector.load %arg5[%get3A_627, %get3A_628, %get3A_629] : memref<16x256x8xf32, #tpu.memory_space<vmem>>, vector<1x64x8xf32>
      %get3A_631 = vector.shape_cast %get3A_630 : vector<1x64x8xf32> to vector<64x8xf32>
      %slice3A_632 = vector.extract_strided_slice %get3A_631 {offsets = [0, 0], sizes = [64, 1], strides = [1, 1]} : vector<64x8xf32> to vector<64x1xf32>
      %slice3A_633 = vector.extract_strided_slice %get3A_622 {offsets = [0, 0], sizes = [1, 128], strides = [1, 1]} : vector<8x128xf32> to vector<1x128xf32>
      %min3A_634 = vector.broadcast %slice3A_632 : vector<64x1xf32> to vector<64x128xf32>
      %min3A_635 = vector.broadcast %slice3A_633 : vector<1x128xf32> to vector<64x128xf32>
      %min3A_636 = arith.minimumf %min3A_634, %min3A_635 : vector<64x128xf32>
      %add3A_637 = arith.addf %add3A_611, %min3A_636 : vector<64x128xf32>
      %slice3A_638 = vector.extract_strided_slice %get3A_631 {offsets = [0, 1], sizes = [64, 1], strides = [1, 1]} : vector<64x8xf32> to vector<64x1xf32>
      %slice3A_639 = vector.extract_strided_slice %get3A_622 {offsets = [1, 0], sizes = [1, 128], strides = [1, 1]} : vector<8x128xf32> to vector<1x128xf32>
      %min3A_640 = vector.broadcast %slice3A_638 : vector<64x1xf32> to vector<64x128xf32>
      %min3A_641 = vector.broadcast %slice3A_639 : vector<1x128xf32> to vector<64x128xf32>
      %min3A_642 = arith.minimumf %min3A_640, %min3A_641 : vector<64x128xf32>
      %add3A_643 = arith.addf %add3A_617, %min3A_642 : vector<64x128xf32>
      %slice3A_644 = vector.extract_strided_slice %get3A_631 {offsets = [0, 2], sizes = [64, 1], strides = [1, 1]} : vector<64x8xf32> to vector<64x1xf32>
      %slice3A_645 = vector.extract_strided_slice %get3A_622 {offsets = [2, 0], sizes = [1, 128], strides = [1, 1]} : vector<8x128xf32> to vector<1x128xf32>
      %min3A_646 = vector.broadcast %slice3A_644 : vector<64x1xf32> to vector<64x128xf32>
      %min3A_647 = vector.broadcast %slice3A_645 : vector<1x128xf32> to vector<64x128xf32>
      %min3A_648 = arith.minimumf %min3A_646, %min3A_647 : vector<64x128xf32>
      %add3A_649 = arith.addf %add3A_637, %min3A_648 : vector<64x128xf32>
      %slice3A_650 = vector.extract_strided_slice %get3A_631 {offsets = [0, 3], sizes = [64, 1], strides = [1, 1]} : vector<64x8xf32> to vector<64x1xf32>
      %slice3A_651 = vector.extract_strided_slice %get3A_622 {offsets = [3, 0], sizes = [1, 128], strides = [1, 1]} : vector<8x128xf32> to vector<1x128xf32>
      %min3A_652 = vector.broadcast %slice3A_650 : vector<64x1xf32> to vector<64x128xf32>
      %min3A_653 = vector.broadcast %slice3A_651 : vector<1x128xf32> to vector<64x128xf32>
      %min3A_654 = arith.minimumf %min3A_652, %min3A_653 : vector<64x128xf32>
      %add3A_655 = arith.addf %add3A_643, %min3A_654 : vector<64x128xf32>
      %slice3A_656 = vector.extract_strided_slice %get3A_631 {offsets = [0, 4], sizes = [64, 1], strides = [1, 1]} : vector<64x8xf32> to vector<64x1xf32>
      %slice3A_657 = vector.extract_strided_slice %get3A_622 {offsets = [4, 0], sizes = [1, 128], strides = [1, 1]} : vector<8x128xf32> to vector<1x128xf32>
      %min3A_658 = vector.broadcast %slice3A_656 : vector<64x1xf32> to vector<64x128xf32>
      %min3A_659 = vector.broadcast %slice3A_657 : vector<1x128xf32> to vector<64x128xf32>
      %min3A_660 = arith.minimumf %min3A_658, %min3A_659 : vector<64x128xf32>
      %add3A_661 = arith.addf %add3A_649, %min3A_660 : vector<64x128xf32>
      %slice3A_662 = vector.extract_strided_slice %get3A_631 {offsets = [0, 5], sizes = [64, 1], strides = [1, 1]} : vector<64x8xf32> to vector<64x1xf32>
      %slice3A_663 = vector.extract_strided_slice %get3A_622 {offsets = [5, 0], sizes = [1, 128], strides = [1, 1]} : vector<8x128xf32> to vector<1x128xf32>
      %min3A_664 = vector.broadcast %slice3A_662 : vector<64x1xf32> to vector<64x128xf32>
      %min3A_665 = vector.broadcast %slice3A_663 : vector<1x128xf32> to vector<64x128xf32>
      %min3A_666 = arith.minimumf %min3A_664, %min3A_665 : vector<64x128xf32>
      %add3A_667 = arith.addf %add3A_655, %min3A_666 : vector<64x128xf32>
      %slice3A_668 = vector.extract_strided_slice %get3A_631 {offsets = [0, 6], sizes = [64, 1], strides = [1, 1]} : vector<64x8xf32> to vector<64x1xf32>
      %slice3A_669 = vector.extract_strided_slice %get3A_622 {offsets = [6, 0], sizes = [1, 128], strides = [1, 1]} : vector<8x128xf32> to vector<1x128xf32>
      %min3A_670 = vector.broadcast %slice3A_668 : vector<64x1xf32> to vector<64x128xf32>
      %min3A_671 = vector.broadcast %slice3A_669 : vector<1x128xf32> to vector<64x128xf32>
      %min3A_672 = arith.minimumf %min3A_670, %min3A_671 : vector<64x128xf32>
      %add3A_673 = arith.addf %add3A_661, %min3A_672 : vector<64x128xf32>
      %slice3A_674 = vector.extract_strided_slice %get3A_631 {offsets = [0, 7], sizes = [64, 1], strides = [1, 1]} : vector<64x8xf32> to vector<64x1xf32>
      %slice3A_675 = vector.extract_strided_slice %get3A_622 {offsets = [7, 0], sizes = [1, 128], strides = [1, 1]} : vector<8x128xf32> to vector<1x128xf32>
      %min3A_676 = vector.broadcast %slice3A_674 : vector<64x1xf32> to vector<64x128xf32>
      %min3A_677 = vector.broadcast %slice3A_675 : vector<1x128xf32> to vector<64x128xf32>
      %min3A_678 = arith.minimumf %min3A_676, %min3A_677 : vector<64x128xf32>
      %add3A_679 = arith.addf %add3A_667, %min3A_678 : vector<64x128xf32>
      %get3A_680 = arith.constant 0 : index
      %get3A_681 = arith.constant 48 : index
      %get3A_682 = arith.constant 128 : index
      %get3A_683 = vector.load %arg1[%get3A_680, %get3A_681, %get3A_682] : memref<1x128x256xf32, #tpu.memory_space<vmem>>, vector<1x8x128xf32>
      %get3A_684 = vector.shape_cast %get3A_683 : vector<1x8x128xf32> to vector<8x128xf32>
      %mul3A_685 = arith.constant 64 : i32
      %mul3A_686 = arith.muli %scan3A_304, %mul3A_685 : i32
      %add3A_687 = arith.constant 128 : i32
      %add3A_688 = arith.addi %add3A_687, %mul3A_686 : i32
      %get3A_689 = arith.constant 6 : index
      %get3A_690 = arith.index_cast %add3A_688 : i32 to index
      %get3A_691 = arith.constant 0 : index
      %get3A_692 = vector.load %arg5[%get3A_689, %get3A_690, %get3A_691] : memref<16x256x8xf32, #tpu.memory_space<vmem>>, vector<1x64x8xf32>
      %get3A_693 = vector.shape_cast %get3A_692 : vector<1x64x8xf32> to vector<64x8xf32>
      %slice3A_694 = vector.extract_strided_slice %get3A_693 {offsets = [0, 0], sizes = [64, 1], strides = [1, 1]} : vector<64x8xf32> to vector<64x1xf32>
      %slice3A_695 = vector.extract_strided_slice %get3A_684 {offsets = [0, 0], sizes = [1, 128], strides = [1, 1]} : vector<8x128xf32> to vector<1x128xf32>
      %min3A_696 = vector.broadcast %slice3A_694 : vector<64x1xf32> to vector<64x128xf32>
      %min3A_697 = vector.broadcast %slice3A_695 : vector<1x128xf32> to vector<64x128xf32>
      %min3A_698 = arith.minimumf %min3A_696, %min3A_697 : vector<64x128xf32>
      %add3A_699 = arith.addf %add3A_673, %min3A_698 : vector<64x128xf32>
      %slice3A_700 = vector.extract_strided_slice %get3A_693 {offsets = [0, 1], sizes = [64, 1], strides = [1, 1]} : vector<64x8xf32> to vector<64x1xf32>
      %slice3A_701 = vector.extract_strided_slice %get3A_684 {offsets = [1, 0], sizes = [1, 128], strides = [1, 1]} : vector<8x128xf32> to vector<1x128xf32>
      %min3A_702 = vector.broadcast %slice3A_700 : vector<64x1xf32> to vector<64x128xf32>
      %min3A_703 = vector.broadcast %slice3A_701 : vector<1x128xf32> to vector<64x128xf32>
      %min3A_704 = arith.minimumf %min3A_702, %min3A_703 : vector<64x128xf32>
      %add3A_705 = arith.addf %add3A_679, %min3A_704 : vector<64x128xf32>
      %slice3A_706 = vector.extract_strided_slice %get3A_693 {offsets = [0, 2], sizes = [64, 1], strides = [1, 1]} : vector<64x8xf32> to vector<64x1xf32>
      %slice3A_707 = vector.extract_strided_slice %get3A_684 {offsets = [2, 0], sizes = [1, 128], strides = [1, 1]} : vector<8x128xf32> to vector<1x128xf32>
      %min3A_708 = vector.broadcast %slice3A_706 : vector<64x1xf32> to vector<64x128xf32>
      %min3A_709 = vector.broadcast %slice3A_707 : vector<1x128xf32> to vector<64x128xf32>
      %min3A_710 = arith.minimumf %min3A_708, %min3A_709 : vector<64x128xf32>
      %add3A_711 = arith.addf %add3A_699, %min3A_710 : vector<64x128xf32>
      %slice3A_712 = vector.extract_strided_slice %get3A_693 {offsets = [0, 3], sizes = [64, 1], strides = [1, 1]} : vector<64x8xf32> to vector<64x1xf32>
      %slice3A_713 = vector.extract_strided_slice %get3A_684 {offsets = [3, 0], sizes = [1, 128], strides = [1, 1]} : vector<8x128xf32> to vector<1x128xf32>
      %min3A_714 = vector.broadcast %slice3A_712 : vector<64x1xf32> to vector<64x128xf32>
      %min3A_715 = vector.broadcast %slice3A_713 : vector<1x128xf32> to vector<64x128xf32>
      %min3A_716 = arith.minimumf %min3A_714, %min3A_715 : vector<64x128xf32>
      %add3A_717 = arith.addf %add3A_705, %min3A_716 : vector<64x128xf32>
      %slice3A_718 = vector.extract_strided_slice %get3A_693 {offsets = [0, 4], sizes = [64, 1], strides = [1, 1]} : vector<64x8xf32> to vector<64x1xf32>
      %slice3A_719 = vector.extract_strided_slice %get3A_684 {offsets = [4, 0], sizes = [1, 128], strides = [1, 1]} : vector<8x128xf32> to vector<1x128xf32>
      %min3A_720 = vector.broadcast %slice3A_718 : vector<64x1xf32> to vector<64x128xf32>
      %min3A_721 = vector.broadcast %slice3A_719 : vector<1x128xf32> to vector<64x128xf32>
      %min3A_722 = arith.minimumf %min3A_720, %min3A_721 : vector<64x128xf32>
      %add3A_723 = arith.addf %add3A_711, %min3A_722 : vector<64x128xf32>
      %slice3A_724 = vector.extract_strided_slice %get3A_693 {offsets = [0, 5], sizes = [64, 1], strides = [1, 1]} : vector<64x8xf32> to vector<64x1xf32>
      %slice3A_725 = vector.extract_strided_slice %get3A_684 {offsets = [5, 0], sizes = [1, 128], strides = [1, 1]} : vector<8x128xf32> to vector<1x128xf32>
      %min3A_726 = vector.broadcast %slice3A_724 : vector<64x1xf32> to vector<64x128xf32>
      %min3A_727 = vector.broadcast %slice3A_725 : vector<1x128xf32> to vector<64x128xf32>
      %min3A_728 = arith.minimumf %min3A_726, %min3A_727 : vector<64x128xf32>
      %add3A_729 = arith.addf %add3A_717, %min3A_728 : vector<64x128xf32>
      %slice3A_730 = vector.extract_strided_slice %get3A_693 {offsets = [0, 6], sizes = [64, 1], strides = [1, 1]} : vector<64x8xf32> to vector<64x1xf32>
      %slice3A_731 = vector.extract_strided_slice %get3A_684 {offsets = [6, 0], sizes = [1, 128], strides = [1, 1]} : vector<8x128xf32> to vector<1x128xf32>
      %min3A_732 = vector.broadcast %slice3A_730 : vector<64x1xf32> to vector<64x128xf32>
      %min3A_733 = vector.broadcast %slice3A_731 : vector<1x128xf32> to vector<64x128xf32>
      %min3A_734 = arith.minimumf %min3A_732, %min3A_733 : vector<64x128xf32>
      %add3A_735 = arith.addf %add3A_723, %min3A_734 : vector<64x128xf32>
      %slice3A_736 = vector.extract_strided_slice %get3A_693 {offsets = [0, 7], sizes = [64, 1], strides = [1, 1]} : vector<64x8xf32> to vector<64x1xf32>
      %slice3A_737 = vector.extract_strided_slice %get3A_684 {offsets = [7, 0], sizes = [1, 128], strides = [1, 1]} : vector<8x128xf32> to vector<1x128xf32>
      %min3A_738 = vector.broadcast %slice3A_736 : vector<64x1xf32> to vector<64x128xf32>
      %min3A_739 = vector.broadcast %slice3A_737 : vector<1x128xf32> to vector<64x128xf32>
      %min3A_740 = arith.minimumf %min3A_738, %min3A_739 : vector<64x128xf32>
      %add3A_741 = arith.addf %add3A_729, %min3A_740 : vector<64x128xf32>
      %get3A_742 = arith.constant 0 : index
      %get3A_743 = arith.constant 56 : index
      %get3A_744 = arith.constant 128 : index
      %get3A_745 = vector.load %arg1[%get3A_742, %get3A_743, %get3A_744] : memref<1x128x256xf32, #tpu.memory_space<vmem>>, vector<1x8x128xf32>
      %get3A_746 = vector.shape_cast %get3A_745 : vector<1x8x128xf32> to vector<8x128xf32>
      %mul3A_747 = arith.constant 64 : i32
      %mul3A_748 = arith.muli %scan3A_304, %mul3A_747 : i32
      %add3A_749 = arith.constant 128 : i32
      %add3A_750 = arith.addi %add3A_749, %mul3A_748 : i32
      %get3A_751 = arith.constant 7 : index
      %get3A_752 = arith.index_cast %add3A_750 : i32 to index
      %get3A_753 = arith.constant 0 : index
      %get3A_754 = vector.load %arg5[%get3A_751, %get3A_752, %get3A_753] : memref<16x256x8xf32, #tpu.memory_space<vmem>>, vector<1x64x8xf32>
      %get3A_755 = vector.shape_cast %get3A_754 : vector<1x64x8xf32> to vector<64x8xf32>
      %slice3A_756 = vector.extract_strided_slice %get3A_755 {offsets = [0, 0], sizes = [64, 1], strides = [1, 1]} : vector<64x8xf32> to vector<64x1xf32>
      %slice3A_757 = vector.extract_strided_slice %get3A_746 {offsets = [0, 0], sizes = [1, 128], strides = [1, 1]} : vector<8x128xf32> to vector<1x128xf32>
      %min3A_758 = vector.broadcast %slice3A_756 : vector<64x1xf32> to vector<64x128xf32>
      %min3A_759 = vector.broadcast %slice3A_757 : vector<1x128xf32> to vector<64x128xf32>
      %min3A_760 = arith.minimumf %min3A_758, %min3A_759 : vector<64x128xf32>
      %add3A_761 = arith.addf %add3A_735, %min3A_760 : vector<64x128xf32>
      %slice3A_762 = vector.extract_strided_slice %get3A_755 {offsets = [0, 1], sizes = [64, 1], strides = [1, 1]} : vector<64x8xf32> to vector<64x1xf32>
      %slice3A_763 = vector.extract_strided_slice %get3A_746 {offsets = [1, 0], sizes = [1, 128], strides = [1, 1]} : vector<8x128xf32> to vector<1x128xf32>
      %min3A_764 = vector.broadcast %slice3A_762 : vector<64x1xf32> to vector<64x128xf32>
      %min3A_765 = vector.broadcast %slice3A_763 : vector<1x128xf32> to vector<64x128xf32>
      %min3A_766 = arith.minimumf %min3A_764, %min3A_765 : vector<64x128xf32>
      %add3A_767 = arith.addf %add3A_741, %min3A_766 : vector<64x128xf32>
      %slice3A_768 = vector.extract_strided_slice %get3A_755 {offsets = [0, 2], sizes = [64, 1], strides = [1, 1]} : vector<64x8xf32> to vector<64x1xf32>
      %slice3A_769 = vector.extract_strided_slice %get3A_746 {offsets = [2, 0], sizes = [1, 128], strides = [1, 1]} : vector<8x128xf32> to vector<1x128xf32>
      %min3A_770 = vector.broadcast %slice3A_768 : vector<64x1xf32> to vector<64x128xf32>
      %min3A_771 = vector.broadcast %slice3A_769 : vector<1x128xf32> to vector<64x128xf32>
      %min3A_772 = arith.minimumf %min3A_770, %min3A_771 : vector<64x128xf32>
      %add3A_773 = arith.addf %add3A_761, %min3A_772 : vector<64x128xf32>
      %slice3A_774 = vector.extract_strided_slice %get3A_755 {offsets = [0, 3], sizes = [64, 1], strides = [1, 1]} : vector<64x8xf32> to vector<64x1xf32>
      %slice3A_775 = vector.extract_strided_slice %get3A_746 {offsets = [3, 0], sizes = [1, 128], strides = [1, 1]} : vector<8x128xf32> to vector<1x128xf32>
      %min3A_776 = vector.broadcast %slice3A_774 : vector<64x1xf32> to vector<64x128xf32>
      %min3A_777 = vector.broadcast %slice3A_775 : vector<1x128xf32> to vector<64x128xf32>
      %min3A_778 = arith.minimumf %min3A_776, %min3A_777 : vector<64x128xf32>
      %add3A_779 = arith.addf %add3A_767, %min3A_778 : vector<64x128xf32>
      %slice3A_780 = vector.extract_strided_slice %get3A_755 {offsets = [0, 4], sizes = [64, 1], strides = [1, 1]} : vector<64x8xf32> to vector<64x1xf32>
      %slice3A_781 = vector.extract_strided_slice %get3A_746 {offsets = [4, 0], sizes = [1, 128], strides = [1, 1]} : vector<8x128xf32> to vector<1x128xf32>
      %min3A_782 = vector.broadcast %slice3A_780 : vector<64x1xf32> to vector<64x128xf32>
      %min3A_783 = vector.broadcast %slice3A_781 : vector<1x128xf32> to vector<64x128xf32>
      %min3A_784 = arith.minimumf %min3A_782, %min3A_783 : vector<64x128xf32>
      %add3A_785 = arith.addf %add3A_773, %min3A_784 : vector<64x128xf32>
      %slice3A_786 = vector.extract_strided_slice %get3A_755 {offsets = [0, 5], sizes = [64, 1], strides = [1, 1]} : vector<64x8xf32> to vector<64x1xf32>
      %slice3A_787 = vector.extract_strided_slice %get3A_746 {offsets = [5, 0], sizes = [1, 128], strides = [1, 1]} : vector<8x128xf32> to vector<1x128xf32>
      %min3A_788 = vector.broadcast %slice3A_786 : vector<64x1xf32> to vector<64x128xf32>
      %min3A_789 = vector.broadcast %slice3A_787 : vector<1x128xf32> to vector<64x128xf32>
      %min3A_790 = arith.minimumf %min3A_788, %min3A_789 : vector<64x128xf32>
      %add3A_791 = arith.addf %add3A_779, %min3A_790 : vector<64x128xf32>
      %slice3A_792 = vector.extract_strided_slice %get3A_755 {offsets = [0, 6], sizes = [64, 1], strides = [1, 1]} : vector<64x8xf32> to vector<64x1xf32>
      %slice3A_793 = vector.extract_strided_slice %get3A_746 {offsets = [6, 0], sizes = [1, 128], strides = [1, 1]} : vector<8x128xf32> to vector<1x128xf32>
      %min3A_794 = vector.broadcast %slice3A_792 : vector<64x1xf32> to vector<64x128xf32>
      %min3A_795 = vector.broadcast %slice3A_793 : vector<1x128xf32> to vector<64x128xf32>
      %min3A_796 = arith.minimumf %min3A_794, %min3A_795 : vector<64x128xf32>
      %add3A_797 = arith.addf %add3A_785, %min3A_796 : vector<64x128xf32>
      %slice3A_798 = vector.extract_strided_slice %get3A_755 {offsets = [0, 7], sizes = [64, 1], strides = [1, 1]} : vector<64x8xf32> to vector<64x1xf32>
      %slice3A_799 = vector.extract_strided_slice %get3A_746 {offsets = [7, 0], sizes = [1, 128], strides = [1, 1]} : vector<8x128xf32> to vector<1x128xf32>
      %min3A_800 = vector.broadcast %slice3A_798 : vector<64x1xf32> to vector<64x128xf32>
      %min3A_801 = vector.broadcast %slice3A_799 : vector<1x128xf32> to vector<64x128xf32>
      %min3A_802 = arith.minimumf %min3A_800, %min3A_801 : vector<64x128xf32>
      %add3A_803 = arith.addf %add3A_791, %min3A_802 : vector<64x128xf32>
      %get3A_804 = arith.constant 0 : index
      %get3A_805 = arith.constant 64 : index
      %get3A_806 = arith.constant 128 : index
      %get3A_807 = vector.load %arg1[%get3A_804, %get3A_805, %get3A_806] : memref<1x128x256xf32, #tpu.memory_space<vmem>>, vector<1x8x128xf32>
      %get3A_808 = vector.shape_cast %get3A_807 : vector<1x8x128xf32> to vector<8x128xf32>
      %mul3A_809 = arith.constant 64 : i32
      %mul3A_810 = arith.muli %scan3A_304, %mul3A_809 : i32
      %add3A_811 = arith.constant 128 : i32
      %add3A_812 = arith.addi %add3A_811, %mul3A_810 : i32
      %get3A_813 = arith.constant 8 : index
      %get3A_814 = arith.index_cast %add3A_812 : i32 to index
      %get3A_815 = arith.constant 0 : index
      %get3A_816 = vector.load %arg5[%get3A_813, %get3A_814, %get3A_815] : memref<16x256x8xf32, #tpu.memory_space<vmem>>, vector<1x64x8xf32>
      %get3A_817 = vector.shape_cast %get3A_816 : vector<1x64x8xf32> to vector<64x8xf32>
      %slice3A_818 = vector.extract_strided_slice %get3A_817 {offsets = [0, 0], sizes = [64, 1], strides = [1, 1]} : vector<64x8xf32> to vector<64x1xf32>
      %slice3A_819 = vector.extract_strided_slice %get3A_808 {offsets = [0, 0], sizes = [1, 128], strides = [1, 1]} : vector<8x128xf32> to vector<1x128xf32>
      %min3A_820 = vector.broadcast %slice3A_818 : vector<64x1xf32> to vector<64x128xf32>
      %min3A_821 = vector.broadcast %slice3A_819 : vector<1x128xf32> to vector<64x128xf32>
      %min3A_822 = arith.minimumf %min3A_820, %min3A_821 : vector<64x128xf32>
      %add3A_823 = arith.addf %add3A_797, %min3A_822 : vector<64x128xf32>
      %slice3A_824 = vector.extract_strided_slice %get3A_817 {offsets = [0, 1], sizes = [64, 1], strides = [1, 1]} : vector<64x8xf32> to vector<64x1xf32>
      %slice3A_825 = vector.extract_strided_slice %get3A_808 {offsets = [1, 0], sizes = [1, 128], strides = [1, 1]} : vector<8x128xf32> to vector<1x128xf32>
      %min3A_826 = vector.broadcast %slice3A_824 : vector<64x1xf32> to vector<64x128xf32>
      %min3A_827 = vector.broadcast %slice3A_825 : vector<1x128xf32> to vector<64x128xf32>
      %min3A_828 = arith.minimumf %min3A_826, %min3A_827 : vector<64x128xf32>
      %add3A_829 = arith.addf %add3A_803, %min3A_828 : vector<64x128xf32>
      %slice3A_830 = vector.extract_strided_slice %get3A_817 {offsets = [0, 2], sizes = [64, 1], strides = [1, 1]} : vector<64x8xf32> to vector<64x1xf32>
      %slice3A_831 = vector.extract_strided_slice %get3A_808 {offsets = [2, 0], sizes = [1, 128], strides = [1, 1]} : vector<8x128xf32> to vector<1x128xf32>
      %min3A_832 = vector.broadcast %slice3A_830 : vector<64x1xf32> to vector<64x128xf32>
      %min3A_833 = vector.broadcast %slice3A_831 : vector<1x128xf32> to vector<64x128xf32>
      %min3A_834 = arith.minimumf %min3A_832, %min3A_833 : vector<64x128xf32>
      %add3A_835 = arith.addf %add3A_823, %min3A_834 : vector<64x128xf32>
      %slice3A_836 = vector.extract_strided_slice %get3A_817 {offsets = [0, 3], sizes = [64, 1], strides = [1, 1]} : vector<64x8xf32> to vector<64x1xf32>
      %slice3A_837 = vector.extract_strided_slice %get3A_808 {offsets = [3, 0], sizes = [1, 128], strides = [1, 1]} : vector<8x128xf32> to vector<1x128xf32>
      %min3A_838 = vector.broadcast %slice3A_836 : vector<64x1xf32> to vector<64x128xf32>
      %min3A_839 = vector.broadcast %slice3A_837 : vector<1x128xf32> to vector<64x128xf32>
      %min3A_840 = arith.minimumf %min3A_838, %min3A_839 : vector<64x128xf32>
      %add3A_841 = arith.addf %add3A_829, %min3A_840 : vector<64x128xf32>
      %slice3A_842 = vector.extract_strided_slice %get3A_817 {offsets = [0, 4], sizes = [64, 1], strides = [1, 1]} : vector<64x8xf32> to vector<64x1xf32>
      %slice3A_843 = vector.extract_strided_slice %get3A_808 {offsets = [4, 0], sizes = [1, 128], strides = [1, 1]} : vector<8x128xf32> to vector<1x128xf32>
      %min3A_844 = vector.broadcast %slice3A_842 : vector<64x1xf32> to vector<64x128xf32>
      %min3A_845 = vector.broadcast %slice3A_843 : vector<1x128xf32> to vector<64x128xf32>
      %min3A_846 = arith.minimumf %min3A_844, %min3A_845 : vector<64x128xf32>
      %add3A_847 = arith.addf %add3A_835, %min3A_846 : vector<64x128xf32>
      %slice3A_848 = vector.extract_strided_slice %get3A_817 {offsets = [0, 5], sizes = [64, 1], strides = [1, 1]} : vector<64x8xf32> to vector<64x1xf32>
      %slice3A_849 = vector.extract_strided_slice %get3A_808 {offsets = [5, 0], sizes = [1, 128], strides = [1, 1]} : vector<8x128xf32> to vector<1x128xf32>
      %min3A_850 = vector.broadcast %slice3A_848 : vector<64x1xf32> to vector<64x128xf32>
      %min3A_851 = vector.broadcast %slice3A_849 : vector<1x128xf32> to vector<64x128xf32>
      %min3A_852 = arith.minimumf %min3A_850, %min3A_851 : vector<64x128xf32>
      %add3A_853 = arith.addf %add3A_841, %min3A_852 : vector<64x128xf32>
      %slice3A_854 = vector.extract_strided_slice %get3A_817 {offsets = [0, 6], sizes = [64, 1], strides = [1, 1]} : vector<64x8xf32> to vector<64x1xf32>
      %slice3A_855 = vector.extract_strided_slice %get3A_808 {offsets = [6, 0], sizes = [1, 128], strides = [1, 1]} : vector<8x128xf32> to vector<1x128xf32>
      %min3A_856 = vector.broadcast %slice3A_854 : vector<64x1xf32> to vector<64x128xf32>
      %min3A_857 = vector.broadcast %slice3A_855 : vector<1x128xf32> to vector<64x128xf32>
      %min3A_858 = arith.minimumf %min3A_856, %min3A_857 : vector<64x128xf32>
      %add3A_859 = arith.addf %add3A_847, %min3A_858 : vector<64x128xf32>
      %slice3A_860 = vector.extract_strided_slice %get3A_817 {offsets = [0, 7], sizes = [64, 1], strides = [1, 1]} : vector<64x8xf32> to vector<64x1xf32>
      %slice3A_861 = vector.extract_strided_slice %get3A_808 {offsets = [7, 0], sizes = [1, 128], strides = [1, 1]} : vector<8x128xf32> to vector<1x128xf32>
      %min3A_862 = vector.broadcast %slice3A_860 : vector<64x1xf32> to vector<64x128xf32>
      %min3A_863 = vector.broadcast %slice3A_861 : vector<1x128xf32> to vector<64x128xf32>
      %min3A_864 = arith.minimumf %min3A_862, %min3A_863 : vector<64x128xf32>
      %add3A_865 = arith.addf %add3A_853, %min3A_864 : vector<64x128xf32>
      %get3A_866 = arith.constant 0 : index
      %get3A_867 = arith.constant 72 : index
      %get3A_868 = arith.constant 128 : index
      %get3A_869 = vector.load %arg1[%get3A_866, %get3A_867, %get3A_868] : memref<1x128x256xf32, #tpu.memory_space<vmem>>, vector<1x8x128xf32>
      %get3A_870 = vector.shape_cast %get3A_869 : vector<1x8x128xf32> to vector<8x128xf32>
      %mul3A_871 = arith.constant 64 : i32
      %mul3A_872 = arith.muli %scan3A_304, %mul3A_871 : i32
      %add3A_873 = arith.constant 128 : i32
      %add3A_874 = arith.addi %add3A_873, %mul3A_872 : i32
      %get3A_875 = arith.constant 9 : index
      %get3A_876 = arith.index_cast %add3A_874 : i32 to index
      %get3A_877 = arith.constant 0 : index
      %get3A_878 = vector.load %arg5[%get3A_875, %get3A_876, %get3A_877] : memref<16x256x8xf32, #tpu.memory_space<vmem>>, vector<1x64x8xf32>
      %get3A_879 = vector.shape_cast %get3A_878 : vector<1x64x8xf32> to vector<64x8xf32>
      %slice3A_880 = vector.extract_strided_slice %get3A_879 {offsets = [0, 0], sizes = [64, 1], strides = [1, 1]} : vector<64x8xf32> to vector<64x1xf32>
      %slice3A_881 = vector.extract_strided_slice %get3A_870 {offsets = [0, 0], sizes = [1, 128], strides = [1, 1]} : vector<8x128xf32> to vector<1x128xf32>
      %min3A_882 = vector.broadcast %slice3A_880 : vector<64x1xf32> to vector<64x128xf32>
      %min3A_883 = vector.broadcast %slice3A_881 : vector<1x128xf32> to vector<64x128xf32>
      %min3A_884 = arith.minimumf %min3A_882, %min3A_883 : vector<64x128xf32>
      %add3A_885 = arith.addf %add3A_859, %min3A_884 : vector<64x128xf32>
      %slice3A_886 = vector.extract_strided_slice %get3A_879 {offsets = [0, 1], sizes = [64, 1], strides = [1, 1]} : vector<64x8xf32> to vector<64x1xf32>
      %slice3A_887 = vector.extract_strided_slice %get3A_870 {offsets = [1, 0], sizes = [1, 128], strides = [1, 1]} : vector<8x128xf32> to vector<1x128xf32>
      %min3A_888 = vector.broadcast %slice3A_886 : vector<64x1xf32> to vector<64x128xf32>
      %min3A_889 = vector.broadcast %slice3A_887 : vector<1x128xf32> to vector<64x128xf32>
      %min3A_890 = arith.minimumf %min3A_888, %min3A_889 : vector<64x128xf32>
      %add3A_891 = arith.addf %add3A_865, %min3A_890 : vector<64x128xf32>
      %slice3A_892 = vector.extract_strided_slice %get3A_879 {offsets = [0, 2], sizes = [64, 1], strides = [1, 1]} : vector<64x8xf32> to vector<64x1xf32>
      %slice3A_893 = vector.extract_strided_slice %get3A_870 {offsets = [2, 0], sizes = [1, 128], strides = [1, 1]} : vector<8x128xf32> to vector<1x128xf32>
      %min3A_894 = vector.broadcast %slice3A_892 : vector<64x1xf32> to vector<64x128xf32>
      %min3A_895 = vector.broadcast %slice3A_893 : vector<1x128xf32> to vector<64x128xf32>
      %min3A_896 = arith.minimumf %min3A_894, %min3A_895 : vector<64x128xf32>
      %add3A_897 = arith.addf %add3A_885, %min3A_896 : vector<64x128xf32>
      %slice3A_898 = vector.extract_strided_slice %get3A_879 {offsets = [0, 3], sizes = [64, 1], strides = [1, 1]} : vector<64x8xf32> to vector<64x1xf32>
      %slice3A_899 = vector.extract_strided_slice %get3A_870 {offsets = [3, 0], sizes = [1, 128], strides = [1, 1]} : vector<8x128xf32> to vector<1x128xf32>
      %min3A_900 = vector.broadcast %slice3A_898 : vector<64x1xf32> to vector<64x128xf32>
      %min3A_901 = vector.broadcast %slice3A_899 : vector<1x128xf32> to vector<64x128xf32>
      %min3A_902 = arith.minimumf %min3A_900, %min3A_901 : vector<64x128xf32>
      %add3A_903 = arith.addf %add3A_891, %min3A_902 : vector<64x128xf32>
      %slice3A_904 = vector.extract_strided_slice %get3A_879 {offsets = [0, 4], sizes = [64, 1], strides = [1, 1]} : vector<64x8xf32> to vector<64x1xf32>
      %slice3A_905 = vector.extract_strided_slice %get3A_870 {offsets = [4, 0], sizes = [1, 128], strides = [1, 1]} : vector<8x128xf32> to vector<1x128xf32>
      %min3A_906 = vector.broadcast %slice3A_904 : vector<64x1xf32> to vector<64x128xf32>
      %min3A_907 = vector.broadcast %slice3A_905 : vector<1x128xf32> to vector<64x128xf32>
      %min3A_908 = arith.minimumf %min3A_906, %min3A_907 : vector<64x128xf32>
      %add3A_909 = arith.addf %add3A_897, %min3A_908 : vector<64x128xf32>
      %slice3A_910 = vector.extract_strided_slice %get3A_879 {offsets = [0, 5], sizes = [64, 1], strides = [1, 1]} : vector<64x8xf32> to vector<64x1xf32>
      %slice3A_911 = vector.extract_strided_slice %get3A_870 {offsets = [5, 0], sizes = [1, 128], strides = [1, 1]} : vector<8x128xf32> to vector<1x128xf32>
      %min3A_912 = vector.broadcast %slice3A_910 : vector<64x1xf32> to vector<64x128xf32>
      %min3A_913 = vector.broadcast %slice3A_911 : vector<1x128xf32> to vector<64x128xf32>
      %min3A_914 = arith.minimumf %min3A_912, %min3A_913 : vector<64x128xf32>
      %add3A_915 = arith.addf %add3A_903, %min3A_914 : vector<64x128xf32>
      %slice3A_916 = vector.extract_strided_slice %get3A_879 {offsets = [0, 6], sizes = [64, 1], strides = [1, 1]} : vector<64x8xf32> to vector<64x1xf32>
      %slice3A_917 = vector.extract_strided_slice %get3A_870 {offsets = [6, 0], sizes = [1, 128], strides = [1, 1]} : vector<8x128xf32> to vector<1x128xf32>
      %min3A_918 = vector.broadcast %slice3A_916 : vector<64x1xf32> to vector<64x128xf32>
      %min3A_919 = vector.broadcast %slice3A_917 : vector<1x128xf32> to vector<64x128xf32>
      %min3A_920 = arith.minimumf %min3A_918, %min3A_919 : vector<64x128xf32>
      %add3A_921 = arith.addf %add3A_909, %min3A_920 : vector<64x128xf32>
      %slice3A_922 = vector.extract_strided_slice %get3A_879 {offsets = [0, 7], sizes = [64, 1], strides = [1, 1]} : vector<64x8xf32> to vector<64x1xf32>
      %slice3A_923 = vector.extract_strided_slice %get3A_870 {offsets = [7, 0], sizes = [1, 128], strides = [1, 1]} : vector<8x128xf32> to vector<1x128xf32>
      %min3A_924 = vector.broadcast %slice3A_922 : vector<64x1xf32> to vector<64x128xf32>
      %min3A_925 = vector.broadcast %slice3A_923 : vector<1x128xf32> to vector<64x128xf32>
      %min3A_926 = arith.minimumf %min3A_924, %min3A_925 : vector<64x128xf32>
      %add3A_927 = arith.addf %add3A_915, %min3A_926 : vector<64x128xf32>
      %get3A_928 = arith.constant 0 : index
      %get3A_929 = arith.constant 80 : index
      %get3A_930 = arith.constant 128 : index
      %get3A_931 = vector.load %arg1[%get3A_928, %get3A_929, %get3A_930] : memref<1x128x256xf32, #tpu.memory_space<vmem>>, vector<1x8x128xf32>
      %get3A_932 = vector.shape_cast %get3A_931 : vector<1x8x128xf32> to vector<8x128xf32>
      %mul3A_933 = arith.constant 64 : i32
      %mul3A_934 = arith.muli %scan3A_304, %mul3A_933 : i32
      %add3A_935 = arith.constant 128 : i32
      %add3A_936 = arith.addi %add3A_935, %mul3A_934 : i32
      %get3A_937 = arith.constant 10 : index
      %get3A_938 = arith.index_cast %add3A_936 : i32 to index
      %get3A_939 = arith.constant 0 : index
      %get3A_940 = vector.load %arg5[%get3A_937, %get3A_938, %get3A_939] : memref<16x256x8xf32, #tpu.memory_space<vmem>>, vector<1x64x8xf32>
      %get3A_941 = vector.shape_cast %get3A_940 : vector<1x64x8xf32> to vector<64x8xf32>
      %slice3A_942 = vector.extract_strided_slice %get3A_941 {offsets = [0, 0], sizes = [64, 1], strides = [1, 1]} : vector<64x8xf32> to vector<64x1xf32>
      %slice3A_943 = vector.extract_strided_slice %get3A_932 {offsets = [0, 0], sizes = [1, 128], strides = [1, 1]} : vector<8x128xf32> to vector<1x128xf32>
      %min3A_944 = vector.broadcast %slice3A_942 : vector<64x1xf32> to vector<64x128xf32>
      %min3A_945 = vector.broadcast %slice3A_943 : vector<1x128xf32> to vector<64x128xf32>
      %min3A_946 = arith.minimumf %min3A_944, %min3A_945 : vector<64x128xf32>
      %add3A_947 = arith.addf %add3A_921, %min3A_946 : vector<64x128xf32>
      %slice3A_948 = vector.extract_strided_slice %get3A_941 {offsets = [0, 1], sizes = [64, 1], strides = [1, 1]} : vector<64x8xf32> to vector<64x1xf32>
      %slice3A_949 = vector.extract_strided_slice %get3A_932 {offsets = [1, 0], sizes = [1, 128], strides = [1, 1]} : vector<8x128xf32> to vector<1x128xf32>
      %min3A_950 = vector.broadcast %slice3A_948 : vector<64x1xf32> to vector<64x128xf32>
      %min3A_951 = vector.broadcast %slice3A_949 : vector<1x128xf32> to vector<64x128xf32>
      %min3A_952 = arith.minimumf %min3A_950, %min3A_951 : vector<64x128xf32>
      %add3A_953 = arith.addf %add3A_927, %min3A_952 : vector<64x128xf32>
      %slice3A_954 = vector.extract_strided_slice %get3A_941 {offsets = [0, 2], sizes = [64, 1], strides = [1, 1]} : vector<64x8xf32> to vector<64x1xf32>
      %slice3A_955 = vector.extract_strided_slice %get3A_932 {offsets = [2, 0], sizes = [1, 128], strides = [1, 1]} : vector<8x128xf32> to vector<1x128xf32>
      %min3A_956 = vector.broadcast %slice3A_954 : vector<64x1xf32> to vector<64x128xf32>
      %min3A_957 = vector.broadcast %slice3A_955 : vector<1x128xf32> to vector<64x128xf32>
      %min3A_958 = arith.minimumf %min3A_956, %min3A_957 : vector<64x128xf32>
      %add3A_959 = arith.addf %add3A_947, %min3A_958 : vector<64x128xf32>
      %slice3A_960 = vector.extract_strided_slice %get3A_941 {offsets = [0, 3], sizes = [64, 1], strides = [1, 1]} : vector<64x8xf32> to vector<64x1xf32>
      %slice3A_961 = vector.extract_strided_slice %get3A_932 {offsets = [3, 0], sizes = [1, 128], strides = [1, 1]} : vector<8x128xf32> to vector<1x128xf32>
      %min3A_962 = vector.broadcast %slice3A_960 : vector<64x1xf32> to vector<64x128xf32>
      %min3A_963 = vector.broadcast %slice3A_961 : vector<1x128xf32> to vector<64x128xf32>
      %min3A_964 = arith.minimumf %min3A_962, %min3A_963 : vector<64x128xf32>
      %add3A_965 = arith.addf %add3A_953, %min3A_964 : vector<64x128xf32>
      %slice3A_966 = vector.extract_strided_slice %get3A_941 {offsets = [0, 4], sizes = [64, 1], strides = [1, 1]} : vector<64x8xf32> to vector<64x1xf32>
      %slice3A_967 = vector.extract_strided_slice %get3A_932 {offsets = [4, 0], sizes = [1, 128], strides = [1, 1]} : vector<8x128xf32> to vector<1x128xf32>
      %min3A_968 = vector.broadcast %slice3A_966 : vector<64x1xf32> to vector<64x128xf32>
      %min3A_969 = vector.broadcast %slice3A_967 : vector<1x128xf32> to vector<64x128xf32>
      %min3A_970 = arith.minimumf %min3A_968, %min3A_969 : vector<64x128xf32>
      %add3A_971 = arith.addf %add3A_959, %min3A_970 : vector<64x128xf32>
      %slice3A_972 = vector.extract_strided_slice %get3A_941 {offsets = [0, 5], sizes = [64, 1], strides = [1, 1]} : vector<64x8xf32> to vector<64x1xf32>
      %slice3A_973 = vector.extract_strided_slice %get3A_932 {offsets = [5, 0], sizes = [1, 128], strides = [1, 1]} : vector<8x128xf32> to vector<1x128xf32>
      %min3A_974 = vector.broadcast %slice3A_972 : vector<64x1xf32> to vector<64x128xf32>
      %min3A_975 = vector.broadcast %slice3A_973 : vector<1x128xf32> to vector<64x128xf32>
      %min3A_976 = arith.minimumf %min3A_974, %min3A_975 : vector<64x128xf32>
      %add3A_977 = arith.addf %add3A_965, %min3A_976 : vector<64x128xf32>
      %slice3A_978 = vector.extract_strided_slice %get3A_941 {offsets = [0, 6], sizes = [64, 1], strides = [1, 1]} : vector<64x8xf32> to vector<64x1xf32>
      %slice3A_979 = vector.extract_strided_slice %get3A_932 {offsets = [6, 0], sizes = [1, 128], strides = [1, 1]} : vector<8x128xf32> to vector<1x128xf32>
      %min3A_980 = vector.broadcast %slice3A_978 : vector<64x1xf32> to vector<64x128xf32>
      %min3A_981 = vector.broadcast %slice3A_979 : vector<1x128xf32> to vector<64x128xf32>
      %min3A_982 = arith.minimumf %min3A_980, %min3A_981 : vector<64x128xf32>
      %add3A_983 = arith.addf %add3A_971, %min3A_982 : vector<64x128xf32>
      %slice3A_984 = vector.extract_strided_slice %get3A_941 {offsets = [0, 7], sizes = [64, 1], strides = [1, 1]} : vector<64x8xf32> to vector<64x1xf32>
      %slice3A_985 = vector.extract_strided_slice %get3A_932 {offsets = [7, 0], sizes = [1, 128], strides = [1, 1]} : vector<8x128xf32> to vector<1x128xf32>
      %min3A_986 = vector.broadcast %slice3A_984 : vector<64x1xf32> to vector<64x128xf32>
      %min3A_987 = vector.broadcast %slice3A_985 : vector<1x128xf32> to vector<64x128xf32>
      %min3A_988 = arith.minimumf %min3A_986, %min3A_987 : vector<64x128xf32>
      %add3A_989 = arith.addf %add3A_977, %min3A_988 : vector<64x128xf32>
      %get3A_990 = arith.constant 0 : index
      %get3A_991 = arith.constant 88 : index
      %get3A_992 = arith.constant 128 : index
      %get3A_993 = vector.load %arg1[%get3A_990, %get3A_991, %get3A_992] : memref<1x128x256xf32, #tpu.memory_space<vmem>>, vector<1x8x128xf32>
      %get3A_994 = vector.shape_cast %get3A_993 : vector<1x8x128xf32> to vector<8x128xf32>
      %mul3A_995 = arith.constant 64 : i32
      %mul3A_996 = arith.muli %scan3A_304, %mul3A_995 : i32
      %add3A_997 = arith.constant 128 : i32
      %add3A_998 = arith.addi %add3A_997, %mul3A_996 : i32
      %get3A_999 = arith.constant 11 : index
      %get3A_1000 = arith.index_cast %add3A_998 : i32 to index
      %get3A_1001 = arith.constant 0 : index
      %get3A_1002 = vector.load %arg5[%get3A_999, %get3A_1000, %get3A_1001] : memref<16x256x8xf32, #tpu.memory_space<vmem>>, vector<1x64x8xf32>
      %get3A_1003 = vector.shape_cast %get3A_1002 : vector<1x64x8xf32> to vector<64x8xf32>
      %slice3A_1004 = vector.extract_strided_slice %get3A_1003 {offsets = [0, 0], sizes = [64, 1], strides = [1, 1]} : vector<64x8xf32> to vector<64x1xf32>
      %slice3A_1005 = vector.extract_strided_slice %get3A_994 {offsets = [0, 0], sizes = [1, 128], strides = [1, 1]} : vector<8x128xf32> to vector<1x128xf32>
      %min3A_1006 = vector.broadcast %slice3A_1004 : vector<64x1xf32> to vector<64x128xf32>
      %min3A_1007 = vector.broadcast %slice3A_1005 : vector<1x128xf32> to vector<64x128xf32>
      %min3A_1008 = arith.minimumf %min3A_1006, %min3A_1007 : vector<64x128xf32>
      %add3A_1009 = arith.addf %add3A_983, %min3A_1008 : vector<64x128xf32>
      %slice3A_1010 = vector.extract_strided_slice %get3A_1003 {offsets = [0, 1], sizes = [64, 1], strides = [1, 1]} : vector<64x8xf32> to vector<64x1xf32>
      %slice3A_1011 = vector.extract_strided_slice %get3A_994 {offsets = [1, 0], sizes = [1, 128], strides = [1, 1]} : vector<8x128xf32> to vector<1x128xf32>
      %min3A_1012 = vector.broadcast %slice3A_1010 : vector<64x1xf32> to vector<64x128xf32>
      %min3A_1013 = vector.broadcast %slice3A_1011 : vector<1x128xf32> to vector<64x128xf32>
      %min3A_1014 = arith.minimumf %min3A_1012, %min3A_1013 : vector<64x128xf32>
      %add3A_1015 = arith.addf %add3A_989, %min3A_1014 : vector<64x128xf32>
      %slice3A_1016 = vector.extract_strided_slice %get3A_1003 {offsets = [0, 2], sizes = [64, 1], strides = [1, 1]} : vector<64x8xf32> to vector<64x1xf32>
      %slice3A_1017 = vector.extract_strided_slice %get3A_994 {offsets = [2, 0], sizes = [1, 128], strides = [1, 1]} : vector<8x128xf32> to vector<1x128xf32>
      %min3A_1018 = vector.broadcast %slice3A_1016 : vector<64x1xf32> to vector<64x128xf32>
      %min3A_1019 = vector.broadcast %slice3A_1017 : vector<1x128xf32> to vector<64x128xf32>
      %min3A_1020 = arith.minimumf %min3A_1018, %min3A_1019 : vector<64x128xf32>
      %add3A_1021 = arith.addf %add3A_1009, %min3A_1020 : vector<64x128xf32>
      %slice3A_1022 = vector.extract_strided_slice %get3A_1003 {offsets = [0, 3], sizes = [64, 1], strides = [1, 1]} : vector<64x8xf32> to vector<64x1xf32>
      %slice3A_1023 = vector.extract_strided_slice %get3A_994 {offsets = [3, 0], sizes = [1, 128], strides = [1, 1]} : vector<8x128xf32> to vector<1x128xf32>
      %min3A_1024 = vector.broadcast %slice3A_1022 : vector<64x1xf32> to vector<64x128xf32>
      %min3A_1025 = vector.broadcast %slice3A_1023 : vector<1x128xf32> to vector<64x128xf32>
      %min3A_1026 = arith.minimumf %min3A_1024, %min3A_1025 : vector<64x128xf32>
      %add3A_1027 = arith.addf %add3A_1015, %min3A_1026 : vector<64x128xf32>
      %slice3A_1028 = vector.extract_strided_slice %get3A_1003 {offsets = [0, 4], sizes = [64, 1], strides = [1, 1]} : vector<64x8xf32> to vector<64x1xf32>
      %slice3A_1029 = vector.extract_strided_slice %get3A_994 {offsets = [4, 0], sizes = [1, 128], strides = [1, 1]} : vector<8x128xf32> to vector<1x128xf32>
      %min3A_1030 = vector.broadcast %slice3A_1028 : vector<64x1xf32> to vector<64x128xf32>
      %min3A_1031 = vector.broadcast %slice3A_1029 : vector<1x128xf32> to vector<64x128xf32>
      %min3A_1032 = arith.minimumf %min3A_1030, %min3A_1031 : vector<64x128xf32>
      %add3A_1033 = arith.addf %add3A_1021, %min3A_1032 : vector<64x128xf32>
      %slice3A_1034 = vector.extract_strided_slice %get3A_1003 {offsets = [0, 5], sizes = [64, 1], strides = [1, 1]} : vector<64x8xf32> to vector<64x1xf32>
      %slice3A_1035 = vector.extract_strided_slice %get3A_994 {offsets = [5, 0], sizes = [1, 128], strides = [1, 1]} : vector<8x128xf32> to vector<1x128xf32>
      %min3A_1036 = vector.broadcast %slice3A_1034 : vector<64x1xf32> to vector<64x128xf32>
      %min3A_1037 = vector.broadcast %slice3A_1035 : vector<1x128xf32> to vector<64x128xf32>
      %min3A_1038 = arith.minimumf %min3A_1036, %min3A_1037 : vector<64x128xf32>
      %add3A_1039 = arith.addf %add3A_1027, %min3A_1038 : vector<64x128xf32>
      %slice3A_1040 = vector.extract_strided_slice %get3A_1003 {offsets = [0, 6], sizes = [64, 1], strides = [1, 1]} : vector<64x8xf32> to vector<64x1xf32>
      %slice3A_1041 = vector.extract_strided_slice %get3A_994 {offsets = [6, 0], sizes = [1, 128], strides = [1, 1]} : vector<8x128xf32> to vector<1x128xf32>
      %min3A_1042 = vector.broadcast %slice3A_1040 : vector<64x1xf32> to vector<64x128xf32>
      %min3A_1043 = vector.broadcast %slice3A_1041 : vector<1x128xf32> to vector<64x128xf32>
      %min3A_1044 = arith.minimumf %min3A_1042, %min3A_1043 : vector<64x128xf32>
      %add3A_1045 = arith.addf %add3A_1033, %min3A_1044 : vector<64x128xf32>
      %slice3A_1046 = vector.extract_strided_slice %get3A_1003 {offsets = [0, 7], sizes = [64, 1], strides = [1, 1]} : vector<64x8xf32> to vector<64x1xf32>
      %slice3A_1047 = vector.extract_strided_slice %get3A_994 {offsets = [7, 0], sizes = [1, 128], strides = [1, 1]} : vector<8x128xf32> to vector<1x128xf32>
      %min3A_1048 = vector.broadcast %slice3A_1046 : vector<64x1xf32> to vector<64x128xf32>
      %min3A_1049 = vector.broadcast %slice3A_1047 : vector<1x128xf32> to vector<64x128xf32>
      %min3A_1050 = arith.minimumf %min3A_1048, %min3A_1049 : vector<64x128xf32>
      %add3A_1051 = arith.addf %add3A_1039, %min3A_1050 : vector<64x128xf32>
      %get3A_1052 = arith.constant 0 : index
      %get3A_1053 = arith.constant 96 : index
      %get3A_1054 = arith.constant 128 : index
      %get3A_1055 = vector.load %arg1[%get3A_1052, %get3A_1053, %get3A_1054] : memref<1x128x256xf32, #tpu.memory_space<vmem>>, vector<1x8x128xf32>
      %get3A_1056 = vector.shape_cast %get3A_1055 : vector<1x8x128xf32> to vector<8x128xf32>
      %mul3A_1057 = arith.constant 64 : i32
      %mul3A_1058 = arith.muli %scan3A_304, %mul3A_1057 : i32
      %add3A_1059 = arith.constant 128 : i32
      %add3A_1060 = arith.addi %add3A_1059, %mul3A_1058 : i32
      %get3A_1061 = arith.constant 12 : index
      %get3A_1062 = arith.index_cast %add3A_1060 : i32 to index
      %get3A_1063 = arith.constant 0 : index
      %get3A_1064 = vector.load %arg5[%get3A_1061, %get3A_1062, %get3A_1063] : memref<16x256x8xf32, #tpu.memory_space<vmem>>, vector<1x64x8xf32>
      %get3A_1065 = vector.shape_cast %get3A_1064 : vector<1x64x8xf32> to vector<64x8xf32>
      %slice3A_1066 = vector.extract_strided_slice %get3A_1065 {offsets = [0, 0], sizes = [64, 1], strides = [1, 1]} : vector<64x8xf32> to vector<64x1xf32>
      %slice3A_1067 = vector.extract_strided_slice %get3A_1056 {offsets = [0, 0], sizes = [1, 128], strides = [1, 1]} : vector<8x128xf32> to vector<1x128xf32>
      %min3A_1068 = vector.broadcast %slice3A_1066 : vector<64x1xf32> to vector<64x128xf32>
      %min3A_1069 = vector.broadcast %slice3A_1067 : vector<1x128xf32> to vector<64x128xf32>
      %min3A_1070 = arith.minimumf %min3A_1068, %min3A_1069 : vector<64x128xf32>
      %add3A_1071 = arith.addf %add3A_1045, %min3A_1070 : vector<64x128xf32>
      %slice3A_1072 = vector.extract_strided_slice %get3A_1065 {offsets = [0, 1], sizes = [64, 1], strides = [1, 1]} : vector<64x8xf32> to vector<64x1xf32>
      %slice3A_1073 = vector.extract_strided_slice %get3A_1056 {offsets = [1, 0], sizes = [1, 128], strides = [1, 1]} : vector<8x128xf32> to vector<1x128xf32>
      %min3A_1074 = vector.broadcast %slice3A_1072 : vector<64x1xf32> to vector<64x128xf32>
      %min3A_1075 = vector.broadcast %slice3A_1073 : vector<1x128xf32> to vector<64x128xf32>
      %min3A_1076 = arith.minimumf %min3A_1074, %min3A_1075 : vector<64x128xf32>
      %add3A_1077 = arith.addf %add3A_1051, %min3A_1076 : vector<64x128xf32>
      %slice3A_1078 = vector.extract_strided_slice %get3A_1065 {offsets = [0, 2], sizes = [64, 1], strides = [1, 1]} : vector<64x8xf32> to vector<64x1xf32>
      %slice3A_1079 = vector.extract_strided_slice %get3A_1056 {offsets = [2, 0], sizes = [1, 128], strides = [1, 1]} : vector<8x128xf32> to vector<1x128xf32>
      %min3A_1080 = vector.broadcast %slice3A_1078 : vector<64x1xf32> to vector<64x128xf32>
      %min3A_1081 = vector.broadcast %slice3A_1079 : vector<1x128xf32> to vector<64x128xf32>
      %min3A_1082 = arith.minimumf %min3A_1080, %min3A_1081 : vector<64x128xf32>
      %add3A_1083 = arith.addf %add3A_1071, %min3A_1082 : vector<64x128xf32>
      %slice3A_1084 = vector.extract_strided_slice %get3A_1065 {offsets = [0, 3], sizes = [64, 1], strides = [1, 1]} : vector<64x8xf32> to vector<64x1xf32>
      %slice3A_1085 = vector.extract_strided_slice %get3A_1056 {offsets = [3, 0], sizes = [1, 128], strides = [1, 1]} : vector<8x128xf32> to vector<1x128xf32>
      %min3A_1086 = vector.broadcast %slice3A_1084 : vector<64x1xf32> to vector<64x128xf32>
      %min3A_1087 = vector.broadcast %slice3A_1085 : vector<1x128xf32> to vector<64x128xf32>
      %min3A_1088 = arith.minimumf %min3A_1086, %min3A_1087 : vector<64x128xf32>
      %add3A_1089 = arith.addf %add3A_1077, %min3A_1088 : vector<64x128xf32>
      %slice3A_1090 = vector.extract_strided_slice %get3A_1065 {offsets = [0, 4], sizes = [64, 1], strides = [1, 1]} : vector<64x8xf32> to vector<64x1xf32>
      %slice3A_1091 = vector.extract_strided_slice %get3A_1056 {offsets = [4, 0], sizes = [1, 128], strides = [1, 1]} : vector<8x128xf32> to vector<1x128xf32>
      %min3A_1092 = vector.broadcast %slice3A_1090 : vector<64x1xf32> to vector<64x128xf32>
      %min3A_1093 = vector.broadcast %slice3A_1091 : vector<1x128xf32> to vector<64x128xf32>
      %min3A_1094 = arith.minimumf %min3A_1092, %min3A_1093 : vector<64x128xf32>
      %add3A_1095 = arith.addf %add3A_1083, %min3A_1094 : vector<64x128xf32>
      %slice3A_1096 = vector.extract_strided_slice %get3A_1065 {offsets = [0, 5], sizes = [64, 1], strides = [1, 1]} : vector<64x8xf32> to vector<64x1xf32>
      %slice3A_1097 = vector.extract_strided_slice %get3A_1056 {offsets = [5, 0], sizes = [1, 128], strides = [1, 1]} : vector<8x128xf32> to vector<1x128xf32>
      %min3A_1098 = vector.broadcast %slice3A_1096 : vector<64x1xf32> to vector<64x128xf32>
      %min3A_1099 = vector.broadcast %slice3A_1097 : vector<1x128xf32> to vector<64x128xf32>
      %min3A_1100 = arith.minimumf %min3A_1098, %min3A_1099 : vector<64x128xf32>
      %add3A_1101 = arith.addf %add3A_1089, %min3A_1100 : vector<64x128xf32>
      %slice3A_1102 = vector.extract_strided_slice %get3A_1065 {offsets = [0, 6], sizes = [64, 1], strides = [1, 1]} : vector<64x8xf32> to vector<64x1xf32>
      %slice3A_1103 = vector.extract_strided_slice %get3A_1056 {offsets = [6, 0], sizes = [1, 128], strides = [1, 1]} : vector<8x128xf32> to vector<1x128xf32>
      %min3A_1104 = vector.broadcast %slice3A_1102 : vector<64x1xf32> to vector<64x128xf32>
      %min3A_1105 = vector.broadcast %slice3A_1103 : vector<1x128xf32> to vector<64x128xf32>
      %min3A_1106 = arith.minimumf %min3A_1104, %min3A_1105 : vector<64x128xf32>
      %add3A_1107 = arith.addf %add3A_1095, %min3A_1106 : vector<64x128xf32>
      %slice3A_1108 = vector.extract_strided_slice %get3A_1065 {offsets = [0, 7], sizes = [64, 1], strides = [1, 1]} : vector<64x8xf32> to vector<64x1xf32>
      %slice3A_1109 = vector.extract_strided_slice %get3A_1056 {offsets = [7, 0], sizes = [1, 128], strides = [1, 1]} : vector<8x128xf32> to vector<1x128xf32>
      %min3A_1110 = vector.broadcast %slice3A_1108 : vector<64x1xf32> to vector<64x128xf32>
      %min3A_1111 = vector.broadcast %slice3A_1109 : vector<1x128xf32> to vector<64x128xf32>
      %min3A_1112 = arith.minimumf %min3A_1110, %min3A_1111 : vector<64x128xf32>
      %add3A_1113 = arith.addf %add3A_1101, %min3A_1112 : vector<64x128xf32>
      %get3A_1114 = arith.constant 0 : index
      %get3A_1115 = arith.constant 104 : index
      %get3A_1116 = arith.constant 128 : index
      %get3A_1117 = vector.load %arg1[%get3A_1114, %get3A_1115, %get3A_1116] : memref<1x128x256xf32, #tpu.memory_space<vmem>>, vector<1x8x128xf32>
      %get3A_1118 = vector.shape_cast %get3A_1117 : vector<1x8x128xf32> to vector<8x128xf32>
      %mul3A_1119 = arith.constant 64 : i32
      %mul3A_1120 = arith.muli %scan3A_304, %mul3A_1119 : i32
      %add3A_1121 = arith.constant 128 : i32
      %add3A_1122 = arith.addi %add3A_1121, %mul3A_1120 : i32
      %get3A_1123 = arith.constant 13 : index
      %get3A_1124 = arith.index_cast %add3A_1122 : i32 to index
      %get3A_1125 = arith.constant 0 : index
      %get3A_1126 = vector.load %arg5[%get3A_1123, %get3A_1124, %get3A_1125] : memref<16x256x8xf32, #tpu.memory_space<vmem>>, vector<1x64x8xf32>
      %get3A_1127 = vector.shape_cast %get3A_1126 : vector<1x64x8xf32> to vector<64x8xf32>
      %slice3A_1128 = vector.extract_strided_slice %get3A_1127 {offsets = [0, 0], sizes = [64, 1], strides = [1, 1]} : vector<64x8xf32> to vector<64x1xf32>
      %slice3A_1129 = vector.extract_strided_slice %get3A_1118 {offsets = [0, 0], sizes = [1, 128], strides = [1, 1]} : vector<8x128xf32> to vector<1x128xf32>
      %min3A_1130 = vector.broadcast %slice3A_1128 : vector<64x1xf32> to vector<64x128xf32>
      %min3A_1131 = vector.broadcast %slice3A_1129 : vector<1x128xf32> to vector<64x128xf32>
      %min3A_1132 = arith.minimumf %min3A_1130, %min3A_1131 : vector<64x128xf32>
      %add3A_1133 = arith.addf %add3A_1107, %min3A_1132 : vector<64x128xf32>
      %slice3A_1134 = vector.extract_strided_slice %get3A_1127 {offsets = [0, 1], sizes = [64, 1], strides = [1, 1]} : vector<64x8xf32> to vector<64x1xf32>
      %slice3A_1135 = vector.extract_strided_slice %get3A_1118 {offsets = [1, 0], sizes = [1, 128], strides = [1, 1]} : vector<8x128xf32> to vector<1x128xf32>
      %min3A_1136 = vector.broadcast %slice3A_1134 : vector<64x1xf32> to vector<64x128xf32>
      %min3A_1137 = vector.broadcast %slice3A_1135 : vector<1x128xf32> to vector<64x128xf32>
      %min3A_1138 = arith.minimumf %min3A_1136, %min3A_1137 : vector<64x128xf32>
      %add3A_1139 = arith.addf %add3A_1113, %min3A_1138 : vector<64x128xf32>
      %slice3A_1140 = vector.extract_strided_slice %get3A_1127 {offsets = [0, 2], sizes = [64, 1], strides = [1, 1]} : vector<64x8xf32> to vector<64x1xf32>
      %slice3A_1141 = vector.extract_strided_slice %get3A_1118 {offsets = [2, 0], sizes = [1, 128], strides = [1, 1]} : vector<8x128xf32> to vector<1x128xf32>
      %min3A_1142 = vector.broadcast %slice3A_1140 : vector<64x1xf32> to vector<64x128xf32>
      %min3A_1143 = vector.broadcast %slice3A_1141 : vector<1x128xf32> to vector<64x128xf32>
      %min3A_1144 = arith.minimumf %min3A_1142, %min3A_1143 : vector<64x128xf32>
      %add3A_1145 = arith.addf %add3A_1133, %min3A_1144 : vector<64x128xf32>
      %slice3A_1146 = vector.extract_strided_slice %get3A_1127 {offsets = [0, 3], sizes = [64, 1], strides = [1, 1]} : vector<64x8xf32> to vector<64x1xf32>
      %slice3A_1147 = vector.extract_strided_slice %get3A_1118 {offsets = [3, 0], sizes = [1, 128], strides = [1, 1]} : vector<8x128xf32> to vector<1x128xf32>
      %min3A_1148 = vector.broadcast %slice3A_1146 : vector<64x1xf32> to vector<64x128xf32>
      %min3A_1149 = vector.broadcast %slice3A_1147 : vector<1x128xf32> to vector<64x128xf32>
      %min3A_1150 = arith.minimumf %min3A_1148, %min3A_1149 : vector<64x128xf32>
      %add3A_1151 = arith.addf %add3A_1139, %min3A_1150 : vector<64x128xf32>
      %slice3A_1152 = vector.extract_strided_slice %get3A_1127 {offsets = [0, 4], sizes = [64, 1], strides = [1, 1]} : vector<64x8xf32> to vector<64x1xf32>
      %slice3A_1153 = vector.extract_strided_slice %get3A_1118 {offsets = [4, 0], sizes = [1, 128], strides = [1, 1]} : vector<8x128xf32> to vector<1x128xf32>
      %min3A_1154 = vector.broadcast %slice3A_1152 : vector<64x1xf32> to vector<64x128xf32>
      %min3A_1155 = vector.broadcast %slice3A_1153 : vector<1x128xf32> to vector<64x128xf32>
      %min3A_1156 = arith.minimumf %min3A_1154, %min3A_1155 : vector<64x128xf32>
      %add3A_1157 = arith.addf %add3A_1145, %min3A_1156 : vector<64x128xf32>
      %slice3A_1158 = vector.extract_strided_slice %get3A_1127 {offsets = [0, 5], sizes = [64, 1], strides = [1, 1]} : vector<64x8xf32> to vector<64x1xf32>
      %slice3A_1159 = vector.extract_strided_slice %get3A_1118 {offsets = [5, 0], sizes = [1, 128], strides = [1, 1]} : vector<8x128xf32> to vector<1x128xf32>
      %min3A_1160 = vector.broadcast %slice3A_1158 : vector<64x1xf32> to vector<64x128xf32>
      %min3A_1161 = vector.broadcast %slice3A_1159 : vector<1x128xf32> to vector<64x128xf32>
      %min3A_1162 = arith.minimumf %min3A_1160, %min3A_1161 : vector<64x128xf32>
      %add3A_1163 = arith.addf %add3A_1151, %min3A_1162 : vector<64x128xf32>
      %slice3A_1164 = vector.extract_strided_slice %get3A_1127 {offsets = [0, 6], sizes = [64, 1], strides = [1, 1]} : vector<64x8xf32> to vector<64x1xf32>
      %slice3A_1165 = vector.extract_strided_slice %get3A_1118 {offsets = [6, 0], sizes = [1, 128], strides = [1, 1]} : vector<8x128xf32> to vector<1x128xf32>
      %min3A_1166 = vector.broadcast %slice3A_1164 : vector<64x1xf32> to vector<64x128xf32>
      %min3A_1167 = vector.broadcast %slice3A_1165 : vector<1x128xf32> to vector<64x128xf32>
      %min3A_1168 = arith.minimumf %min3A_1166, %min3A_1167 : vector<64x128xf32>
      %add3A_1169 = arith.addf %add3A_1157, %min3A_1168 : vector<64x128xf32>
      %slice3A_1170 = vector.extract_strided_slice %get3A_1127 {offsets = [0, 7], sizes = [64, 1], strides = [1, 1]} : vector<64x8xf32> to vector<64x1xf32>
      %slice3A_1171 = vector.extract_strided_slice %get3A_1118 {offsets = [7, 0], sizes = [1, 128], strides = [1, 1]} : vector<8x128xf32> to vector<1x128xf32>
      %min3A_1172 = vector.broadcast %slice3A_1170 : vector<64x1xf32> to vector<64x128xf32>
      %min3A_1173 = vector.broadcast %slice3A_1171 : vector<1x128xf32> to vector<64x128xf32>
      %min3A_1174 = arith.minimumf %min3A_1172, %min3A_1173 : vector<64x128xf32>
      %add3A_1175 = arith.addf %add3A_1163, %min3A_1174 : vector<64x128xf32>
      %get3A_1176 = arith.constant 0 : index
      %get3A_1177 = arith.constant 112 : index
      %get3A_1178 = arith.constant 128 : index
      %get3A_1179 = vector.load %arg1[%get3A_1176, %get3A_1177, %get3A_1178] : memref<1x128x256xf32, #tpu.memory_space<vmem>>, vector<1x8x128xf32>
      %get3A_1180 = vector.shape_cast %get3A_1179 : vector<1x8x128xf32> to vector<8x128xf32>
      %mul3A_1181 = arith.constant 64 : i32
      %mul3A_1182 = arith.muli %scan3A_304, %mul3A_1181 : i32
      %add3A_1183 = arith.constant 128 : i32
      %add3A_1184 = arith.addi %add3A_1183, %mul3A_1182 : i32
      %get3A_1185 = arith.constant 14 : index
      %get3A_1186 = arith.index_cast %add3A_1184 : i32 to index
      %get3A_1187 = arith.constant 0 : index
      %get3A_1188 = vector.load %arg5[%get3A_1185, %get3A_1186, %get3A_1187] : memref<16x256x8xf32, #tpu.memory_space<vmem>>, vector<1x64x8xf32>
      %get3A_1189 = vector.shape_cast %get3A_1188 : vector<1x64x8xf32> to vector<64x8xf32>
      %slice3A_1190 = vector.extract_strided_slice %get3A_1189 {offsets = [0, 0], sizes = [64, 1], strides = [1, 1]} : vector<64x8xf32> to vector<64x1xf32>
      %slice3A_1191 = vector.extract_strided_slice %get3A_1180 {offsets = [0, 0], sizes = [1, 128], strides = [1, 1]} : vector<8x128xf32> to vector<1x128xf32>
      %min3A_1192 = vector.broadcast %slice3A_1190 : vector<64x1xf32> to vector<64x128xf32>
      %min3A_1193 = vector.broadcast %slice3A_1191 : vector<1x128xf32> to vector<64x128xf32>
      %min3A_1194 = arith.minimumf %min3A_1192, %min3A_1193 : vector<64x128xf32>
      %add3A_1195 = arith.addf %add3A_1169, %min3A_1194 : vector<64x128xf32>
      %slice3A_1196 = vector.extract_strided_slice %get3A_1189 {offsets = [0, 1], sizes = [64, 1], strides = [1, 1]} : vector<64x8xf32> to vector<64x1xf32>
      %slice3A_1197 = vector.extract_strided_slice %get3A_1180 {offsets = [1, 0], sizes = [1, 128], strides = [1, 1]} : vector<8x128xf32> to vector<1x128xf32>
      %min3A_1198 = vector.broadcast %slice3A_1196 : vector<64x1xf32> to vector<64x128xf32>
      %min3A_1199 = vector.broadcast %slice3A_1197 : vector<1x128xf32> to vector<64x128xf32>
      %min3A_1200 = arith.minimumf %min3A_1198, %min3A_1199 : vector<64x128xf32>
      %add3A_1201 = arith.addf %add3A_1175, %min3A_1200 : vector<64x128xf32>
      %slice3A_1202 = vector.extract_strided_slice %get3A_1189 {offsets = [0, 2], sizes = [64, 1], strides = [1, 1]} : vector<64x8xf32> to vector<64x1xf32>
      %slice3A_1203 = vector.extract_strided_slice %get3A_1180 {offsets = [2, 0], sizes = [1, 128], strides = [1, 1]} : vector<8x128xf32> to vector<1x128xf32>
      %min3A_1204 = vector.broadcast %slice3A_1202 : vector<64x1xf32> to vector<64x128xf32>
      %min3A_1205 = vector.broadcast %slice3A_1203 : vector<1x128xf32> to vector<64x128xf32>
      %min3A_1206 = arith.minimumf %min3A_1204, %min3A_1205 : vector<64x128xf32>
      %add3A_1207 = arith.addf %add3A_1195, %min3A_1206 : vector<64x128xf32>
      %slice3A_1208 = vector.extract_strided_slice %get3A_1189 {offsets = [0, 3], sizes = [64, 1], strides = [1, 1]} : vector<64x8xf32> to vector<64x1xf32>
      %slice3A_1209 = vector.extract_strided_slice %get3A_1180 {offsets = [3, 0], sizes = [1, 128], strides = [1, 1]} : vector<8x128xf32> to vector<1x128xf32>
      %min3A_1210 = vector.broadcast %slice3A_1208 : vector<64x1xf32> to vector<64x128xf32>
      %min3A_1211 = vector.broadcast %slice3A_1209 : vector<1x128xf32> to vector<64x128xf32>
      %min3A_1212 = arith.minimumf %min3A_1210, %min3A_1211 : vector<64x128xf32>
      %add3A_1213 = arith.addf %add3A_1201, %min3A_1212 : vector<64x128xf32>
      %slice3A_1214 = vector.extract_strided_slice %get3A_1189 {offsets = [0, 4], sizes = [64, 1], strides = [1, 1]} : vector<64x8xf32> to vector<64x1xf32>
      %slice3A_1215 = vector.extract_strided_slice %get3A_1180 {offsets = [4, 0], sizes = [1, 128], strides = [1, 1]} : vector<8x128xf32> to vector<1x128xf32>
      %min3A_1216 = vector.broadcast %slice3A_1214 : vector<64x1xf32> to vector<64x128xf32>
      %min3A_1217 = vector.broadcast %slice3A_1215 : vector<1x128xf32> to vector<64x128xf32>
      %min3A_1218 = arith.minimumf %min3A_1216, %min3A_1217 : vector<64x128xf32>
      %add3A_1219 = arith.addf %add3A_1207, %min3A_1218 : vector<64x128xf32>
      %slice3A_1220 = vector.extract_strided_slice %get3A_1189 {offsets = [0, 5], sizes = [64, 1], strides = [1, 1]} : vector<64x8xf32> to vector<64x1xf32>
      %slice3A_1221 = vector.extract_strided_slice %get3A_1180 {offsets = [5, 0], sizes = [1, 128], strides = [1, 1]} : vector<8x128xf32> to vector<1x128xf32>
      %min3A_1222 = vector.broadcast %slice3A_1220 : vector<64x1xf32> to vector<64x128xf32>
      %min3A_1223 = vector.broadcast %slice3A_1221 : vector<1x128xf32> to vector<64x128xf32>
      %min3A_1224 = arith.minimumf %min3A_1222, %min3A_1223 : vector<64x128xf32>
      %add3A_1225 = arith.addf %add3A_1213, %min3A_1224 : vector<64x128xf32>
      %slice3A_1226 = vector.extract_strided_slice %get3A_1189 {offsets = [0, 6], sizes = [64, 1], strides = [1, 1]} : vector<64x8xf32> to vector<64x1xf32>
      %slice3A_1227 = vector.extract_strided_slice %get3A_1180 {offsets = [6, 0], sizes = [1, 128], strides = [1, 1]} : vector<8x128xf32> to vector<1x128xf32>
      %min3A_1228 = vector.broadcast %slice3A_1226 : vector<64x1xf32> to vector<64x128xf32>
      %min3A_1229 = vector.broadcast %slice3A_1227 : vector<1x128xf32> to vector<64x128xf32>
      %min3A_1230 = arith.minimumf %min3A_1228, %min3A_1229 : vector<64x128xf32>
      %add3A_1231 = arith.addf %add3A_1219, %min3A_1230 : vector<64x128xf32>
      %slice3A_1232 = vector.extract_strided_slice %get3A_1189 {offsets = [0, 7], sizes = [64, 1], strides = [1, 1]} : vector<64x8xf32> to vector<64x1xf32>
      %slice3A_1233 = vector.extract_strided_slice %get3A_1180 {offsets = [7, 0], sizes = [1, 128], strides = [1, 1]} : vector<8x128xf32> to vector<1x128xf32>
      %min3A_1234 = vector.broadcast %slice3A_1232 : vector<64x1xf32> to vector<64x128xf32>
      %min3A_1235 = vector.broadcast %slice3A_1233 : vector<1x128xf32> to vector<64x128xf32>
      %min3A_1236 = arith.minimumf %min3A_1234, %min3A_1235 : vector<64x128xf32>
      %add3A_1237 = arith.addf %add3A_1225, %min3A_1236 : vector<64x128xf32>
      %get3A_1238 = arith.constant 0 : index
      %get3A_1239 = arith.constant 120 : index
      %get3A_1240 = arith.constant 128 : index
      %get3A_1241 = vector.load %arg1[%get3A_1238, %get3A_1239, %get3A_1240] : memref<1x128x256xf32, #tpu.memory_space<vmem>>, vector<1x8x128xf32>
      %get3A_1242 = vector.shape_cast %get3A_1241 : vector<1x8x128xf32> to vector<8x128xf32>
      %mul3A_1243 = arith.constant 64 : i32
      %mul3A_1244 = arith.muli %scan3A_304, %mul3A_1243 : i32
      %add3A_1245 = arith.constant 128 : i32
      %add3A_1246 = arith.addi %add3A_1245, %mul3A_1244 : i32
      %get3A_1247 = arith.constant 15 : index
      %get3A_1248 = arith.index_cast %add3A_1246 : i32 to index
      %get3A_1249 = arith.constant 0 : index
      %get3A_1250 = vector.load %arg5[%get3A_1247, %get3A_1248, %get3A_1249] : memref<16x256x8xf32, #tpu.memory_space<vmem>>, vector<1x64x8xf32>
      %get3A_1251 = vector.shape_cast %get3A_1250 : vector<1x64x8xf32> to vector<64x8xf32>
      %slice3A_1252 = vector.extract_strided_slice %get3A_1251 {offsets = [0, 0], sizes = [64, 1], strides = [1, 1]} : vector<64x8xf32> to vector<64x1xf32>
      %slice3A_1253 = vector.extract_strided_slice %get3A_1242 {offsets = [0, 0], sizes = [1, 128], strides = [1, 1]} : vector<8x128xf32> to vector<1x128xf32>
      %min3A_1254 = vector.broadcast %slice3A_1252 : vector<64x1xf32> to vector<64x128xf32>
      %min3A_1255 = vector.broadcast %slice3A_1253 : vector<1x128xf32> to vector<64x128xf32>
      %min3A_1256 = arith.minimumf %min3A_1254, %min3A_1255 : vector<64x128xf32>
      %add3A_1257 = arith.addf %add3A_1231, %min3A_1256 : vector<64x128xf32>
      %slice3A_1258 = vector.extract_strided_slice %get3A_1251 {offsets = [0, 1], sizes = [64, 1], strides = [1, 1]} : vector<64x8xf32> to vector<64x1xf32>
      %slice3A_1259 = vector.extract_strided_slice %get3A_1242 {offsets = [1, 0], sizes = [1, 128], strides = [1, 1]} : vector<8x128xf32> to vector<1x128xf32>
      %min3A_1260 = vector.broadcast %slice3A_1258 : vector<64x1xf32> to vector<64x128xf32>
      %min3A_1261 = vector.broadcast %slice3A_1259 : vector<1x128xf32> to vector<64x128xf32>
      %min3A_1262 = arith.minimumf %min3A_1260, %min3A_1261 : vector<64x128xf32>
      %add3A_1263 = arith.addf %add3A_1237, %min3A_1262 : vector<64x128xf32>
      %slice3A_1264 = vector.extract_strided_slice %get3A_1251 {offsets = [0, 2], sizes = [64, 1], strides = [1, 1]} : vector<64x8xf32> to vector<64x1xf32>
      %slice3A_1265 = vector.extract_strided_slice %get3A_1242 {offsets = [2, 0], sizes = [1, 128], strides = [1, 1]} : vector<8x128xf32> to vector<1x128xf32>
      %min3A_1266 = vector.broadcast %slice3A_1264 : vector<64x1xf32> to vector<64x128xf32>
      %min3A_1267 = vector.broadcast %slice3A_1265 : vector<1x128xf32> to vector<64x128xf32>
      %min3A_1268 = arith.minimumf %min3A_1266, %min3A_1267 : vector<64x128xf32>
      %add3A_1269 = arith.addf %add3A_1257, %min3A_1268 : vector<64x128xf32>
      %slice3A_1270 = vector.extract_strided_slice %get3A_1251 {offsets = [0, 3], sizes = [64, 1], strides = [1, 1]} : vector<64x8xf32> to vector<64x1xf32>
      %slice3A_1271 = vector.extract_strided_slice %get3A_1242 {offsets = [3, 0], sizes = [1, 128], strides = [1, 1]} : vector<8x128xf32> to vector<1x128xf32>
      %min3A_1272 = vector.broadcast %slice3A_1270 : vector<64x1xf32> to vector<64x128xf32>
      %min3A_1273 = vector.broadcast %slice3A_1271 : vector<1x128xf32> to vector<64x128xf32>
      %min3A_1274 = arith.minimumf %min3A_1272, %min3A_1273 : vector<64x128xf32>
      %add3A_1275 = arith.addf %add3A_1263, %min3A_1274 : vector<64x128xf32>
      %slice3A_1276 = vector.extract_strided_slice %get3A_1251 {offsets = [0, 4], sizes = [64, 1], strides = [1, 1]} : vector<64x8xf32> to vector<64x1xf32>
      %slice3A_1277 = vector.extract_strided_slice %get3A_1242 {offsets = [4, 0], sizes = [1, 128], strides = [1, 1]} : vector<8x128xf32> to vector<1x128xf32>
      %min3A_1278 = vector.broadcast %slice3A_1276 : vector<64x1xf32> to vector<64x128xf32>
      %min3A_1279 = vector.broadcast %slice3A_1277 : vector<1x128xf32> to vector<64x128xf32>
      %min3A_1280 = arith.minimumf %min3A_1278, %min3A_1279 : vector<64x128xf32>
      %add3A_1281 = arith.addf %add3A_1269, %min3A_1280 : vector<64x128xf32>
      %slice3A_1282 = vector.extract_strided_slice %get3A_1251 {offsets = [0, 5], sizes = [64, 1], strides = [1, 1]} : vector<64x8xf32> to vector<64x1xf32>
      %slice3A_1283 = vector.extract_strided_slice %get3A_1242 {offsets = [5, 0], sizes = [1, 128], strides = [1, 1]} : vector<8x128xf32> to vector<1x128xf32>
      %min3A_1284 = vector.broadcast %slice3A_1282 : vector<64x1xf32> to vector<64x128xf32>
      %min3A_1285 = vector.broadcast %slice3A_1283 : vector<1x128xf32> to vector<64x128xf32>
      %min3A_1286 = arith.minimumf %min3A_1284, %min3A_1285 : vector<64x128xf32>
      %add3A_1287 = arith.addf %add3A_1275, %min3A_1286 : vector<64x128xf32>
      %slice3A_1288 = vector.extract_strided_slice %get3A_1251 {offsets = [0, 6], sizes = [64, 1], strides = [1, 1]} : vector<64x8xf32> to vector<64x1xf32>
      %slice3A_1289 = vector.extract_strided_slice %get3A_1242 {offsets = [6, 0], sizes = [1, 128], strides = [1, 1]} : vector<8x128xf32> to vector<1x128xf32>
      %min3A_1290 = vector.broadcast %slice3A_1288 : vector<64x1xf32> to vector<64x128xf32>
      %min3A_1291 = vector.broadcast %slice3A_1289 : vector<1x128xf32> to vector<64x128xf32>
      %min3A_1292 = arith.minimumf %min3A_1290, %min3A_1291 : vector<64x128xf32>
      %add3A_1293 = arith.addf %add3A_1281, %min3A_1292 : vector<64x128xf32>
      %slice3A_1294 = vector.extract_strided_slice %get3A_1251 {offsets = [0, 7], sizes = [64, 1], strides = [1, 1]} : vector<64x8xf32> to vector<64x1xf32>
      %slice3A_1295 = vector.extract_strided_slice %get3A_1242 {offsets = [7, 0], sizes = [1, 128], strides = [1, 1]} : vector<8x128xf32> to vector<1x128xf32>
      %min3A_1296 = vector.broadcast %slice3A_1294 : vector<64x1xf32> to vector<64x128xf32>
      %min3A_1297 = vector.broadcast %slice3A_1295 : vector<1x128xf32> to vector<64x128xf32>
      %min3A_1298 = arith.minimumf %min3A_1296, %min3A_1297 : vector<64x128xf32>
      %add3A_1299 = arith.addf %add3A_1287, %min3A_1298 : vector<64x128xf32>
      %add3A_1300 = arith.addf %add3A_1293, %add3A_1299 : vector<64x128xf32>
      %mul3A_1301 = arith.constant 64 : i32
      %mul3A_1302 = arith.muli %scan3A_304, %mul3A_1301 : i32
      %add3A_1303 = arith.constant 128 : i32
      %add3A_1304 = arith.addi %add3A_1303, %mul3A_1302 : i32
      %swap3A_1305 = arith.index_cast %add3A_1304 : i32 to index
      %swap3A_1306 = arith.constant 128 : index
      %swap3A_1307 = vector.load %arg6[%swap3A_1305, %swap3A_1306] : memref<256x256xf32, #tpu.memory_space<vmem>>, vector<64x128xf32>
      tpu.vector_store %arg6[%swap3A_1305, %swap3A_1306], %add3A_1300 {strides = array<i32>} : memref<256x256xf32, #tpu.memory_space<vmem>>, vector<64x128xf32>,
    }
    %scan3A_241 = arith.constant 2 : i32
    %get3A_242 = arith.constant 0 : index
    %get3A_243 = arith.constant 128 : index
    %get3A_244 = vector.load %arg6[%get3A_242, %get3A_243] : memref<256x256xf32, #tpu.memory_space<vmem>>, vector<128x128xf32>
    %transpose3A_245 = tpu.transpose %get3A_244, [1, 0] : vector<128x128xf32> -> vector<128x128xf32>
    %swap3A_246 = arith.constant 128 : index
    %swap3A_247 = arith.constant 0 : index
    %swap3A_248 = vector.load %arg6[%swap3A_246, %swap3A_247] : memref<256x256xf32, #tpu.memory_space<vmem>>, vector<128x128xf32>
    tpu.vector_store %arg6[%swap3A_246, %swap3A_247], %transpose3A_245 {strides = array<i32>} : memref<256x256xf32, #tpu.memory_space<vmem>>, vector<128x128xf32>,
    %reduce_sum3A_249 = arith.constant dense<0.000000e+00> : vector<256xf32>
    %reduce_sum3A_250 = vector.multi_reduction <add>, %get3A_3, %reduce_sum3A_249 [0] : vector<128x256xf32> to vector<256xf32>
    %broadcast_in_dim3A_251 = vector.shape_cast %reduce_sum3A_250 : vector<256xf32> to vector<1x256xf32>
    %transpose3A_252 = tpu.transpose %broadcast_in_dim3A_251, [1, 0] : vector<1x256xf32> -> vector<256x1xf32>
    %add3A = vector.broadcast %transpose3A_252 : vector<256x1xf32> to vector<256x256xf32>
    %add3A_253 = vector.broadcast %broadcast_in_dim3A_251 : vector<1x256xf32> to vector<256x256xf32>
    %add3A_254 = arith.addf %add3A, %add3A_253 : vector<256x256xf32>
    %get3A_255 = arith.constant 0 : index
    %get3A_256 = arith.constant 0 : index
    %get3A_257 = vector.load %arg6[%get3A_255, %get3A_256] : memref<256x256xf32, #tpu.memory_space<vmem>>, vector<256x256xf32>
    %mul3A = arith.constant 2.000000e+00 : f32
    %mul3A_258 = vector.broadcast %mul3A : f32 to vector<256x256xf32>
    %mul3A_259 = arith.mulf %mul3A_258, %get3A_257 : vector<256x256xf32>
    %sub3A = arith.subf %add3A_254, %mul3A_259 : vector<256x256xf32>
    %swap3A_260 = arith.constant 0 : index
    %swap3A_261 = arith.constant 0 : index
    %swap3A_262 = vector.load %arg6[%swap3A_260, %swap3A_261] : memref<256x256xf32, #tpu.memory_space<vmem>>, vector<256x256xf32>
    tpu.vector_store %arg6[%swap3A_260, %swap3A_261], %sub3A {strides = array<i32>} : memref<256x256xf32, #tpu.memory_space<vmem>>, vector<256x256xf32>,
    %iota3A = tpu.iota {dimensions = array<i32: 1>} : vector<1x16xi32>
    %transpose3A_263 = tpu.transpose %div3A_11, [1, 0] : vector<1x256xf32> -> vector<256x1xf32>
    %iota3A_264 = tpu.iota {dimensions = array<i32: 1>} : vector<256x256xi32>
    %iota3A_265 = tpu.iota {dimensions = array<i32: 0>} : vector<256x256xi32>
    %gt3A = vector.broadcast %div3A_11 : vector<1x256xf32> to vector<256x256xf32>
    %gt3A_266 = vector.broadcast %transpose3A_263 : vector<256x1xf32> to vector<256x256xf32>
    %gt3A_267 = arith.cmpf ogt, %gt3A, %gt3A_266 : vector<256x256xf32>
    %eq3A = vector.broadcast %div3A_11 : vector<1x256xf32> to vector<256x256xf32>
    %eq3A_268 = vector.broadcast %transpose3A_263 : vector<256x1xf32> to vector<256x256xf32>
    %eq3A_269 = arith.cmpf oeq, %eq3A, %eq3A_268 : vector<256x256xf32>
    %lt3A = arith.cmpi slt, %iota3A_264, %iota3A_265 : vector<256x256xi32>
    %and3A = arith.andi %eq3A_269, %lt3A : vector<256x256xi1>
    %or3A = arith.ori %gt3A_267, %and3A : vector<256x256xi1>
    %convert_element_type3A = arith.extui %or3A : vector<256x256xi1> to vector<256x256xi32>
    %convert_element_type3A_270 = arith.sitofp %convert_element_type3A : vector<256x256xi32> to vector<256x256xf32>
    %broadcast_in_dim3A_271 = arith.constant 1.000000e+00 : f32
    %broadcast_in_dim3A_272 = vector.broadcast %broadcast_in_dim3A_271 : f32 to vector<256x1xf32>
    %dot_general3A = arith.constant dense<0.000000e+00> : vector<256x1xf32>
    %dot_general3A_273 = tpu.matmul %convert_element_type3A_270, %broadcast_in_dim3A_272, %dot_general3A {dimension_numbers = #tpu.dot_dimension_numbers<[1], [0], [0], [1], [0, 0, 1, 1], [], []>, transpose_lhs_hint = false} : vector<256x256xf32>, vector<256x1xf32>, vector<256x1xf32> -> vector<256x1xf32>
    %convert_element_type3A_274 = arith.sitofp %iota3A : vector<1x16xi32> to vector<1x16xf32>
    %eq3A_275 = vector.broadcast %dot_general3A_273 : vector<256x1xf32> to vector<256x16xf32>
    %eq3A_276 = vector.broadcast %convert_element_type3A_274 : vector<1x16xf32> to vector<256x16xf32>
    %eq3A_277 = arith.cmpf oeq, %eq3A_275, %eq3A_276 : vector<256x16xf32>
    %convert_element_type3A_278 = arith.extui %eq3A_277 : vector<256x16xi1> to vector<256x16xi32>
    %convert_element_type3A_279 = arith.sitofp %convert_element_type3A_278 : vector<256x16xi32> to vector<256x16xf32>
    %iota3A_280 = tpu.iota {dimensions = array<i32: 1>} : vector<1x256xi32>
    %convert_element_type3A_281 = arith.sitofp %iota3A_280 : vector<1x256xi32> to vector<1x256xf32>
    %dot_general3A_282 = arith.constant dense<0.000000e+00> : vector<1x16xf32>
    %dot_general3A_283 = tpu.matmul %convert_element_type3A_281, %convert_element_type3A_279, %dot_general3A_282 {dimension_numbers = #tpu.dot_dimension_numbers<[1], [0], [0], [1], [0, 0, 1, 1], [], []>, transpose_lhs_hint = false} : vector<1x256xf32>, vector<256x16xf32>, vector<1x16xf32> -> vector<1x16xf32>
    %convert_element_type3A_284 = arith.fptosi %dot_general3A_283 : vector<1x16xf32> to vector<1x16xi32>
    %iota3A_285 = tpu.iota {dimensions = array<i32: 0>} : vector<256x1xi32>
    %iota3A_286 = tpu.iota {dimensions = array<i32: 1>} : vector<256x16xi32>
    %iota3A_287 = tpu.iota {dimensions = array<i32: 0>} : vector<256x16xi32>
    %transpose3A_288 = tpu.transpose %div3A_11, [1, 0] : vector<1x256xf32> -> vector<256x1xf32>
    %scan3A_289 = arith.constant 0 : i32
    %scan3A_290 = arith.constant 3 : i32
    %scan3A_291 = arith.addi %scan3A_289, %scan3A_290 : i32
    %scan3A_292 = arith.constant 1 : i32
    %scan3A_293 = scf.for %scan3A_304 = %scan3A_289 to %scan3A_291 step %scan3A_292 iter_args(%scan3A_305 = %convert_element_type3A_284) -> (vector<1x16xi32>)  : i32 {
      %get3A_306 = arith.constant 0 : index
      %get3A_307 = arith.constant 0 : index
      %get3A_308 = vector.load %arg6[%get3A_306, %get3A_307] : memref<256x256xf32, #tpu.memory_space<vmem>>, vector<256x256xf32>
      %eq3A_309 = vector.broadcast %iota3A_285 : vector<256x1xi32> to vector<256x16xi32>
      %eq3A_310 = vector.broadcast %scan3A_305 : vector<1x16xi32> to vector<256x16xi32>
      %eq3A_311 = arith.cmpi eq, %eq3A_309, %eq3A_310 : vector<256x16xi32>
      %convert_element_type3A_312 = arith.extui %eq3A_311 : vector<256x16xi1> to vector<256x16xi32>
      %convert_element_type3A_313 = arith.sitofp %convert_element_type3A_312 : vector<256x16xi32> to vector<256x16xf32>
      %dot_general3A_314 = arith.constant dense<0.000000e+00> : vector<256x16xf32>
      %dot_general3A_315 = tpu.matmul %get3A_308, %convert_element_type3A_313, %dot_general3A_314 {dimension_numbers = #tpu.dot_dimension_numbers<[1], [0], [0], [1], [0, 0, 1, 1], [], []>, precision = #tpu.contract_precision<fp32>, transpose_lhs_hint = false} : vector<256x256xf32>, vector<256x16xf32>, vector<256x16xf32> -> vector<256x16xf32>
      %reduce_min3A = arith.constant dense<0x7F800000> : vector<256xf32>
      %reduce_min3A_316 = vector.multi_reduction <minimumf>, %dot_general3A_315, %reduce_min3A [1] : vector<256x16xf32> to vector<256xf32>
      %broadcast_in_dim3A_317 = vector.shape_cast %reduce_min3A_316 : vector<256xf32> to vector<256x1xf32>
      %eq3A_318 = vector.broadcast %broadcast_in_dim3A_317 : vector<256x1xf32> to vector<256x16xf32>
      %eq3A_319 = arith.cmpf oeq, %dot_general3A_315, %eq3A_318 : vector<256x16xf32>
      %jit3A = arith.constant 16 : i32
      %broadcast_in_dim3A_320 = vector.broadcast %jit3A : i32 to vector<256x16xi32>
      %select_n3A = arith.select %eq3A_319, %iota3A_286, %broadcast_in_dim3A_320 : vector<256x16xi1>, vector<256x16xi32>
      %reduce_min3A_321 = arith.constant dense<2147483647> : vector<256xi32>
      %reduce_min3A_322 = vector.multi_reduction <minsi>, %select_n3A, %reduce_min3A_321 [1] : vector<256x16xi32> to vector<256xi32>
      %broadcast_in_dim3A_323 = vector.shape_cast %reduce_min3A_322 : vector<256xi32> to vector<256x1xi32>
      %eq3A_324 = vector.broadcast %broadcast_in_dim3A_323 : vector<256x1xi32> to vector<256x16xi32>
      %eq3A_325 = arith.cmpi eq, %eq3A_324, %iota3A_286 : vector<256x16xi32>
      %convert_element_type3A_326 = arith.extui %eq3A_325 : vector<256x16xi1> to vector<256x16xi32>
      %convert_element_type3A_327 = arith.sitofp %convert_element_type3A_326 : vector<256x16xi32> to vector<256x16xf32>
      %mul3A_328 = vector.broadcast %transpose3A_288 : vector<256x1xf32> to vector<256x16xf32>
      %mul3A_329 = arith.mulf %convert_element_type3A_327, %mul3A_328 : vector<256x16xf32>
      %dot_general3A_330 = arith.constant dense<0.000000e+00> : vector<256x16xf32>
      %dot_general3A_331 = tpu.matmul %get3A_308, %mul3A_329, %dot_general3A_330 {dimension_numbers = #tpu.dot_dimension_numbers<[1], [0], [0], [1], [0, 0, 1, 1], [], []>, transpose_lhs_hint = false} : vector<256x256xf32>, vector<256x16xf32>, vector<256x16xf32> -> vector<256x16xf32>
      %gt3A_332 = arith.constant 0.000000e+00 : f32
      %gt3A_333 = vector.broadcast %gt3A_332 : f32 to vector<256x16xf32>
      %gt3A_334 = arith.cmpf ogt, %convert_element_type3A_327, %gt3A_333 : vector<256x16xf32>
      %jit3A_335 = arith.constant 0x7F800000 : f32
      %broadcast_in_dim3A_336 = vector.broadcast %jit3A_335 : f32 to vector<256x16xf32>
      %select_n3A_337 = arith.select %gt3A_334, %dot_general3A_331, %broadcast_in_dim3A_336 : vector<256x16xi1>, vector<256x16xf32>
      %reduce_min3A_338 = arith.constant dense<0x7F800000> : vector<16xf32>
      %reduce_min3A_339 = vector.multi_reduction <minimumf>, %select_n3A_337, %reduce_min3A_338 [0] : vector<256x16xf32> to vector<16xf32>
      %broadcast_in_dim3A_340 = vector.shape_cast %reduce_min3A_339 : vector<16xf32> to vector<1x16xf32>
      %eq3A_341 = vector.broadcast %broadcast_in_dim3A_340 : vector<1x16xf32> to vector<256x16xf32>
      %eq3A_342 = arith.cmpf oeq, %select_n3A_337, %eq3A_341 : vector<256x16xf32>
      %jit3A_343 = arith.constant 256 : i32
      %broadcast_in_dim3A_344 = vector.broadcast %jit3A_343 : i32 to vector<256x16xi32>
      %select_n3A_345 = arith.select %eq3A_342, %iota3A_287, %broadcast_in_dim3A_344 : vector<256x16xi1>, vector<256x16xi32>
      %reduce_min3A_346 = arith.constant dense<2147483647> : vector<16xi32>
      %reduce_min3A_347 = vector.multi_reduction <minsi>, %select_n3A_345, %reduce_min3A_346 [0] : vector<256x16xi32> to vector<16xi32>
      %broadcast_in_dim3A_348 = vector.shape_cast %reduce_min3A_347 : vector<16xi32> to vector<1x16xi32>
      scf.yield %broadcast_in_dim3A_348 : vector<1x16xi32>
    }
    %mul3A_294 = arith.constant 256 : i32
    %mul3A_295 = arith.muli %arg0, %mul3A_294 : i32
    %add3A_296 = vector.broadcast %mul3A_295 : i32 to vector<1x16xi32>
    %add3A_297 = arith.addi %scan3A_293, %add3A_296 : vector<1x16xi32>
    %swap3A_298 = arith.constant 0 : index
    %swap3A_299 = arith.constant 0 : index
    %swap3A_300 = arith.constant 0 : index
    %swap3A_301 = vector.load %arg4[%swap3A_298, %swap3A_299, %swap3A_300] : memref<1x1x16xi32, #tpu.memory_space<vmem>>, vector<1x1x16xi32>
    %swap3A_302 = vector.shape_cast %swap3A_301 : vector<1x1x16xi32> to vector<1x16xi32>
    %swap3A_303 = vector.shape_cast %add3A_297 : vector<1x16xi32> to vector<1x1x16xi32>
    tpu.vector_store %arg4[%swap3A_298, %swap3A_299, %swap3A_300], %swap3A_303 {strides = array<i32>} : memref<1x1x16xi32, #tpu.memory_space<vmem>>, vector<1x1x16xi32>,
    return
  }
  func.func @transform_0(%arg0: i32) -> (i32, i32, i32) {
    %c0_i32 = arith.constant 0 : i32
    %c0_i32_0 = arith.constant 0 : i32
    %c0_i32_1 = arith.constant 0 : i32
    return %arg0, %c0_i32, %c0_i32_0 : i32, i32, i32
  }
  func.func @transform_1(%arg0: i32) -> (i32, i32, i32) {
    %c0_i32 = arith.constant 0 : i32
    %c0_i32_0 = arith.constant 0 : i32
    %c0_i32_1 = arith.constant 0 : i32
    return %arg0, %c0_i32, %c0_i32_0 : i32, i32, i32
  }
  func.func @transform_2(%arg0: i32) -> (i32, i32, i32) {
    %c0_i32 = arith.constant 0 : i32
    %c0_i32_0 = arith.constant 0 : i32
    %c0_i32_1 = arith.constant 0 : i32
    return %arg0, %c0_i32, %c0_i32_0 : i32, i32, i32
  }
  func.func @transform_3(%arg0: i32) -> (i32, i32, i32) {
    %c0_i32 = arith.constant 0 : i32
    %c0_i32_0 = arith.constant 0 : i32
    %c0_i32_1 = arith.constant 0 : i32
    return %arg0, %c0_i32, %c0_i32_0 : i32, i32, i32
  }
}

</mosaic_0001>

<sc_bundles>
// kernel: kernel.4.cloned.1.call-start
scs
__scs_entry_jumppad:
0x0: {  	(pc) =	sbr.rel $0x88, $3  }
0x1: {  	(tag) =	ssettag $0x0;
	lr =	simm.s32 $0x1  }
0x2: {  	[smem:$0x3F9F] =	sst lr;
	_ =	strace $0xD0000000  }
0x3: {  	_ = 	snop  }
0x4: {  	_ = 	snop  }
0x5: {  	_ = 	snop  }
0x6: {  	_ = 	snop  }
0x7: {  	_ = 	snop  }
__scs_overlays_trampoline_lowered:
0x8: {  	[smem:$0x3FAE] =	sst s0  }
0x9: {  	[smem:$0x3FAF] =	sst s1  }
0xa: {  	[smem:$0x3FB0] =	sst s2  }
0xb: {  	[smem:$0x3FB1] =	sst s3  }
0xc: {  	[smem:$0x3FB2] =	sst s4  }
0xd: {  	[smem:$0x3FB3] =	sst s5  }
0xe: {  	[smem:$0x3FB4] =	sst s6  }
0xf: {  	[smem:$0x3FB5] =	sst s7  }
0x10: {  	[smem:$0x3FB6] =	sst s8  }
0x11: {  	[smem:$0x3FB7] =	sst s9;
	s0 =	simm.s32 @!p0 $0x0  }
0x12: {  	s1 =	sld [smem:$0x3F9D];
	s0 =	simm.s32 @p0 $0x1  }
0x13: {  	[smem:$0x3FB8] =	sst s0;
	s0 =	simm.s32 @!p1 $0x0  }
0x14: {  	s2 =	sld [smem:$0x3F9C];
	s0 =	simm.s32 @p1 $0x1  }
0x15: {  	[smem:$0x3FB9] =	sst s0;
	s0 =	simm.s32 @!p2 $0x0  }
0x16: {  	s3 =	sld [smem:$0x3FDB];
	s0 =	simm.s32 @p2 $0x1  }
0x17: {  	s4 =	simm.s32 $0x1BF5;
	[smem:$0x3FBB] =	sst s0  }
0x18: {  	s0 =	sld [smem:$0x3F9E];
	_ =	swait.ge [sflag:s4], $0x0  }
0x19: {  	s7 =	sld [smem:$0x3F9F]  }
0x1a: {  	s8 =	sadd.s32 $0xFFFFE003, lr  }
0x1b: {  	s9 =	sadd.s32 $0xFFFFFEF7, lr;
	s5 =	simm.s32 $0xFFFFFFFF;
	p2 =	slt.u32 s8, $0xFFFFF086  }
0x1c: {  	p1 =	slt.u32 s9, $0xF7A;
	s5 =	simm.s32 @!p2 $0x0  }
0x1d: {  	s5 =	simm.s32 @p1 $0x1;
	p0 =	seq.s32 s7, s2  }
0x1e: {  	s7 =	smul.u32 @!p0 $0xF7A, s2;
	p2 =	seq.s32 @!p0 s5, $0x0  }
0x1f: {  	s9 =	smul.u32 $0xF7A, s1;
	s8 =	simm.s32 @!p0 $0x1BF5;
	p2 =	por !p2, p0  }
0x20: {  	[sflag:s8] =	ssyncset.s32 @!p0 $0xFFFFF086;
	s6 =	sadd.s32 @!p0 s3, s7;
	s7 =	simm.s32 @!p0 $0x108  }
0x21: {  	s3 =	sadd.s32 s3, s9;
	s6 =	sadd.s32 @!p0 $0x88, s6;
	s7 =	simm.s32 @p2 $0x1082  }
0x22: {  	[simem:s7], [sflag:s8] =	dma.local @!p0 [hbm:s6], $0xF7A  }
0x23: {  	s9 =	sor.u32 $0xD0000000, s2;
	s6 =	simm.s32 $0x108;
	_ =	swait.ge @!p0 [sflag:s8], $0x0  }
0x24: {  	s3 =	sadd.s32 $0x88, s3;
	s6 =	simm.s32 @!p1 $0x1082;
	[sflag:s4] =	ssyncset.s32 $0xFFFFF086  }
0x25: {  	[simem:s6], [sflag:s4] =	dma.local [hbm:s3], $0xF7A  }
0x26: {  	[smem:$0x3F9F] =	sst s1;
	(tag) =	ssettag s2;
	_ =	strace s9  }
0x27: {  	s1 =	sld [smem:$0x3FAF]  }
0x28: {  	s2 =	sld [smem:$0x3FB0]  }
0x29: {  	s4 =	sld [smem:$0x3FB2]  }
0x2a: {  	p0 =	seq.s32 s5, $0x0;
	s5 =	sld [smem:$0x3FB3]  }
0x2b: {  	s6 =	sld [smem:$0x3FB4]  }
0x2c: {  	s7 =	sld [smem:$0x3FB5]  }
0x2d: {  	s3 =	simm.s32 $0x108;
	s8 =	sld [smem:$0x3FB6]  }
0x2e: {  	s3 =	simm.s32 @!p0 $0x1082;
	s9 =	sld [smem:$0x3FB7]  }
0x2f: {  	lr =	sadd.s32 s0, s3;
	s0 =	sld [smem:$0x3FAE]  }
0x30: {  	s3 =	sld [smem:$0x3FB1]  }
0x31: {  	[smem:$0x3FBA] =	sst s10  }
0x32: {  	s10 =	sld [smem:$0x3FB8];
	_ =	sdelay $0x3  }
0x33: {  	p0 =	seq.s32 s10, $0x1;
	s10 =	sld [smem:$0x3FBA];
	_ =	sdelay $0x3  }
0x34: {  	[smem:$0x3FBA] =	sst s10  }
0x35: {  	s10 =	sld [smem:$0x3FB9];
	_ =	sdelay $0x3  }
0x36: {  	p1 =	seq.s32 s10, $0x1;
	s10 =	sld [smem:$0x3FBA];
	_ =	sdelay $0x3  }
0x37: {  	[smem:$0x3FBA] =	sst s10  }
0x38: {  	s10 =	sld [smem:$0x3FBB]  }
0x39: {  	_ = 	snop;
	(pc) =	sbr.ind lr, $3  }
0x3a: {  	_ = 	snop  }
0x3b: {  	_ = 	snop  }
0x3c: {  	p2 =	seq.s32 s10, $0x1;
	s10 =	sld [smem:$0x3FBA]  }
0x3d: {  	_ =	shalt  }
0x3e: {  	_ =	shalt  }
0x3f: {  	_ =	shalt  }
0x40: {  	_ =	shalt  }
0x41: {  	_ =	shalt  }
0x42: {  	_ =	shalt  }
0x43: {  	_ =	shalt  }
0x44: {  	_ =	shalt  }
0x45: {  	_ =	shalt  }
0x46: {  	_ =	shalt  }
0x47: {  	_ =	shalt  }
0x48: {  	_ =	shalt  }
0x49: {  	_ =	shalt  }
0x4a: {  	_ =	shalt  }
0x4b: {  	_ =	shalt  }
0x4c: {  	_ =	shalt  }
0x4d: {  	_ =	shalt  }
0x4e: {  	_ =	shalt  }
0x4f: {  	_ =	shalt  }
0x50: {  	_ =	shalt  }
0x51: {  	_ =	shalt  }
0x52: {  	_ =	shalt  }
0x53: {  	_ =	shalt  }
0x54: {  	_ =	shalt  }
0x55: {  	_ =	shalt  }
0x56: {  	_ =	shalt  }
0x57: {  	_ =	shalt  }
0x58: {  	_ =	shalt  }
0x59: {  	_ =	shalt  }
0x5a: {  	_ =	shalt  }
0x5b: {  	_ =	shalt  }
0x5c: {  	_ =	shalt  }
0x5d: {  	_ =	shalt  }
0x5e: {  	_ =	shalt  }
0x5f: {  	_ =	shalt  }
0x60: {  	_ =	shalt  }
0x61: {  	_ =	shalt  }
0x62: {  	_ =	shalt  }
0x63: {  	_ =	shalt  }
0x64: {  	_ =	shalt  }
0x65: {  	_ =	shalt  }
0x66: {  	_ =	shalt  }
0x67: {  	_ =	shalt  }
0x68: {  	_ =	shalt  }
0x69: {  	_ =	shalt  }
0x6a: {  	_ =	shalt  }
0x6b: {  	_ =	shalt  }
0x6c: {  	_ =	shalt  }
0x6d: {  	_ =	shalt  }
0x6e: {  	_ =	shalt  }
0x6f: {  	_ =	shalt  }
0x70: {  	_ =	shalt  }
0x71: {  	_ =	shalt  }
0x72: {  	_ =	shalt  }
0x73: {  	_ =	shalt  }
0x74: {  	_ =	shalt  }
0x75: {  	_ =	shalt  }
0x76: {  	_ =	shalt  }
0x77: {  	_ =	shalt  }
0x78: {  	_ =	shalt  }
0x79: {  	_ =	shalt  }
0x7a: {  	_ =	shalt  }
0x7b: {  	_ =	shalt  }
0x7c: {  	_ =	shalt  }
0x7d: {  	_ =	shalt  }
0x7e: {  	_ =	shalt  }
0x7f: {  	_ =	shalt  }
0x80: {  	_ =	shalt  }
0x81: {  	_ =	shalt  }
0x82: {  	_ =	shalt  }
0x83: {  	_ =	shalt  }
0x84: {  	_ =	shalt  }
0x85: {  	_ =	shalt  }
0x86: {  	_ =	shalt  }
0x87: {  	_ =	shalt  }
.Lfunc_end0:
.L_simem_size_0:
called_computation_lowered:
.L_overlay_start_0:
0x88: {  	s2 =	sld [smem:$0x3FD9]  }
0x89: {  	s3 =	sld [smem:$0x3FFE];
	_ =	sdelay $0x1  }
0x8a: {  	s1 =	srdreg.scid  }
0x8b: {  	s0 =	sand.u32 $0x1, s1  }
0x8c: {  	s17 =	sshll.u32 s0, $0xA;
	s2 =	sadd.s32 s3, s2  }
0x8d: {  	s2 =	sadd.s32 s2, s17  }
0x8e: {  	[smem:$0x3FC6] =	sst s2  }
0x8f: {  	_ = 	snop  }
0x90: {  	s2 =	sld [smem:$0x3FD0];
	(tm) =	ssettm $0x1  }
0x91: {  	s18 =	sld [smem:$0x3FFB];
	_ =	sdelay $0x3  }
0x92: {  	_ =	strace s18  }
0x93: {  	s3 =	sld [smem:$0x3FFC];
	_ =	sdelay $0x3  }
0x94: {  	_ =	strace s3  }
0x95: {  	s3 =	sld [smem:$0x3FFD];
	_ =	sdelay $0x3  }
0x96: {  	_ =	strace s3  }
0x97: {  	_ =	strace $0x8FFFFFFF  }
0x98: {  	s19 =	sld [smem:$0x3FDB];
	_ =	sdelay $0x1  }
0x99: {  	s4 =	simm.s32 $_scs_section_size  }
0x9a: {  	s5 =	simm.s32 $_size__tile_overlayer_lowered;
	s6 =	simm.s32 $_tile_overlayer_lowered  }
0x9b: {  	s22 =	simm.s32 $0x1BFF;
	s21 =	sshll.u32 s6, $0x1;
	s3 =	sadd.s32 s4, s19  }
0x9c: {  	s7 =	simm.s32 $0x0;
	s20 =	sshll.u32 s5, $0x1;
	s5 =	sadd.s32 s21, s3  }
0x9d: {  	[timem:s7], [sflag:s22] =	dma.local [hbm:s5], s20  }
0x9e: {  	_ =	swait.ge [sflag:s22], s20  }
0x9f: {  	s4 =	ssub.s32 $0x0, s20;
	[sflag:s22] =	ssyncset.done $0x0  }
0xa0: {  	[sflag:s22] =	ssyncadd.s32 s4;
	_ =	sdelay $0x1  }
0xa1: {  	s23 =	simm.s32 $0x1B8B  }
0xa2: {  	_ =	swait.ge [sflag:s23], $0x1  }
0xa3: {  	[sflag:s23] =	ssyncset.done $0x0  }
0xa4: {  	s25 =	simm.s32 $0x1B8E;
	s24 =	sld [smem:$0x3FFE];
	[sflag:s23] =	ssyncadd.s32 $0xFFFFFFFF  }
0xa5: {  	s26 =	simm.s32 $execute0_lowered;
	[smem:$0x3FD2] =	sst s25  }
0xa6: {  	s5 =	sshll.u32 s26, $0x1;
	_ =	strace $0x80000046;
	[dreg:$0x1] =	wrdreg $0xFFFFFFFF  }
0xa7: {  	s28 =	simm.s32 $_size_execute0_lowered;
	s3 =	sadd.s32 s3, s5;
	[dreg:$0x0] =	wrdreg $0x0  }
0xa8: {  	s5 =	sshll.u32 s28, $0x1;
	[dreg:$0x2] =	wrdreg s3  }
0xa9: {  	[dreg:$0x3] =	wrdreg s5  }
0xaa: {  	[dreg:$0x4] =	wrdreg $0xC0  }
0xab: {  	_ =	task [dreg:s7], $0x5FFFF  }
0xac: {  	[dreg:$0x1] =	wrdreg $0xFFFFFFFF  }
0xad: {  	[dreg:$0x0] =	wrdreg $0x60  }
0xae: {  	[dreg:$0x2] =	wrdreg s24  }
0xaf: {  	[dreg:$0x3] =	wrdreg s2  }
0xb0: {  	[dreg:$0x4] =	wrdreg $0x9  }
0xb1: {  	_ =	task.clear_ibuf [dreg:s7], $0x5FFFF;
	_ =	strace $0x90000046  }
0xb2: {  	s29 =	simm.s32 $0x9;
	_ =	strace $0x80000048  }
0xb3: {  	_ =	swait.ge [sflag:s29], $0x1  }
0xb4: {  	[sflag:s29] =	ssyncadd.s32 $0xFFFFFFFF  }
0xb5: {  	_ =	strace $0x90000048  }
0xb6: {  	_ =	sfence  }
0xb7: {  	s30 =	sld [smem:$0x0];
	_ =	sdelay $0x2  }
0xb8: {  	s31 =	sshll.u32 s1, $0xD;
	s1 =	sshrl.u32 s1, $0x2  }
0xb9: {  	s3 =	sand.u32 $0x4000, s31;
	s1 =	sadd.s32 s1, s30  }
0xba: {  	s0 =	sor.u32 s3, s0;
	s1 =	sshll.u32 s1, $0x11  }
0xbb: {  	s0 =	sor.u32 s1, s0  }
0xbc: {  	s0 =	sadd.s32 $0x8F2B, s0  }
0xbd: {  	[sflag:s0] =	ssyncadd.remote.s32 $0x1  }
0xbe: {  	_ =	sfence.sel $0xFFFF  }
0xbf: {  	[dreg:$0x0] =	wrdreg $0xFFFFFFFF;
	(pc) =	sbr.abs _section_cstart, $3  }
0xc0: {  	[dreg:$0x1] =	wrdreg $0xFFFFFFFF  }
0xc1: {  	_ =	task.clear_ibuf [dreg:s7], $0x2FFFF;
	_ =	strace $0x9FFFFFFF  }
0xc2: {  	(tm) =	ssettm $0x7FFFFFFF  }
0xc3: {  	_ =	shalt  }
tec
execute0_lowered:
.L_overlay_start_1:
0x0: {  	(tag) =	ssettag $0x1  }
0x1: {  	s1 =	stileid.u32  }
0x2: {  	p0 =	sgt.u32 s1, $0x1  }
.Ltmp0:
0x3: {  	_ = 	snop;
	(pc) =	sbr.rel @p0 .LBB2_4-.Ltmp0, $4  }
0x4: {  	s5 =	rddreg [dreg:$0x0]  }
0x5: {  	s9 =	rddreg [dreg:$0x1];
	s2 =	simm.s32 $0x0  }
0x6: {  	[smem:$0x7FF] =	sst s2  }
0x7: {  	s0 =	rddreg [dreg:$0x2];
	_ =	strace $0x80000047  }
0x8: {  	s3 =	srdreg.scid  }
0x9: {  	s29 =	sshll.u32 s1, $0x1;
	s6 =	sand.u32 $0x1, s3  }
0xa: {  	s10 =	sor.u32 s6, s29  }
0xb: {  	s30 =	sadd.s32 $0x4800, s5;
	s5 =	sadd.s32 $0x800, s5;
	s4 =	sshll.u32 s10, $0x1  }
0xc: {  	s3 =	simm.s32 $0x2;
	s11 =	ssub.s32 $0x2, s6;
	s4 =	sadd.s32 s30, s4  }
0xd: {  	[tilespmem:s2], [sflag:$0x2] =	stream.linear.gather [hbm4b:s4+s2], $0x10, $0x38;
	[tilespmem:$0x880] =	vst v63  }
0xe: {  	s7 =	simm.s32 $0x80;
	s12 =	sshrl.u32 s11, $0x1;
	_ =	swait.ge [sflag:s3], $0x10  }
0xf: {  	s8 =	simm.s32 $0x1;
	s11 =	ssub.s32 s11, s12;
	[sflag:s3] =	ssyncset.done $0x0  }
0x10: {  	s6 =	simm.s32 $0x10;
	s31 =	smax.u32 s11, $0x1;
	[sflag:s3] =	ssyncadd.s32 $0xFFFFFFF0  }
0x11: {  	[tilespmem:s7], [sflag:$0x1] =	stream.indirect.gather [hbm4b:s5+s6], $0x80, s2, s6, $0xb8;
	[tilespmem:$0x880] =	vst v63  }
0x12: {  	p0 =	sne.s32 s31, $0x1;
	_ =	swait.ge [sflag:s8], $0x800  }
.Ltmp1:
0x13: {  	s10 =	sshll.u32 s10, $0x8;
	[sflag:s8] =	ssyncset.done $0x0;
	(pc) =	sbr.rel @!p0 .LBB2_3-.Ltmp1, $4  }
0x14: {  	s9 =	sadd.s32 s9, s10;
	[sflag:s8] =	ssyncadd.s32 $0xFFFFF800  }
0x15: {  	[hbm4b:s9+s2] =	stream.linear.scatter [tilespmem:s7], [sflag:$0x2], $0x800, $0x38;
	[tilespmem:$0x880] =	vst v63  }
0x16: {  	_ =	swait.ge [sflag:s3], $0x800  }
0x17: {  	s10 =	sadd.s32 $0xFFFFFFFF, s31;
	[sflag:s3] =	ssyncset.done $0x0  }
.LBB2_2:
0x18: {  	p0 =	sne.s32 s10, $0x1;
	s10 =	sadd.s32 $0xFFFFFFFF, s10;
	[sflag:s3] =	ssyncadd.s32 $0xFFFFF800  }
0x19: {  	[tilespmem:s2], [sflag:$0x2] =	stream.linear.gather [hbm4b:s4+s2], $0x10, $0x38;
	[tilespmem:$0x880] =	vst v63  }
0x1a: {  	_ =	swait.ge [sflag:s3], $0x10  }
0x1b: {  	[sflag:s3] =	ssyncset.done $0x0  }
0x1c: {  	[sflag:s3] =	ssyncadd.s32 $0xFFFFFFF0  }
0x1d: {  	[tilespmem:s7], [sflag:$0x1] =	stream.indirect.gather [hbm4b:s5+s6], $0x80, s2, s6, $0xb8;
	[tilespmem:$0x880] =	vst v63  }
0x1e: {  	_ =	swait.ge [sflag:s8], $0x800  }
.Ltmp2:
0x1f: {  	[sflag:s8] =	ssyncset.done $0x0;
	(pc) =	sbr.rel @p0 .LBB2_2-.Ltmp2, $4  }
0x20: {  	[sflag:s8] =	ssyncadd.s32 $0xFFFFF800  }
0x21: {  	[hbm4b:s9+s2] =	stream.linear.scatter [tilespmem:s7], [sflag:$0x2], $0x800, $0x38;
	[tilespmem:$0x880] =	vst v63  }
0x22: {  	_ =	swait.ge [sflag:s3], $0x800  }
0x23: {  	[sflag:s3] =	ssyncset.done $0x0  }
.LBB2_3:
0x24: {  	[sflag:s3] =	ssyncadd.s32 $0xFFFFF800  }
.LBB2_4:
0x25: {  	_ =	sfence.sel $0x180000  }
0x26: {  	[bflag:$0x0] =	sbarrier.arrive $0xFFFF  }
0x27: {  	p0 =	sne.s32 s1, $0x0;
	_ =	strace $0x90000047  }
0x28: {  	s0 =	sadd.s32 @!p0 $0x100000, s0;
	[bflag:$0x2] =	sbarrier.arrive $0xFFFF  }
0x29: {  	[sflag:s0] =	ssyncadd.tile.s32 @!p0 $0x1;
	_ =	shalt  }
.Lfunc_end2:
_tile_overlayer_lowered:
.L_overlay_start_2:
0x2a: {  	(tag) =	ssettag $0x2  }
0x2b: {  	s0 =	rddreg [dreg:$0x0];
	s2 =	stileid.u32  }
0x2c: {  	s1 =	rddreg [dreg:$0x1];
	p0 =	sne.s32 s2, $0x0  }
0x2d: {  	s3 =	rddreg [dreg:$0x2];
	[bflag:$0x3] =	sbarrier.arrive $0xFFFF;
	s2 =	simm.s32 @!p0 $0x1C02  }
0x2e: {  	[timem:s3], [sflag:s2] =	dma.local @!p0 [hbm:s0], s1  }
0x2f: {  	s0 =	simm.s32 @!p0 $0x2  }
0x30: {  	_ =	swait.ge @!p0 [sflag:s0], s1  }
0x31: {  	s1 =	ssub.s32 @!p0 $0x0, s1;
	[sflag:s0] =	ssyncset.done @!p0 $0x0  }
0x32: {  	[sflag:s0] =	ssyncadd.s32 @!p0 s1  }
0x33: {  	[bflag:$0x3] =	sbarrier.arrive $0xFFFF  }
0x34: {  	_ =	shalt  }

</sc_bundles>
